<compile_context>
chip_gen: v7x
topology: tpu7x:2x2x1
jax: 0.10.2.dev20260603
libtpu: 0.0.44.dev20260713+nightly
codegen_flags: <defaults>
</compile_context>

<pallas_src>
import functools

import jax
import jax.numpy as jnp
from jax import lax
from jax.experimental import pallas as pl
from jax.experimental.pallas import tpu as pltpu
from jax.experimental.pallas import tpu_sc as plsc

_VOCAB = 100000
_SEQ = 2048
_EMBED = 128
_BATCH = 32

_NC = 2
_NS = 16
_NW = _NC * _NS
_CHUNK = 256


def _sc_gather(ids_part, table):
    nrow = ids_part.shape[0]
    per_w = nrow * _SEQ // _NW
    wpr = _NW // nrow
    nch = per_w // _CHUNK
    mesh = plsc.VectorSubcoreMesh(core_axis_name="c", subcore_axis_name="s")

    @functools.partial(
        pl.kernel,
        mesh=mesh,
        out_type=jax.ShapeDtypeStruct((nrow, _SEQ, _EMBED), jnp.float32),
        scratch_types=[
            pltpu.VMEM((per_w,), jnp.int32),
            pltpu.VMEM((_CHUNK, _EMBED), jnp.float32),
            pltpu.VMEM((_CHUNK, _EMBED), jnp.float32),
            pltpu.VMEM((_CHUNK, _EMBED), jnp.float32),
            pltpu.SemaphoreType.DMA,
            pltpu.SemaphoreType.DMA,
            pltpu.SemaphoreType.DMA,
            pltpu.SemaphoreType.DMA,
            pltpu.SemaphoreType.DMA,
            pltpu.SemaphoreType.DMA,
        ],
    )
    def k(ids_hbm, table_hbm, out_hbm, idx_v, rows0, rows1, rows2,
          g0, g1, g2s, o0, o1, o2):
        wid = lax.axis_index("s") * _NC + lax.axis_index("c")
        row = wid // wpr
        base = (wid % wpr) * per_w
        rows = (rows0, rows1, rows2)
        gsem = (g0, g1, g2s)
        osem = (o0, o1, o2)
        pltpu.sync_copy(ids_hbm.at[row, pl.ds(base, per_w)], idx_v)

        def gather(c):
            b = c % 3
            pltpu.async_copy(
                table_hbm.at[idx_v.at[pl.ds(c * _CHUNK, _CHUNK)]],
                rows[b], gsem[b])

        def writeout(c):
            b = c % 3
            pltpu.async_copy(
                rows[b], out_hbm.at[row, pl.ds(base + c * _CHUNK, _CHUNK)],
                osem[b])

        def wait_gather(b):
            pltpu.make_async_copy(table_hbm.at[idx_v.at[pl.ds(0, _CHUNK)]],
                                  rows[b], gsem[b]).wait()

        def wait_writeout(b):
            pltpu.make_async_copy(
                rows[b], out_hbm.at[row, pl.ds(0, _CHUNK)], osem[b]).wait()

        gather(0)
        if nch > 1:
            gather(1)
        for c in range(nch):
            b = c % 3
            wait_gather(b)
            if c + 2 < nch:
                b2 = (c + 2) % 3
                if c >= 1:
                    wait_writeout(b2)
                gather(c + 2)
            writeout(c)
        for c in range(max(0, nch - 3), nch):
            wait_writeout(c % 3)

    return k(ids_part, table)


_PANEL = 128


def _make_tc_body(nrow, row_off, with_prev):
    def body(*refs):
        if with_prev:
            (tok_ref, segt_ref, pos_ref, st_ref, g_ref, b_ref,
             _prev_ref, out_ref) = refs
        else:
            (tok_ref, segt_ref, pos_ref, st_ref, g_ref, b_ref,
             out_ref) = refs
        ib = pl.program_id(0) + row_off
        s0 = st_ref[0:1, :]
        d = st_ref[1:2, :] - s0
        a = jnp.full((_EMBED, _EMBED), 1.0 / _EMBED, dtype=jnp.bfloat16)
        g = g_ref[...]
        b = b_ref[...]
        lane = lax.broadcasted_iota(jnp.int32, (1, _BATCH), 1)
        oneh = (lane == ib).astype(jnp.float32)
        for i in range(_SEQ // _PANEL):
            sl = pl.ds(i * _PANEL, _PANEL)
            segc = jnp.sum(segt_ref[sl, :] * oneh, axis=1, keepdims=True)
            x = tok_ref[0, sl, :] + pos_ref[sl, :] + (s0 + segc * d)
            xb = x.astype(jnp.bfloat16)
            x2b = xb * xb
            mu = jnp.dot(xb, a, preferred_element_type=jnp.float32)
            msq = jnp.dot(x2b, a, preferred_element_type=jnp.float32)
            rstd = lax.rsqrt(msq - mu * mu + 1e-5)
            out_ref[0, sl, :] = (x - mu) * (rstd * g) + b
    return body


def _tc_part(tok_part, seg_t, position_table, segment_table, g2, b2,
             row_off, prev):
    nrow = tok_part.shape[0]
    in_specs = [
        pl.BlockSpec((1, _SEQ, _EMBED), lambda i: (i, 0, 0)),
        pl.BlockSpec((_SEQ, _BATCH), lambda i: (0, 0)),
        pl.BlockSpec((_SEQ, _EMBED), lambda i: (0, 0)),
        pl.BlockSpec((2, _EMBED), lambda i: (0, 0)),
        pl.BlockSpec((1, _EMBED), lambda i: (0, 0)),
        pl.BlockSpec((1, _EMBED), lambda i: (0, 0)),
    ]
    args = [tok_part, seg_t, position_table, segment_table, g2, b2]
    aliases = {}
    if prev is not None:
        in_specs.append(pl.BlockSpec(memory_space=pl.ANY))
        args.append(prev)
        aliases = {6: 0}
    return pl.pallas_call(
        _make_tc_body(nrow, row_off, prev is not None),
        grid=(nrow,),
        in_specs=in_specs,
        out_specs=pl.BlockSpec((1, _SEQ, _EMBED),
                               lambda i: (i + row_off, 0, 0)),
        out_shape=jax.ShapeDtypeStruct((_BATCH, _SEQ, _EMBED), jnp.float32),
        input_output_aliases=aliases,
    )(*args)


_NSPLIT = 2


def kernel(input_ids, segment_ids, token_table, position_table, segment_table,
           ln_gamma, ln_beta):
    ids = input_ids.astype(jnp.int32)
    seg_t = segment_ids.astype(jnp.float32).T
    g2 = jnp.reshape(ln_gamma, (1, _EMBED))
    b2 = jnp.reshape(ln_beta, (1, _EMBED))
    h = _BATCH // _NSPLIT
    toks = [_sc_gather(ids[i * h:(i + 1) * h], token_table)
            for i in range(_NSPLIT)]
    out = None
    for i in range(_NSPLIT):
        out = _tc_part(toks[i], seg_t, position_table, segment_table,
                       g2, b2, i * h, out)
    return out

# --- scband reference (transcript-rebuilt; emitter-appended) ---
"""Pipeline reference for scband-embedding-76647986364732 (READ-ONLY COPY).

The authoritative reference and input builder live on the scoring server;
editing this copy changes nothing except your own understanding.
"""

import jax, jax.numpy as jnp
import numpy as np

VOCAB = 100000
TYPE_VOCAB = 2
SEQ_LEN = 2048
EMBED = 128
BATCH = 32


def setup_inputs(seed: int = 0) -> dict:
    key = jax.random.key(seed)
    k1, k2, k3, k4, k5 = jax.random.split(key, 5)
    input_ids = jax.random.randint(k1, (BATCH, SEQ_LEN), 0, VOCAB, dtype=jnp.int64 if jax.config.jax_enable_x64 else jnp.int32)
    segment_ids = jax.random.randint(k2, (BATCH, SEQ_LEN), 0, TYPE_VOCAB, dtype=jnp.int64 if jax.config.jax_enable_x64 else jnp.int32)
    token_table = jax.random.normal(k3, (VOCAB, EMBED), dtype=jnp.float32)
    position_table = jax.random.normal(k4, (SEQ_LEN, EMBED), dtype=jnp.float32)
    segment_table = jax.random.normal(k5, (TYPE_VOCAB, EMBED), dtype=jnp.float32)
    ln_gamma = jnp.ones((EMBED,), dtype=jnp.float32)
    ln_beta = jnp.zeros((EMBED,), dtype=jnp.float32)
    return {
        "input_ids": input_ids,
        "segment_ids": segment_ids,
        "token_table": token_table,
        "position_table": position_table,
        "segment_table": segment_table,
        "ln_gamma": ln_gamma,
        "ln_beta": ln_beta,
    }


def _layer_norm(x, gamma, beta, eps=1e-5):
    mean = jnp.mean(x, axis=-1, keepdims=True)
    var = jnp.var(x, axis=-1, keepdims=True)
    return (x - mean) / jnp.sqrt(var + eps) * gamma + beta


def reference(input_ids, segment_ids, token_table, position_table, segment_table, ln_gamma, ln_beta):
    seq_length = input_ids.shape[1]
    position_ids = jnp.arange(seq_length, dtype=input_ids.dtype)[None, :]
    tok = jnp.take(token_table, input_ids, axis=0)
    pos = jnp.take(position_table, position_ids, axis=0)
    seg = jnp.take(segment_table, segment_ids, axis=0)
    embeddings = tok + pos + seg
    # dropout is identity in eval mode (deterministic reference)
    return _layer_norm(embeddings, ln_gamma, ln_beta)

if __name__ == "__main__":
    import jax
    _d = setup_inputs()
    print(jax.jit(kernel)(*tuple(_d.values())))

</pallas_src>

<mosaic_0001>
#map = affine_map<(d0, d1) -> (0, 0)>
#map1 = affine_map<(d0, d1) -> (0, 0, 0)>
module attributes {stable_mosaic.version = 14 : i64} {
  func.func @k(%arg0: i32, %arg1: i32, %arg2: memref<16x2048xi32, #tpu.memory_space<hbm>>, %arg3: memref<100000x128xf32, #tpu.memory_space<hbm>>, %arg4: memref<16x2048x128xf32, #tpu.memory_space<hbm>>, %arg5: memref<1024xi32, #tpu.memory_space<vmem>>, %arg6: memref<256x128xf32, #tpu.memory_space<vmem>>, %arg7: memref<256x128xf32, #tpu.memory_space<vmem>>, %arg8: memref<256x128xf32, #tpu.memory_space<vmem>>, %arg9: memref<!tpu.dma_semaphore, #tpu.memory_space<semaphore_mem>>, %arg10: memref<!tpu.dma_semaphore, #tpu.memory_space<semaphore_mem>>, %arg11: memref<!tpu.dma_semaphore, #tpu.memory_space<semaphore_mem>>, %arg12: memref<!tpu.dma_semaphore, #tpu.memory_space<semaphore_mem>>, %arg13: memref<!tpu.dma_semaphore, #tpu.memory_space<semaphore_mem>>, %arg14: memref<!tpu.dma_semaphore, #tpu.memory_space<semaphore_mem>>) attributes {dimension_semantics = [#tpu.dimension_semantics<core_parallel>, #tpu.dimension_semantics<subcore_parallel>], iteration_bounds = array<i64: 2, 16>, scalar_prefetch = 0 : i64, scratch_operands = 10 : i64, tpu.core_type = #tpu.core_type<sc_vector_subcore>, window_params = [{transform_indices = #map}, {transform_indices = #map}, {transform_indices = #map1}]} {
    %mul3A = arith.constant 2 : i32
    %mul3A_0 = arith.muli %arg1, %mul3A : i32
    %add3A = arith.addi %mul3A_0, %arg0 : i32
    %jit3A = arith.constant 2 : i32
    %div3A = arith.divsi %add3A, %jit3A : i32
    %sign3A = arith.constant 0 : i32
    %sign3A_1 = arith.cmpi sgt, %add3A, %sign3A : i32
    %sign3A_2 = arith.extui %sign3A_1 : i1 to i32
    %sign3A_3 = arith.constant 0 : i32
    %sign3A_4 = arith.cmpi slt, %add3A, %sign3A_3 : i32
    %sign3A_5 = arith.extui %sign3A_4 : i1 to i32
    %sign3A_6 = arith.subi %sign3A_2, %sign3A_5 : i32
    %sign3A_7 = arith.constant 0 : i32
    %sign3A_8 = arith.cmpi sgt, %jit3A, %sign3A_7 : i32
    %sign3A_9 = arith.extui %sign3A_8 : i1 to i32
    %sign3A_10 = arith.constant 0 : i32
    %sign3A_11 = arith.cmpi slt, %jit3A, %sign3A_10 : i32
    %sign3A_12 = arith.extui %sign3A_11 : i1 to i32
    %sign3A_13 = arith.subi %sign3A_9, %sign3A_12 : i32
    %ne3A = arith.cmpi ne, %sign3A_6, %sign3A_13 : i32
    %rem3A = arith.remsi %add3A, %jit3A : i32
    %ne3A_14 = arith.constant 0 : i32
    %ne3A_15 = arith.cmpi ne, %rem3A, %ne3A_14 : i32
    %and3A = arith.andi %ne3A, %ne3A_15 : i1
    %sub3A = arith.constant 1 : i32
    %sub3A_16 = arith.subi %div3A, %sub3A : i32
    %select_n3A = arith.select %and3A, %sub3A_16, %div3A : i32
    %jit3A_17 = arith.constant 2 : i32
    %eq3A = arith.constant 0 : i32
    %eq3A_18 = arith.cmpi eq, %jit3A_17, %eq3A : i32
    %jit3A_19 = arith.constant 1 : i32
    %select_n3A_20 = arith.select %eq3A_18, %jit3A_19, %jit3A_17 : i32
    %rem3A_21 = arith.remsi %add3A, %select_n3A_20 : i32
    %ne3A_22 = arith.constant 0 : i32
    %ne3A_23 = arith.cmpi ne, %rem3A_21, %ne3A_22 : i32
    %lt3A = arith.constant 0 : i32
    %lt3A_24 = arith.cmpi slt, %rem3A_21, %lt3A : i32
    %lt3A_25 = arith.constant 0 : i32
    %lt3A_26 = arith.cmpi slt, %select_n3A_20, %lt3A_25 : i32
    %ne3A_27 = arith.xori %lt3A_24, %lt3A_26 : i1
    %and3A_28 = arith.andi %ne3A_27, %ne3A_23 : i1
    %add3A_29 = arith.addi %rem3A_21, %select_n3A_20 : i32
    %select_n3A_30 = arith.select %and3A_28, %add3A_29, %rem3A_21 : i32
    %mul3A_31 = arith.constant 1024 : i32
    %mul3A_32 = arith.muli %select_n3A_30, %mul3A_31 : i32
    "tpu.region"() ({
      %run_scoped3A = tpu.sem_alloc : memref<!tpu.dma_semaphore, #tpu.memory_space<semaphore_mem>>
      %dma_start3A_135 = tpu.memref_slice %arg2[%select_n3A, %mul3A_32] : memref<16x2048xi32, #tpu.memory_space<hbm>> -> memref<1x1024xi32, #tpu.memory_space<hbm>>
      %dma_start3A_136 = tpu.memref_squeeze %dma_start3A_135 : memref<1x1024xi32, #tpu.memory_space<hbm>> -> memref<1024xi32, #tpu.memory_space<hbm>>
      %dma_start3A_137 = tpu.memref_slice %arg2[%select_n3A, %mul3A_32] : memref<16x2048xi32, #tpu.memory_space<hbm>> -> memref<1x1024xi32, #tpu.memory_space<hbm>>
      %dma_start3A_138 = tpu.memref_squeeze %dma_start3A_137 : memref<1x1024xi32, #tpu.memory_space<hbm>> -> memref<1024xi32, #tpu.memory_space<hbm>>
      tpu.enqueue_dma source(%dma_start3A_138 : memref<1024xi32, #tpu.memory_space<hbm>>) target(%arg5 : memref<1024xi32, #tpu.memory_space<vmem>>) target_semaphore(%run_scoped3A : memref<!tpu.dma_semaphore, #tpu.memory_space<semaphore_mem>>)
      %dma_wait3A_139 = tpu.memref_slice %arg2[%select_n3A, %mul3A_32] : memref<16x2048xi32, #tpu.memory_space<hbm>> -> memref<1x1024xi32, #tpu.memory_space<hbm>>
      %dma_wait3A_140 = tpu.memref_squeeze %dma_wait3A_139 : memref<1x1024xi32, #tpu.memory_space<hbm>> -> memref<1024xi32, #tpu.memory_space<hbm>>
      %dma_wait3A_141 = tpu.memref_slice %arg2[%select_n3A, %mul3A_32] : memref<16x2048xi32, #tpu.memory_space<hbm>> -> memref<1x1024xi32, #tpu.memory_space<hbm>>
      %dma_wait3A_142 = tpu.memref_squeeze %dma_wait3A_141 : memref<1x1024xi32, #tpu.memory_space<hbm>> -> memref<1024xi32, #tpu.memory_space<hbm>>
      tpu.wait_dma2 semaphore(%run_scoped3A : memref<!tpu.dma_semaphore, #tpu.memory_space<semaphore_mem>>) src(%dma_wait3A_142 : memref<1024xi32, #tpu.memory_space<hbm>>) dst(%arg5 : memref<1024xi32, #tpu.memory_space<vmem>>)
      tpu.yield
    }) : () -> ()
    %dma_start3A = arith.constant 0 : i32
    %dma_start3A_33 = tpu.memref_slice %arg5[%dma_start3A] : memref<1024xi32, #tpu.memory_space<vmem>> -> memref<256xi32, #tpu.memory_space<vmem>>
    %dma_start3A_34 = arith.constant 0 : i32
    %dma_start3A_35 = arith.constant 0 : i32
    %dma_start3A_36 = tpu.memref_slice %arg3[%dma_start3A_34, %dma_start3A_35] : memref<100000x128xf32, #tpu.memory_space<hbm>> -> memref<100000x128xf32, #tpu.memory_space<hbm>>
    tpu.enqueue_indirect_dma source(%dma_start3A_36 : memref<100000x128xf32, #tpu.memory_space<hbm>>) target(%arg6 : memref<256x128xf32, #tpu.memory_space<vmem>>) offsets(%dma_start3A_33 : memref<256xi32, #tpu.memory_space<vmem>>) semaphore(%arg9 : memref<!tpu.dma_semaphore, #tpu.memory_space<semaphore_mem>>)
    %dma_start3A_37 = arith.constant 256 : i32
    %dma_start3A_38 = tpu.memref_slice %arg5[%dma_start3A_37] : memref<1024xi32, #tpu.memory_space<vmem>> -> memref<256xi32, #tpu.memory_space<vmem>>
    %dma_start3A_39 = arith.constant 0 : i32
    %dma_start3A_40 = arith.constant 0 : i32
    %dma_start3A_41 = tpu.memref_slice %arg3[%dma_start3A_39, %dma_start3A_40] : memref<100000x128xf32, #tpu.memory_space<hbm>> -> memref<100000x128xf32, #tpu.memory_space<hbm>>
    tpu.enqueue_indirect_dma source(%dma_start3A_41 : memref<100000x128xf32, #tpu.memory_space<hbm>>) target(%arg7 : memref<256x128xf32, #tpu.memory_space<vmem>>) offsets(%dma_start3A_38 : memref<256xi32, #tpu.memory_space<vmem>>) semaphore(%arg10 : memref<!tpu.dma_semaphore, #tpu.memory_space<semaphore_mem>>)
    %dma_wait3A = arith.constant 0 : i32
    %dma_wait3A_42 = tpu.memref_slice %arg5[%dma_wait3A] : memref<1024xi32, #tpu.memory_space<vmem>> -> memref<256xi32, #tpu.memory_space<vmem>>
    %dma_wait3A_43 = arith.constant 0 : i32
    %dma_wait3A_44 = arith.constant 0 : i32
    %dma_wait3A_45 = tpu.memref_slice %arg3[%dma_wait3A_43, %dma_wait3A_44] : memref<100000x128xf32, #tpu.memory_space<hbm>> -> memref<100000x128xf32, #tpu.memory_space<hbm>>
    tpu.wait_indirect_dma semaphore(%arg9 : memref<!tpu.dma_semaphore, #tpu.memory_space<semaphore_mem>>) src(%dma_wait3A_45 : memref<100000x128xf32, #tpu.memory_space<hbm>>) dst(%arg6 : memref<256x128xf32, #tpu.memory_space<vmem>>)
    %dma_start3A_46 = arith.constant 512 : i32
    %dma_start3A_47 = tpu.memref_slice %arg5[%dma_start3A_46] : memref<1024xi32, #tpu.memory_space<vmem>> -> memref<256xi32, #tpu.memory_space<vmem>>
    %dma_start3A_48 = arith.constant 0 : i32
    %dma_start3A_49 = arith.constant 0 : i32
    %dma_start3A_50 = tpu.memref_slice %arg3[%dma_start3A_48, %dma_start3A_49] : memref<100000x128xf32, #tpu.memory_space<hbm>> -> memref<100000x128xf32, #tpu.memory_space<hbm>>
    tpu.enqueue_indirect_dma source(%dma_start3A_50 : memref<100000x128xf32, #tpu.memory_space<hbm>>) target(%arg8 : memref<256x128xf32, #tpu.memory_space<vmem>>) offsets(%dma_start3A_47 : memref<256xi32, #tpu.memory_space<vmem>>) semaphore(%arg11 : memref<!tpu.dma_semaphore, #tpu.memory_space<semaphore_mem>>)
    %add3A_51 = arith.constant 0 : i32
    %add3A_52 = arith.addi %mul3A_32, %add3A_51 : i32
    %dma_start3A_53 = arith.constant 0 : i32
    %dma_start3A_54 = tpu.memref_slice %arg4[%select_n3A, %add3A_52, %dma_start3A_53] : memref<16x2048x128xf32, #tpu.memory_space<hbm>> -> memref<1x256x128xf32, #tpu.memory_space<hbm>>
    %dma_start3A_55 = tpu.memref_squeeze %dma_start3A_54 : memref<1x256x128xf32, #tpu.memory_space<hbm>> -> memref<256x128xf32, #tpu.memory_space<hbm>>
    %dma_start3A_56 = arith.constant 0 : i32
    %dma_start3A_57 = tpu.memref_slice %arg4[%select_n3A, %add3A_52, %dma_start3A_56] : memref<16x2048x128xf32, #tpu.memory_space<hbm>> -> memref<1x256x128xf32, #tpu.memory_space<hbm>>
    %dma_start3A_58 = tpu.memref_squeeze %dma_start3A_57 : memref<1x256x128xf32, #tpu.memory_space<hbm>> -> memref<256x128xf32, #tpu.memory_space<hbm>>
    tpu.enqueue_dma source(%arg6 : memref<256x128xf32, #tpu.memory_space<vmem>>) target(%dma_start3A_58 : memref<256x128xf32, #tpu.memory_space<hbm>>) target_semaphore(%arg12 : memref<!tpu.dma_semaphore, #tpu.memory_space<semaphore_mem>>)
    %dma_wait3A_59 = arith.constant 0 : i32
    %dma_wait3A_60 = tpu.memref_slice %arg5[%dma_wait3A_59] : memref<1024xi32, #tpu.memory_space<vmem>> -> memref<256xi32, #tpu.memory_space<vmem>>
    %dma_wait3A_61 = arith.constant 0 : i32
    %dma_wait3A_62 = arith.constant 0 : i32
    %dma_wait3A_63 = tpu.memref_slice %arg3[%dma_wait3A_61, %dma_wait3A_62] : memref<100000x128xf32, #tpu.memory_space<hbm>> -> memref<100000x128xf32, #tpu.memory_space<hbm>>
    tpu.wait_indirect_dma semaphore(%arg10 : memref<!tpu.dma_semaphore, #tpu.memory_space<semaphore_mem>>) src(%dma_wait3A_63 : memref<100000x128xf32, #tpu.memory_space<hbm>>) dst(%arg7 : memref<256x128xf32, #tpu.memory_space<vmem>>)
    %dma_wait3A_64 = arith.constant 0 : i32
    %dma_wait3A_65 = arith.constant 0 : i32
    %dma_wait3A_66 = tpu.memref_slice %arg4[%select_n3A, %dma_wait3A_64, %dma_wait3A_65] : memref<16x2048x128xf32, #tpu.memory_space<hbm>> -> memref<1x256x128xf32, #tpu.memory_space<hbm>>
    %dma_wait3A_67 = tpu.memref_squeeze %dma_wait3A_66 : memref<1x256x128xf32, #tpu.memory_space<hbm>> -> memref<256x128xf32, #tpu.memory_space<hbm>>
    %dma_wait3A_68 = arith.constant 0 : i32
    %dma_wait3A_69 = arith.constant 0 : i32
    %dma_wait3A_70 = tpu.memref_slice %arg4[%select_n3A, %dma_wait3A_68, %dma_wait3A_69] : memref<16x2048x128xf32, #tpu.memory_space<hbm>> -> memref<1x256x128xf32, #tpu.memory_space<hbm>>
    %dma_wait3A_71 = tpu.memref_squeeze %dma_wait3A_70 : memref<1x256x128xf32, #tpu.memory_space<hbm>> -> memref<256x128xf32, #tpu.memory_space<hbm>>
    tpu.wait_dma2 semaphore(%arg12 : memref<!tpu.dma_semaphore, #tpu.memory_space<semaphore_mem>>) src(%arg6 : memref<256x128xf32, #tpu.memory_space<vmem>>) dst(%dma_wait3A_71 : memref<256x128xf32, #tpu.memory_space<hbm>>)
    %dma_start3A_72 = arith.constant 768 : i32
    %dma_start3A_73 = tpu.memref_slice %arg5[%dma_start3A_72] : memref<1024xi32, #tpu.memory_space<vmem>> -> memref<256xi32, #tpu.memory_space<vmem>>
    %dma_start3A_74 = arith.constant 0 : i32
    %dma_start3A_75 = arith.constant 0 : i32
    %dma_start3A_76 = tpu.memref_slice %arg3[%dma_start3A_74, %dma_start3A_75] : memref<100000x128xf32, #tpu.memory_space<hbm>> -> memref<100000x128xf32, #tpu.memory_space<hbm>>
    tpu.enqueue_indirect_dma source(%dma_start3A_76 : memref<100000x128xf32, #tpu.memory_space<hbm>>) target(%arg6 : memref<256x128xf32, #tpu.memory_space<vmem>>) offsets(%dma_start3A_73 : memref<256xi32, #tpu.memory_space<vmem>>) semaphore(%arg9 : memref<!tpu.dma_semaphore, #tpu.memory_space<semaphore_mem>>)
    %add3A_77 = arith.constant 256 : i32
    %add3A_78 = arith.addi %mul3A_32, %add3A_77 : i32
    %dma_start3A_79 = arith.constant 0 : i32
    %dma_start3A_80 = tpu.memref_slice %arg4[%select_n3A, %add3A_78, %dma_start3A_79] : memref<16x2048x128xf32, #tpu.memory_space<hbm>> -> memref<1x256x128xf32, #tpu.memory_space<hbm>>
    %dma_start3A_81 = tpu.memref_squeeze %dma_start3A_80 : memref<1x256x128xf32, #tpu.memory_space<hbm>> -> memref<256x128xf32, #tpu.memory_space<hbm>>
    %dma_start3A_82 = arith.constant 0 : i32
    %dma_start3A_83 = tpu.memref_slice %arg4[%select_n3A, %add3A_78, %dma_start3A_82] : memref<16x2048x128xf32, #tpu.memory_space<hbm>> -> memref<1x256x128xf32, #tpu.memory_space<hbm>>
    %dma_start3A_84 = tpu.memref_squeeze %dma_start3A_83 : memref<1x256x128xf32, #tpu.memory_space<hbm>> -> memref<256x128xf32, #tpu.memory_space<hbm>>
    tpu.enqueue_dma source(%arg7 : memref<256x128xf32, #tpu.memory_space<vmem>>) target(%dma_start3A_84 : memref<256x128xf32, #tpu.memory_space<hbm>>) target_semaphore(%arg13 : memref<!tpu.dma_semaphore, #tpu.memory_space<semaphore_mem>>)
    %dma_wait3A_85 = arith.constant 0 : i32
    %dma_wait3A_86 = tpu.memref_slice %arg5[%dma_wait3A_85] : memref<1024xi32, #tpu.memory_space<vmem>> -> memref<256xi32, #tpu.memory_space<vmem>>
    %dma_wait3A_87 = arith.constant 0 : i32
    %dma_wait3A_88 = arith.constant 0 : i32
    %dma_wait3A_89 = tpu.memref_slice %arg3[%dma_wait3A_87, %dma_wait3A_88] : memref<100000x128xf32, #tpu.memory_space<hbm>> -> memref<100000x128xf32, #tpu.memory_space<hbm>>
    tpu.wait_indirect_dma semaphore(%arg11 : memref<!tpu.dma_semaphore, #tpu.memory_space<semaphore_mem>>) src(%dma_wait3A_89 : memref<100000x128xf32, #tpu.memory_space<hbm>>) dst(%arg8 : memref<256x128xf32, #tpu.memory_space<vmem>>)
    %add3A_90 = arith.constant 512 : i32
    %add3A_91 = arith.addi %mul3A_32, %add3A_90 : i32
    %dma_start3A_92 = arith.constant 0 : i32
    %dma_start3A_93 = tpu.memref_slice %arg4[%select_n3A, %add3A_91, %dma_start3A_92] : memref<16x2048x128xf32, #tpu.memory_space<hbm>> -> memref<1x256x128xf32, #tpu.memory_space<hbm>>
    %dma_start3A_94 = tpu.memref_squeeze %dma_start3A_93 : memref<1x256x128xf32, #tpu.memory_space<hbm>> -> memref<256x128xf32, #tpu.memory_space<hbm>>
    %dma_start3A_95 = arith.constant 0 : i32
    %dma_start3A_96 = tpu.memref_slice %arg4[%select_n3A, %add3A_91, %dma_start3A_95] : memref<16x2048x128xf32, #tpu.memory_space<hbm>> -> memref<1x256x128xf32, #tpu.memory_space<hbm>>
    %dma_start3A_97 = tpu.memref_squeeze %dma_start3A_96 : memref<1x256x128xf32, #tpu.memory_space<hbm>> -> memref<256x128xf32, #tpu.memory_space<hbm>>
    tpu.enqueue_dma source(%arg8 : memref<256x128xf32, #tpu.memory_space<vmem>>) target(%dma_start3A_97 : memref<256x128xf32, #tpu.memory_space<hbm>>) target_semaphore(%arg14 : memref<!tpu.dma_semaphore, #tpu.memory_space<semaphore_mem>>)
    %dma_wait3A_98 = arith.constant 0 : i32
    %dma_wait3A_99 = tpu.memref_slice %arg5[%dma_wait3A_98] : memref<1024xi32, #tpu.memory_space<vmem>> -> memref<256xi32, #tpu.memory_space<vmem>>
    %dma_wait3A_100 = arith.constant 0 : i32
    %dma_wait3A_101 = arith.constant 0 : i32
    %dma_wait3A_102 = tpu.memref_slice %arg3[%dma_wait3A_100, %dma_wait3A_101] : memref<100000x128xf32, #tpu.memory_space<hbm>> -> memref<100000x128xf32, #tpu.memory_space<hbm>>
    tpu.wait_indirect_dma semaphore(%arg9 : memref<!tpu.dma_semaphore, #tpu.memory_space<semaphore_mem>>) src(%dma_wait3A_102 : memref<100000x128xf32, #tpu.memory_space<hbm>>) dst(%arg6 : memref<256x128xf32, #tpu.memory_space<vmem>>)
    %add3A_103 = arith.constant 768 : i32
    %add3A_104 = arith.addi %mul3A_32, %add3A_103 : i32
    %dma_start3A_105 = arith.constant 0 : i32
    %dma_start3A_106 = tpu.memref_slice %arg4[%select_n3A, %add3A_104, %dma_start3A_105] : memref<16x2048x128xf32, #tpu.memory_space<hbm>> -> memref<1x256x128xf32, #tpu.memory_space<hbm>>
    %dma_start3A_107 = tpu.memref_squeeze %dma_start3A_106 : memref<1x256x128xf32, #tpu.memory_space<hbm>> -> memref<256x128xf32, #tpu.memory_space<hbm>>
    %dma_start3A_108 = arith.constant 0 : i32
    %dma_start3A_109 = tpu.memref_slice %arg4[%select_n3A, %add3A_104, %dma_start3A_108] : memref<16x2048x128xf32, #tpu.memory_space<hbm>> -> memref<1x256x128xf32, #tpu.memory_space<hbm>>
    %dma_start3A_110 = tpu.memref_squeeze %dma_start3A_109 : memref<1x256x128xf32, #tpu.memory_space<hbm>> -> memref<256x128xf32, #tpu.memory_space<hbm>>
    tpu.enqueue_dma source(%arg6 : memref<256x128xf32, #tpu.memory_space<vmem>>) target(%dma_start3A_110 : memref<256x128xf32, #tpu.memory_space<hbm>>) target_semaphore(%arg12 : memref<!tpu.dma_semaphore, #tpu.memory_space<semaphore_mem>>)
    %dma_wait3A_111 = arith.constant 0 : i32
    %dma_wait3A_112 = arith.constant 0 : i32
    %dma_wait3A_113 = tpu.memref_slice %arg4[%select_n3A, %dma_wait3A_111, %dma_wait3A_112] : memref<16x2048x128xf32, #tpu.memory_space<hbm>> -> memref<1x256x128xf32, #tpu.memory_space<hbm>>
    %dma_wait3A_114 = tpu.memref_squeeze %dma_wait3A_113 : memref<1x256x128xf32, #tpu.memory_space<hbm>> -> memref<256x128xf32, #tpu.memory_space<hbm>>
    %dma_wait3A_115 = arith.constant 0 : i32
    %dma_wait3A_116 = arith.constant 0 : i32
    %dma_wait3A_117 = tpu.memref_slice %arg4[%select_n3A, %dma_wait3A_115, %dma_wait3A_116] : memref<16x2048x128xf32, #tpu.memory_space<hbm>> -> memref<1x256x128xf32, #tpu.memory_space<hbm>>
    %dma_wait3A_118 = tpu.memref_squeeze %dma_wait3A_117 : memref<1x256x128xf32, #tpu.memory_space<hbm>> -> memref<256x128xf32, #tpu.memory_space<hbm>>
    tpu.wait_dma2 semaphore(%arg13 : memref<!tpu.dma_semaphore, #tpu.memory_space<semaphore_mem>>) src(%arg7 : memref<256x128xf32, #tpu.memory_space<vmem>>) dst(%dma_wait3A_118 : memref<256x128xf32, #tpu.memory_space<hbm>>)
    %dma_wait3A_119 = arith.constant 0 : i32
    %dma_wait3A_120 = arith.constant 0 : i32
    %dma_wait3A_121 = tpu.memref_slice %arg4[%select_n3A, %dma_wait3A_119, %dma_wait3A_120] : memref<16x2048x128xf32, #tpu.memory_space<hbm>> -> memref<1x256x128xf32, #tpu.memory_space<hbm>>
    %dma_wait3A_122 = tpu.memref_squeeze %dma_wait3A_121 : memref<1x256x128xf32, #tpu.memory_space<hbm>> -> memref<256x128xf32, #tpu.memory_space<hbm>>
    %dma_wait3A_123 = arith.constant 0 : i32
    %dma_wait3A_124 = arith.constant 0 : i32
    %dma_wait3A_125 = tpu.memref_slice %arg4[%select_n3A, %dma_wait3A_123, %dma_wait3A_124] : memref<16x2048x128xf32, #tpu.memory_space<hbm>> -> memref<1x256x128xf32, #tpu.memory_space<hbm>>
    %dma_wait3A_126 = tpu.memref_squeeze %dma_wait3A_125 : memref<1x256x128xf32, #tpu.memory_space<hbm>> -> memref<256x128xf32, #tpu.memory_space<hbm>>
    tpu.wait_dma2 semaphore(%arg14 : memref<!tpu.dma_semaphore, #tpu.memory_space<semaphore_mem>>) src(%arg8 : memref<256x128xf32, #tpu.memory_space<vmem>>) dst(%dma_wait3A_126 : memref<256x128xf32, #tpu.memory_space<hbm>>)
    %dma_wait3A_127 = arith.constant 0 : i32
    %dma_wait3A_128 = arith.constant 0 : i32
    %dma_wait3A_129 = tpu.memref_slice %arg4[%select_n3A, %dma_wait3A_127, %dma_wait3A_128] : memref<16x2048x128xf32, #tpu.memory_space<hbm>> -> memref<1x256x128xf32, #tpu.memory_space<hbm>>
    %dma_wait3A_130 = tpu.memref_squeeze %dma_wait3A_129 : memref<1x256x128xf32, #tpu.memory_space<hbm>> -> memref<256x128xf32, #tpu.memory_space<hbm>>
    %dma_wait3A_131 = arith.constant 0 : i32
    %dma_wait3A_132 = arith.constant 0 : i32
    %dma_wait3A_133 = tpu.memref_slice %arg4[%select_n3A, %dma_wait3A_131, %dma_wait3A_132] : memref<16x2048x128xf32, #tpu.memory_space<hbm>> -> memref<1x256x128xf32, #tpu.memory_space<hbm>>
    %dma_wait3A_134 = tpu.memref_squeeze %dma_wait3A_133 : memref<1x256x128xf32, #tpu.memory_space<hbm>> -> memref<256x128xf32, #tpu.memory_space<hbm>>
    tpu.wait_dma2 semaphore(%arg12 : memref<!tpu.dma_semaphore, #tpu.memory_space<semaphore_mem>>) src(%arg6 : memref<256x128xf32, #tpu.memory_space<vmem>>) dst(%dma_wait3A_134 : memref<256x128xf32, #tpu.memory_space<hbm>>)
    return
  }
}

#map = affine_map<(d0, d1) -> (0, 0)>
#map1 = affine_map<(d0, d1) -> (0, 0, 0)>
module attributes {stable_mosaic.version = 14 : i64} {
  func.func @k(%arg0: i32, %arg1: i32, %arg2: memref<16x2048xi32, #tpu.memory_space<hbm>>, %arg3: memref<100000x128xf32, #tpu.memory_space<hbm>>, %arg4: memref<16x2048x128xf32, #tpu.memory_space<hbm>>, %arg5: memref<1024xi32, #tpu.memory_space<vmem>>, %arg6: memref<256x128xf32, #tpu.memory_space<vmem>>, %arg7: memref<256x128xf32, #tpu.memory_space<vmem>>, %arg8: memref<256x128xf32, #tpu.memory_space<vmem>>, %arg9: memref<!tpu.dma_semaphore, #tpu.memory_space<semaphore_mem>>, %arg10: memref<!tpu.dma_semaphore, #tpu.memory_space<semaphore_mem>>, %arg11: memref<!tpu.dma_semaphore, #tpu.memory_space<semaphore_mem>>, %arg12: memref<!tpu.dma_semaphore, #tpu.memory_space<semaphore_mem>>, %arg13: memref<!tpu.dma_semaphore, #tpu.memory_space<semaphore_mem>>, %arg14: memref<!tpu.dma_semaphore, #tpu.memory_space<semaphore_mem>>) attributes {dimension_semantics = [#tpu.dimension_semantics<core_parallel>, #tpu.dimension_semantics<subcore_parallel>], iteration_bounds = array<i64: 2, 16>, scalar_prefetch = 0 : i64, scratch_operands = 10 : i64, tpu.core_type = #tpu.core_type<sc_vector_subcore>, window_params = [{transform_indices = #map}, {transform_indices = #map}, {transform_indices = #map1}]} {
    %mul3A = arith.constant 2 : i32
    %mul3A_0 = arith.muli %arg1, %mul3A : i32
    %add3A = arith.addi %mul3A_0, %arg0 : i32
    %jit3A = arith.constant 2 : i32
    %div3A = arith.divsi %add3A, %jit3A : i32
    %sign3A = arith.constant 0 : i32
    %sign3A_1 = arith.cmpi sgt, %add3A, %sign3A : i32
    %sign3A_2 = arith.extui %sign3A_1 : i1 to i32
    %sign3A_3 = arith.constant 0 : i32
    %sign3A_4 = arith.cmpi slt, %add3A, %sign3A_3 : i32
    %sign3A_5 = arith.extui %sign3A_4 : i1 to i32
    %sign3A_6 = arith.subi %sign3A_2, %sign3A_5 : i32
    %sign3A_7 = arith.constant 0 : i32
    %sign3A_8 = arith.cmpi sgt, %jit3A, %sign3A_7 : i32
    %sign3A_9 = arith.extui %sign3A_8 : i1 to i32
    %sign3A_10 = arith.constant 0 : i32
    %sign3A_11 = arith.cmpi slt, %jit3A, %sign3A_10 : i32
    %sign3A_12 = arith.extui %sign3A_11 : i1 to i32
    %sign3A_13 = arith.subi %sign3A_9, %sign3A_12 : i32
    %ne3A = arith.cmpi ne, %sign3A_6, %sign3A_13 : i32
    %rem3A = arith.remsi %add3A, %jit3A : i32
    %ne3A_14 = arith.constant 0 : i32
    %ne3A_15 = arith.cmpi ne, %rem3A, %ne3A_14 : i32
    %and3A = arith.andi %ne3A, %ne3A_15 : i1
    %sub3A = arith.constant 1 : i32
    %sub3A_16 = arith.subi %div3A, %sub3A : i32
    %select_n3A = arith.select %and3A, %sub3A_16, %div3A : i32
    %jit3A_17 = arith.constant 2 : i32
    %eq3A = arith.constant 0 : i32
    %eq3A_18 = arith.cmpi eq, %jit3A_17, %eq3A : i32
    %jit3A_19 = arith.constant 1 : i32
    %select_n3A_20 = arith.select %eq3A_18, %jit3A_19, %jit3A_17 : i32
    %rem3A_21 = arith.remsi %add3A, %select_n3A_20 : i32
    %ne3A_22 = arith.constant 0 : i32
    %ne3A_23 = arith.cmpi ne, %rem3A_21, %ne3A_22 : i32
    %lt3A = arith.constant 0 : i32
    %lt3A_24 = arith.cmpi slt, %rem3A_21, %lt3A : i32
    %lt3A_25 = arith.constant 0 : i32
    %lt3A_26 = arith.cmpi slt, %select_n3A_20, %lt3A_25 : i32
    %ne3A_27 = arith.xori %lt3A_24, %lt3A_26 : i1
    %and3A_28 = arith.andi %ne3A_27, %ne3A_23 : i1
    %add3A_29 = arith.addi %rem3A_21, %select_n3A_20 : i32
    %select_n3A_30 = arith.select %and3A_28, %add3A_29, %rem3A_21 : i32
    %mul3A_31 = arith.constant 1024 : i32
    %mul3A_32 = arith.muli %select_n3A_30, %mul3A_31 : i32
    "tpu.region"() ({
      %run_scoped3A = tpu.sem_alloc : memref<!tpu.dma_semaphore, #tpu.memory_space<semaphore_mem>>
      %dma_start3A_135 = tpu.memref_slice %arg2[%select_n3A, %mul3A_32] : memref<16x2048xi32, #tpu.memory_space<hbm>> -> memref<1x1024xi32, #tpu.memory_space<hbm>>
      %dma_start3A_136 = tpu.memref_squeeze %dma_start3A_135 : memref<1x1024xi32, #tpu.memory_space<hbm>> -> memref<1024xi32, #tpu.memory_space<hbm>>
      %dma_start3A_137 = tpu.memref_slice %arg2[%select_n3A, %mul3A_32] : memref<16x2048xi32, #tpu.memory_space<hbm>> -> memref<1x1024xi32, #tpu.memory_space<hbm>>
      %dma_start3A_138 = tpu.memref_squeeze %dma_start3A_137 : memref<1x1024xi32, #tpu.memory_space<hbm>> -> memref<1024xi32, #tpu.memory_space<hbm>>
      tpu.enqueue_dma source(%dma_start3A_138 : memref<1024xi32, #tpu.memory_space<hbm>>) target(%arg5 : memref<1024xi32, #tpu.memory_space<vmem>>) target_semaphore(%run_scoped3A : memref<!tpu.dma_semaphore, #tpu.memory_space<semaphore_mem>>)
      %dma_wait3A_139 = tpu.memref_slice %arg2[%select_n3A, %mul3A_32] : memref<16x2048xi32, #tpu.memory_space<hbm>> -> memref<1x1024xi32, #tpu.memory_space<hbm>>
      %dma_wait3A_140 = tpu.memref_squeeze %dma_wait3A_139 : memref<1x1024xi32, #tpu.memory_space<hbm>> -> memref<1024xi32, #tpu.memory_space<hbm>>
      %dma_wait3A_141 = tpu.memref_slice %arg2[%select_n3A, %mul3A_32] : memref<16x2048xi32, #tpu.memory_space<hbm>> -> memref<1x1024xi32, #tpu.memory_space<hbm>>
      %dma_wait3A_142 = tpu.memref_squeeze %dma_wait3A_141 : memref<1x1024xi32, #tpu.memory_space<hbm>> -> memref<1024xi32, #tpu.memory_space<hbm>>
      tpu.wait_dma2 semaphore(%run_scoped3A : memref<!tpu.dma_semaphore, #tpu.memory_space<semaphore_mem>>) src(%dma_wait3A_142 : memref<1024xi32, #tpu.memory_space<hbm>>) dst(%arg5 : memref<1024xi32, #tpu.memory_space<vmem>>)
      tpu.yield
    }) : () -> ()
    %dma_start3A = arith.constant 0 : i32
    %dma_start3A_33 = tpu.memref_slice %arg5[%dma_start3A] : memref<1024xi32, #tpu.memory_space<vmem>> -> memref<256xi32, #tpu.memory_space<vmem>>
    %dma_start3A_34 = arith.constant 0 : i32
    %dma_start3A_35 = arith.constant 0 : i32
    %dma_start3A_36 = tpu.memref_slice %arg3[%dma_start3A_34, %dma_start3A_35] : memref<100000x128xf32, #tpu.memory_space<hbm>> -> memref<100000x128xf32, #tpu.memory_space<hbm>>
    tpu.enqueue_indirect_dma source(%dma_start3A_36 : memref<100000x128xf32, #tpu.memory_space<hbm>>) target(%arg6 : memref<256x128xf32, #tpu.memory_space<vmem>>) offsets(%dma_start3A_33 : memref<256xi32, #tpu.memory_space<vmem>>) semaphore(%arg9 : memref<!tpu.dma_semaphore, #tpu.memory_space<semaphore_mem>>)
    %dma_start3A_37 = arith.constant 256 : i32
    %dma_start3A_38 = tpu.memref_slice %arg5[%dma_start3A_37] : memref<1024xi32, #tpu.memory_space<vmem>> -> memref<256xi32, #tpu.memory_space<vmem>>
    %dma_start3A_39 = arith.constant 0 : i32
    %dma_start3A_40 = arith.constant 0 : i32
    %dma_start3A_41 = tpu.memref_slice %arg3[%dma_start3A_39, %dma_start3A_40] : memref<100000x128xf32, #tpu.memory_space<hbm>> -> memref<100000x128xf32, #tpu.memory_space<hbm>>
    tpu.enqueue_indirect_dma source(%dma_start3A_41 : memref<100000x128xf32, #tpu.memory_space<hbm>>) target(%arg7 : memref<256x128xf32, #tpu.memory_space<vmem>>) offsets(%dma_start3A_38 : memref<256xi32, #tpu.memory_space<vmem>>) semaphore(%arg10 : memref<!tpu.dma_semaphore, #tpu.memory_space<semaphore_mem>>)
    %dma_wait3A = arith.constant 0 : i32
    %dma_wait3A_42 = tpu.memref_slice %arg5[%dma_wait3A] : memref<1024xi32, #tpu.memory_space<vmem>> -> memref<256xi32, #tpu.memory_space<vmem>>
    %dma_wait3A_43 = arith.constant 0 : i32
    %dma_wait3A_44 = arith.constant 0 : i32
    %dma_wait3A_45 = tpu.memref_slice %arg3[%dma_wait3A_43, %dma_wait3A_44] : memref<100000x128xf32, #tpu.memory_space<hbm>> -> memref<100000x128xf32, #tpu.memory_space<hbm>>
    tpu.wait_indirect_dma semaphore(%arg9 : memref<!tpu.dma_semaphore, #tpu.memory_space<semaphore_mem>>) src(%dma_wait3A_45 : memref<100000x128xf32, #tpu.memory_space<hbm>>) dst(%arg6 : memref<256x128xf32, #tpu.memory_space<vmem>>)
    %dma_start3A_46 = arith.constant 512 : i32
    %dma_start3A_47 = tpu.memref_slice %arg5[%dma_start3A_46] : memref<1024xi32, #tpu.memory_space<vmem>> -> memref<256xi32, #tpu.memory_space<vmem>>
    %dma_start3A_48 = arith.constant 0 : i32
    %dma_start3A_49 = arith.constant 0 : i32
    %dma_start3A_50 = tpu.memref_slice %arg3[%dma_start3A_48, %dma_start3A_49] : memref<100000x128xf32, #tpu.memory_space<hbm>> -> memref<100000x128xf32, #tpu.memory_space<hbm>>
    tpu.enqueue_indirect_dma source(%dma_start3A_50 : memref<100000x128xf32, #tpu.memory_space<hbm>>) target(%arg8 : memref<256x128xf32, #tpu.memory_space<vmem>>) offsets(%dma_start3A_47 : memref<256xi32, #tpu.memory_space<vmem>>) semaphore(%arg11 : memref<!tpu.dma_semaphore, #tpu.memory_space<semaphore_mem>>)
    %add3A_51 = arith.constant 0 : i32
    %add3A_52 = arith.addi %mul3A_32, %add3A_51 : i32
    %dma_start3A_53 = arith.constant 0 : i32
    %dma_start3A_54 = tpu.memref_slice %arg4[%select_n3A, %add3A_52, %dma_start3A_53] : memref<16x2048x128xf32, #tpu.memory_space<hbm>> -> memref<1x256x128xf32, #tpu.memory_space<hbm>>
    %dma_start3A_55 = tpu.memref_squeeze %dma_start3A_54 : memref<1x256x128xf32, #tpu.memory_space<hbm>> -> memref<256x128xf32, #tpu.memory_space<hbm>>
    %dma_start3A_56 = arith.constant 0 : i32
    %dma_start3A_57 = tpu.memref_slice %arg4[%select_n3A, %add3A_52, %dma_start3A_56] : memref<16x2048x128xf32, #tpu.memory_space<hbm>> -> memref<1x256x128xf32, #tpu.memory_space<hbm>>
    %dma_start3A_58 = tpu.memref_squeeze %dma_start3A_57 : memref<1x256x128xf32, #tpu.memory_space<hbm>> -> memref<256x128xf32, #tpu.memory_space<hbm>>
    tpu.enqueue_dma source(%arg6 : memref<256x128xf32, #tpu.memory_space<vmem>>) target(%dma_start3A_58 : memref<256x128xf32, #tpu.memory_space<hbm>>) target_semaphore(%arg12 : memref<!tpu.dma_semaphore, #tpu.memory_space<semaphore_mem>>)
    %dma_wait3A_59 = arith.constant 0 : i32
    %dma_wait3A_60 = tpu.memref_slice %arg5[%dma_wait3A_59] : memref<1024xi32, #tpu.memory_space<vmem>> -> memref<256xi32, #tpu.memory_space<vmem>>
    %dma_wait3A_61 = arith.constant 0 : i32
    %dma_wait3A_62 = arith.constant 0 : i32
    %dma_wait3A_63 = tpu.memref_slice %arg3[%dma_wait3A_61, %dma_wait3A_62] : memref<100000x128xf32, #tpu.memory_space<hbm>> -> memref<100000x128xf32, #tpu.memory_space<hbm>>
    tpu.wait_indirect_dma semaphore(%arg10 : memref<!tpu.dma_semaphore, #tpu.memory_space<semaphore_mem>>) src(%dma_wait3A_63 : memref<100000x128xf32, #tpu.memory_space<hbm>>) dst(%arg7 : memref<256x128xf32, #tpu.memory_space<vmem>>)
    %dma_wait3A_64 = arith.constant 0 : i32
    %dma_wait3A_65 = arith.constant 0 : i32
    %dma_wait3A_66 = tpu.memref_slice %arg4[%select_n3A, %dma_wait3A_64, %dma_wait3A_65] : memref<16x2048x128xf32, #tpu.memory_space<hbm>> -> memref<1x256x128xf32, #tpu.memory_space<hbm>>
    %dma_wait3A_67 = tpu.memref_squeeze %dma_wait3A_66 : memref<1x256x128xf32, #tpu.memory_space<hbm>> -> memref<256x128xf32, #tpu.memory_space<hbm>>
    %dma_wait3A_68 = arith.constant 0 : i32
    %dma_wait3A_69 = arith.constant 0 : i32
    %dma_wait3A_70 = tpu.memref_slice %arg4[%select_n3A, %dma_wait3A_68, %dma_wait3A_69] : memref<16x2048x128xf32, #tpu.memory_space<hbm>> -> memref<1x256x128xf32, #tpu.memory_space<hbm>>
    %dma_wait3A_71 = tpu.memref_squeeze %dma_wait3A_70 : memref<1x256x128xf32, #tpu.memory_space<hbm>> -> memref<256x128xf32, #tpu.memory_space<hbm>>
    tpu.wait_dma2 semaphore(%arg12 : memref<!tpu.dma_semaphore, #tpu.memory_space<semaphore_mem>>) src(%arg6 : memref<256x128xf32, #tpu.memory_space<vmem>>) dst(%dma_wait3A_71 : memref<256x128xf32, #tpu.memory_space<hbm>>)
    %dma_start3A_72 = arith.constant 768 : i32
    %dma_start3A_73 = tpu.memref_slice %arg5[%dma_start3A_72] : memref<1024xi32, #tpu.memory_space<vmem>> -> memref<256xi32, #tpu.memory_space<vmem>>
    %dma_start3A_74 = arith.constant 0 : i32
    %dma_start3A_75 = arith.constant 0 : i32
    %dma_start3A_76 = tpu.memref_slice %arg3[%dma_start3A_74, %dma_start3A_75] : memref<100000x128xf32, #tpu.memory_space<hbm>> -> memref<100000x128xf32, #tpu.memory_space<hbm>>
    tpu.enqueue_indirect_dma source(%dma_start3A_76 : memref<100000x128xf32, #tpu.memory_space<hbm>>) target(%arg6 : memref<256x128xf32, #tpu.memory_space<vmem>>) offsets(%dma_start3A_73 : memref<256xi32, #tpu.memory_space<vmem>>) semaphore(%arg9 : memref<!tpu.dma_semaphore, #tpu.memory_space<semaphore_mem>>)
    %add3A_77 = arith.constant 256 : i32
    %add3A_78 = arith.addi %mul3A_32, %add3A_77 : i32
    %dma_start3A_79 = arith.constant 0 : i32
    %dma_start3A_80 = tpu.memref_slice %arg4[%select_n3A, %add3A_78, %dma_start3A_79] : memref<16x2048x128xf32, #tpu.memory_space<hbm>> -> memref<1x256x128xf32, #tpu.memory_space<hbm>>
    %dma_start3A_81 = tpu.memref_squeeze %dma_start3A_80 : memref<1x256x128xf32, #tpu.memory_space<hbm>> -> memref<256x128xf32, #tpu.memory_space<hbm>>
    %dma_start3A_82 = arith.constant 0 : i32
    %dma_start3A_83 = tpu.memref_slice %arg4[%select_n3A, %add3A_78, %dma_start3A_82] : memref<16x2048x128xf32, #tpu.memory_space<hbm>> -> memref<1x256x128xf32, #tpu.memory_space<hbm>>
    %dma_start3A_84 = tpu.memref_squeeze %dma_start3A_83 : memref<1x256x128xf32, #tpu.memory_space<hbm>> -> memref<256x128xf32, #tpu.memory_space<hbm>>
    tpu.enqueue_dma source(%arg7 : memref<256x128xf32, #tpu.memory_space<vmem>>) target(%dma_start3A_84 : memref<256x128xf32, #tpu.memory_space<hbm>>) target_semaphore(%arg13 : memref<!tpu.dma_semaphore, #tpu.memory_space<semaphore_mem>>)
    %dma_wait3A_85 = arith.constant 0 : i32
    %dma_wait3A_86 = tpu.memref_slice %arg5[%dma_wait3A_85] : memref<1024xi32, #tpu.memory_space<vmem>> -> memref<256xi32, #tpu.memory_space<vmem>>
    %dma_wait3A_87 = arith.constant 0 : i32
    %dma_wait3A_88 = arith.constant 0 : i32
    %dma_wait3A_89 = tpu.memref_slice %arg3[%dma_wait3A_87, %dma_wait3A_88] : memref<100000x128xf32, #tpu.memory_space<hbm>> -> memref<100000x128xf32, #tpu.memory_space<hbm>>
    tpu.wait_indirect_dma semaphore(%arg11 : memref<!tpu.dma_semaphore, #tpu.memory_space<semaphore_mem>>) src(%dma_wait3A_89 : memref<100000x128xf32, #tpu.memory_space<hbm>>) dst(%arg8 : memref<256x128xf32, #tpu.memory_space<vmem>>)
    %add3A_90 = arith.constant 512 : i32
    %add3A_91 = arith.addi %mul3A_32, %add3A_90 : i32
    %dma_start3A_92 = arith.constant 0 : i32
    %dma_start3A_93 = tpu.memref_slice %arg4[%select_n3A, %add3A_91, %dma_start3A_92] : memref<16x2048x128xf32, #tpu.memory_space<hbm>> -> memref<1x256x128xf32, #tpu.memory_space<hbm>>
    %dma_start3A_94 = tpu.memref_squeeze %dma_start3A_93 : memref<1x256x128xf32, #tpu.memory_space<hbm>> -> memref<256x128xf32, #tpu.memory_space<hbm>>
    %dma_start3A_95 = arith.constant 0 : i32
    %dma_start3A_96 = tpu.memref_slice %arg4[%select_n3A, %add3A_91, %dma_start3A_95] : memref<16x2048x128xf32, #tpu.memory_space<hbm>> -> memref<1x256x128xf32, #tpu.memory_space<hbm>>
    %dma_start3A_97 = tpu.memref_squeeze %dma_start3A_96 : memref<1x256x128xf32, #tpu.memory_space<hbm>> -> memref<256x128xf32, #tpu.memory_space<hbm>>
    tpu.enqueue_dma source(%arg8 : memref<256x128xf32, #tpu.memory_space<vmem>>) target(%dma_start3A_97 : memref<256x128xf32, #tpu.memory_space<hbm>>) target_semaphore(%arg14 : memref<!tpu.dma_semaphore, #tpu.memory_space<semaphore_mem>>)
    %dma_wait3A_98 = arith.constant 0 : i32
    %dma_wait3A_99 = tpu.memref_slice %arg5[%dma_wait3A_98] : memref<1024xi32, #tpu.memory_space<vmem>> -> memref<256xi32, #tpu.memory_space<vmem>>
    %dma_wait3A_100 = arith.constant 0 : i32
    %dma_wait3A_101 = arith.constant 0 : i32
    %dma_wait3A_102 = tpu.memref_slice %arg3[%dma_wait3A_100, %dma_wait3A_101] : memref<100000x128xf32, #tpu.memory_space<hbm>> -> memref<100000x128xf32, #tpu.memory_space<hbm>>
    tpu.wait_indirect_dma semaphore(%arg9 : memref<!tpu.dma_semaphore, #tpu.memory_space<semaphore_mem>>) src(%dma_wait3A_102 : memref<100000x128xf32, #tpu.memory_space<hbm>>) dst(%arg6 : memref<256x128xf32, #tpu.memory_space<vmem>>)
    %add3A_103 = arith.constant 768 : i32
    %add3A_104 = arith.addi %mul3A_32, %add3A_103 : i32
    %dma_start3A_105 = arith.constant 0 : i32
    %dma_start3A_106 = tpu.memref_slice %arg4[%select_n3A, %add3A_104, %dma_start3A_105] : memref<16x2048x128xf32, #tpu.memory_space<hbm>> -> memref<1x256x128xf32, #tpu.memory_space<hbm>>
    %dma_start3A_107 = tpu.memref_squeeze %dma_start3A_106 : memref<1x256x128xf32, #tpu.memory_space<hbm>> -> memref<256x128xf32, #tpu.memory_space<hbm>>
    %dma_start3A_108 = arith.constant 0 : i32
    %dma_start3A_109 = tpu.memref_slice %arg4[%select_n3A, %add3A_104, %dma_start3A_108] : memref<16x2048x128xf32, #tpu.memory_space<hbm>> -> memref<1x256x128xf32, #tpu.memory_space<hbm>>
    %dma_start3A_110 = tpu.memref_squeeze %dma_start3A_109 : memref<1x256x128xf32, #tpu.memory_space<hbm>> -> memref<256x128xf32, #tpu.memory_space<hbm>>
    tpu.enqueue_dma source(%arg6 : memref<256x128xf32, #tpu.memory_space<vmem>>) target(%dma_start3A_110 : memref<256x128xf32, #tpu.memory_space<hbm>>) target_semaphore(%arg12 : memref<!tpu.dma_semaphore, #tpu.memory_space<semaphore_mem>>)
    %dma_wait3A_111 = arith.constant 0 : i32
    %dma_wait3A_112 = arith.constant 0 : i32
    %dma_wait3A_113 = tpu.memref_slice %arg4[%select_n3A, %dma_wait3A_111, %dma_wait3A_112] : memref<16x2048x128xf32, #tpu.memory_space<hbm>> -> memref<1x256x128xf32, #tpu.memory_space<hbm>>
    %dma_wait3A_114 = tpu.memref_squeeze %dma_wait3A_113 : memref<1x256x128xf32, #tpu.memory_space<hbm>> -> memref<256x128xf32, #tpu.memory_space<hbm>>
    %dma_wait3A_115 = arith.constant 0 : i32
    %dma_wait3A_116 = arith.constant 0 : i32
    %dma_wait3A_117 = tpu.memref_slice %arg4[%select_n3A, %dma_wait3A_115, %dma_wait3A_116] : memref<16x2048x128xf32, #tpu.memory_space<hbm>> -> memref<1x256x128xf32, #tpu.memory_space<hbm>>
    %dma_wait3A_118 = tpu.memref_squeeze %dma_wait3A_117 : memref<1x256x128xf32, #tpu.memory_space<hbm>> -> memref<256x128xf32, #tpu.memory_space<hbm>>
    tpu.wait_dma2 semaphore(%arg13 : memref<!tpu.dma_semaphore, #tpu.memory_space<semaphore_mem>>) src(%arg7 : memref<256x128xf32, #tpu.memory_space<vmem>>) dst(%dma_wait3A_118 : memref<256x128xf32, #tpu.memory_space<hbm>>)
    %dma_wait3A_119 = arith.constant 0 : i32
    %dma_wait3A_120 = arith.constant 0 : i32
    %dma_wait3A_121 = tpu.memref_slice %arg4[%select_n3A, %dma_wait3A_119, %dma_wait3A_120] : memref<16x2048x128xf32, #tpu.memory_space<hbm>> -> memref<1x256x128xf32, #tpu.memory_space<hbm>>
    %dma_wait3A_122 = tpu.memref_squeeze %dma_wait3A_121 : memref<1x256x128xf32, #tpu.memory_space<hbm>> -> memref<256x128xf32, #tpu.memory_space<hbm>>
    %dma_wait3A_123 = arith.constant 0 : i32
    %dma_wait3A_124 = arith.constant 0 : i32
    %dma_wait3A_125 = tpu.memref_slice %arg4[%select_n3A, %dma_wait3A_123, %dma_wait3A_124] : memref<16x2048x128xf32, #tpu.memory_space<hbm>> -> memref<1x256x128xf32, #tpu.memory_space<hbm>>
    %dma_wait3A_126 = tpu.memref_squeeze %dma_wait3A_125 : memref<1x256x128xf32, #tpu.memory_space<hbm>> -> memref<256x128xf32, #tpu.memory_space<hbm>>
    tpu.wait_dma2 semaphore(%arg14 : memref<!tpu.dma_semaphore, #tpu.memory_space<semaphore_mem>>) src(%arg8 : memref<256x128xf32, #tpu.memory_space<vmem>>) dst(%dma_wait3A_126 : memref<256x128xf32, #tpu.memory_space<hbm>>)
    %dma_wait3A_127 = arith.constant 0 : i32
    %dma_wait3A_128 = arith.constant 0 : i32
    %dma_wait3A_129 = tpu.memref_slice %arg4[%select_n3A, %dma_wait3A_127, %dma_wait3A_128] : memref<16x2048x128xf32, #tpu.memory_space<hbm>> -> memref<1x256x128xf32, #tpu.memory_space<hbm>>
    %dma_wait3A_130 = tpu.memref_squeeze %dma_wait3A_129 : memref<1x256x128xf32, #tpu.memory_space<hbm>> -> memref<256x128xf32, #tpu.memory_space<hbm>>
    %dma_wait3A_131 = arith.constant 0 : i32
    %dma_wait3A_132 = arith.constant 0 : i32
    %dma_wait3A_133 = tpu.memref_slice %arg4[%select_n3A, %dma_wait3A_131, %dma_wait3A_132] : memref<16x2048x128xf32, #tpu.memory_space<hbm>> -> memref<1x256x128xf32, #tpu.memory_space<hbm>>
    %dma_wait3A_134 = tpu.memref_squeeze %dma_wait3A_133 : memref<1x256x128xf32, #tpu.memory_space<hbm>> -> memref<256x128xf32, #tpu.memory_space<hbm>>
    tpu.wait_dma2 semaphore(%arg12 : memref<!tpu.dma_semaphore, #tpu.memory_space<semaphore_mem>>) src(%arg6 : memref<256x128xf32, #tpu.memory_space<vmem>>) dst(%dma_wait3A_134 : memref<256x128xf32, #tpu.memory_space<hbm>>)
    return
  }
}

module attributes {stable_mosaic.version = 14 : i64} {
  func.func @body(%arg0: i32, %arg1: memref<1x2048x128xf32, #tpu.memory_space<vmem>>, %arg2: memref<2048x32xf32, #tpu.memory_space<vmem>>, %arg3: memref<2048x128xf32, #tpu.memory_space<vmem>>, %arg4: memref<2x128xf32, #tpu.memory_space<vmem>>, %arg5: memref<1x128xf32, #tpu.memory_space<vmem>>, %arg6: memref<1x128xf32, #tpu.memory_space<vmem>>, %arg7: memref<1x2048x128xf32, #tpu.memory_space<vmem>>) attributes {dimension_semantics = [#tpu.dimension_semantics<arbitrary>], iteration_bounds = array<i64: 16>, scalar_prefetch = 0 : i64, scratch_operands = 0 : i64, tpu.core_type = #tpu.core_type<tc>, window_params = [{transform_indices = @transform_0, window_bounds = array<i64: 1, 2048, 128>}, {pipeline_mode = #tpu.pipeline_mode<synchronous>, transform_indices = @transform_1, window_bounds = array<i64: 2048, 32>}, {pipeline_mode = #tpu.pipeline_mode<synchronous>, transform_indices = @transform_2, window_bounds = array<i64: 2048, 128>}, {pipeline_mode = #tpu.pipeline_mode<synchronous>, transform_indices = @transform_3, window_bounds = array<i64: 2, 128>}, {pipeline_mode = #tpu.pipeline_mode<synchronous>, transform_indices = @transform_4, window_bounds = array<i64: 1, 128>}, {pipeline_mode = #tpu.pipeline_mode<synchronous>, transform_indices = @transform_5, window_bounds = array<i64: 1, 128>}, {transform_indices = @transform_6, window_bounds = array<i64: 1, 2048, 128>}]} {
    %add3A = arith.constant 0 : i32
    %add3A_0 = arith.addi %arg0, %add3A : i32
    %get3A = arith.constant 0 : index
    %get3A_1 = arith.constant 0 : index
    %get3A_2 = vector.load %arg4[%get3A, %get3A_1] : memref<2x128xf32, #tpu.memory_space<vmem>>, vector<1x128xf32>
    %get3A_3 = arith.constant 1 : index
    %get3A_4 = arith.constant 0 : index
    %get3A_5 = vector.load %arg4[%get3A_3, %get3A_4] : memref<2x128xf32, #tpu.memory_space<vmem>>, vector<1x128xf32>
    %sub3A = arith.subf %get3A_5, %get3A_2 : vector<1x128xf32>
    %broadcast_in_dim3A = arith.constant 7.812500e-03 : bf16
    %broadcast_in_dim3A_6 = vector.broadcast %broadcast_in_dim3A : bf16 to vector<128x128xbf16>
    %get3A_7 = arith.constant 0 : index
    %get3A_8 = arith.constant 0 : index
    %get3A_9 = vector.load %arg5[%get3A_7, %get3A_8] : memref<1x128xf32, #tpu.memory_space<vmem>>, vector<1x128xf32>
    %get3A_10 = arith.constant 0 : index
    %get3A_11 = arith.constant 0 : index
    %get3A_12 = vector.load %arg6[%get3A_10, %get3A_11] : memref<1x128xf32, #tpu.memory_space<vmem>>, vector<1x128xf32>
    %iota3A = tpu.iota {dimensions = array<i32: 1>} : vector<1x32xi32>
    %eq3A = vector.broadcast %add3A_0 : i32 to vector<1x32xi32>
    %eq3A_13 = arith.cmpi eq, %iota3A, %eq3A : vector<1x32xi32>
    %convert_element_type3A = arith.extui %eq3A_13 : vector<1x32xi1> to vector<1x32xi32>
    %convert_element_type3A_14 = arith.sitofp %convert_element_type3A : vector<1x32xi32> to vector<1x32xf32>
    %get3A_15 = arith.constant 0 : index
    %get3A_16 = arith.constant 0 : index
    %get3A_17 = vector.load %arg2[%get3A_15, %get3A_16] : memref<2048x32xf32, #tpu.memory_space<vmem>>, vector<128x32xf32>
    %mul3A = vector.broadcast %convert_element_type3A_14 : vector<1x32xf32> to vector<128x32xf32>
    %mul3A_18 = arith.mulf %get3A_17, %mul3A : vector<128x32xf32>
    %reduce_sum3A = arith.constant dense<0.000000e+00> : vector<128xf32>
    %reduce_sum3A_19 = vector.multi_reduction <add>, %mul3A_18, %reduce_sum3A [1] : vector<128x32xf32> to vector<128xf32>
    %broadcast_in_dim3A_20 = vector.shape_cast %reduce_sum3A_19 : vector<128xf32> to vector<128x1xf32>
    %get3A_21 = arith.constant 0 : index
    %get3A_22 = arith.constant 0 : index
    %get3A_23 = arith.constant 0 : index
    %get3A_24 = vector.load %arg1[%get3A_21, %get3A_22, %get3A_23] : memref<1x2048x128xf32, #tpu.memory_space<vmem>>, vector<1x128x128xf32>
    %get3A_25 = vector.shape_cast %get3A_24 : vector<1x128x128xf32> to vector<128x128xf32>
    %get3A_26 = arith.constant 0 : index
    %get3A_27 = arith.constant 0 : index
    %get3A_28 = vector.load %arg3[%get3A_26, %get3A_27] : memref<2048x128xf32, #tpu.memory_space<vmem>>, vector<128x128xf32>
    %add3A_29 = arith.addf %get3A_25, %get3A_28 : vector<128x128xf32>
    %mul3A_30 = vector.broadcast %broadcast_in_dim3A_20 : vector<128x1xf32> to vector<128x128xf32>
    %mul3A_31 = vector.broadcast %sub3A : vector<1x128xf32> to vector<128x128xf32>
    %mul3A_32 = arith.mulf %mul3A_30, %mul3A_31 : vector<128x128xf32>
    %add3A_33 = vector.broadcast %get3A_2 : vector<1x128xf32> to vector<128x128xf32>
    %add3A_34 = arith.addf %add3A_33, %mul3A_32 : vector<128x128xf32>
    %add3A_35 = arith.addf %add3A_29, %add3A_34 : vector<128x128xf32>
    %convert_element_type3A_36 = arith.truncf %add3A_35 : vector<128x128xf32> to vector<128x128xbf16>
    %mul3A_37 = arith.mulf %convert_element_type3A_36, %convert_element_type3A_36 : vector<128x128xbf16>
    %dot_general3A = arith.constant dense<0.000000e+00> : vector<128x128xf32>
    %dot_general3A_38 = tpu.matmul %convert_element_type3A_36, %broadcast_in_dim3A_6, %dot_general3A {dimension_numbers = #tpu.dot_dimension_numbers<[1], [0], [0], [1], [0, 0, 1, 1], [], []>, transpose_lhs_hint = false} : vector<128x128xbf16>, vector<128x128xbf16>, vector<128x128xf32> -> vector<128x128xf32>
    %dot_general3A_39 = arith.constant dense<0.000000e+00> : vector<128x128xf32>
    %dot_general3A_40 = tpu.matmul %mul3A_37, %broadcast_in_dim3A_6, %dot_general3A_39 {dimension_numbers = #tpu.dot_dimension_numbers<[1], [0], [0], [1], [0, 0, 1, 1], [], []>, transpose_lhs_hint = false} : vector<128x128xbf16>, vector<128x128xbf16>, vector<128x128xf32> -> vector<128x128xf32>
    %mul3A_41 = arith.mulf %dot_general3A_38, %dot_general3A_38 : vector<128x128xf32>
    %sub3A_42 = arith.subf %dot_general3A_40, %mul3A_41 : vector<128x128xf32>
    %add3A_43 = arith.constant 9.99999974E-6 : f32
    %add3A_44 = vector.broadcast %add3A_43 : f32 to vector<128x128xf32>
    %add3A_45 = arith.addf %sub3A_42, %add3A_44 : vector<128x128xf32>
    %rsqrt3A = math.rsqrt %add3A_45 : vector<128x128xf32>
    %sub3A_46 = arith.subf %add3A_35, %dot_general3A_38 : vector<128x128xf32>
    %mul3A_47 = vector.broadcast %get3A_9 : vector<1x128xf32> to vector<128x128xf32>
    %mul3A_48 = arith.mulf %rsqrt3A, %mul3A_47 : vector<128x128xf32>
    %mul3A_49 = arith.mulf %sub3A_46, %mul3A_48 : vector<128x128xf32>
    %add3A_50 = vector.broadcast %get3A_12 : vector<1x128xf32> to vector<128x128xf32>
    %add3A_51 = arith.addf %mul3A_49, %add3A_50 : vector<128x128xf32>
    %swap3A = arith.constant 0 : index
    %swap3A_52 = arith.constant 0 : index
    %swap3A_53 = arith.constant 0 : index
    %swap3A_54 = vector.load %arg7[%swap3A, %swap3A_52, %swap3A_53] : memref<1x2048x128xf32, #tpu.memory_space<vmem>>, vector<1x128x128xf32>
    %swap3A_55 = vector.shape_cast %swap3A_54 : vector<1x128x128xf32> to vector<128x128xf32>
    %swap3A_56 = vector.shape_cast %add3A_51 : vector<128x128xf32> to vector<1x128x128xf32>
    tpu.vector_store %arg7[%swap3A, %swap3A_52, %swap3A_53], %swap3A_56 {strides = array<i32>} : memref<1x2048x128xf32, #tpu.memory_space<vmem>>, vector<1x128x128xf32>,
    %get3A_57 = arith.constant 128 : index
    %get3A_58 = arith.constant 0 : index
    %get3A_59 = vector.load %arg2[%get3A_57, %get3A_58] : memref<2048x32xf32, #tpu.memory_space<vmem>>, vector<128x32xf32>
    %mul3A_60 = vector.broadcast %convert_element_type3A_14 : vector<1x32xf32> to vector<128x32xf32>
    %mul3A_61 = arith.mulf %get3A_59, %mul3A_60 : vector<128x32xf32>
    %reduce_sum3A_62 = arith.constant dense<0.000000e+00> : vector<128xf32>
    %reduce_sum3A_63 = vector.multi_reduction <add>, %mul3A_61, %reduce_sum3A_62 [1] : vector<128x32xf32> to vector<128xf32>
    %broadcast_in_dim3A_64 = vector.shape_cast %reduce_sum3A_63 : vector<128xf32> to vector<128x1xf32>
    %get3A_65 = arith.constant 0 : index
    %get3A_66 = arith.constant 128 : index
    %get3A_67 = arith.constant 0 : index
    %get3A_68 = vector.load %arg1[%get3A_65, %get3A_66, %get3A_67] : memref<1x2048x128xf32, #tpu.memory_space<vmem>>, vector<1x128x128xf32>
    %get3A_69 = vector.shape_cast %get3A_68 : vector<1x128x128xf32> to vector<128x128xf32>
    %get3A_70 = arith.constant 128 : index
    %get3A_71 = arith.constant 0 : index
    %get3A_72 = vector.load %arg3[%get3A_70, %get3A_71] : memref<2048x128xf32, #tpu.memory_space<vmem>>, vector<128x128xf32>
    %add3A_73 = arith.addf %get3A_69, %get3A_72 : vector<128x128xf32>
    %mul3A_74 = vector.broadcast %broadcast_in_dim3A_64 : vector<128x1xf32> to vector<128x128xf32>
    %mul3A_75 = vector.broadcast %sub3A : vector<1x128xf32> to vector<128x128xf32>
    %mul3A_76 = arith.mulf %mul3A_74, %mul3A_75 : vector<128x128xf32>
    %add3A_77 = vector.broadcast %get3A_2 : vector<1x128xf32> to vector<128x128xf32>
    %add3A_78 = arith.addf %add3A_77, %mul3A_76 : vector<128x128xf32>
    %add3A_79 = arith.addf %add3A_73, %add3A_78 : vector<128x128xf32>
    %convert_element_type3A_80 = arith.truncf %add3A_79 : vector<128x128xf32> to vector<128x128xbf16>
    %mul3A_81 = arith.mulf %convert_element_type3A_80, %convert_element_type3A_80 : vector<128x128xbf16>
    %dot_general3A_82 = arith.constant dense<0.000000e+00> : vector<128x128xf32>
    %dot_general3A_83 = tpu.matmul %convert_element_type3A_80, %broadcast_in_dim3A_6, %dot_general3A_82 {dimension_numbers = #tpu.dot_dimension_numbers<[1], [0], [0], [1], [0, 0, 1, 1], [], []>, transpose_lhs_hint = false} : vector<128x128xbf16>, vector<128x128xbf16>, vector<128x128xf32> -> vector<128x128xf32>
    %dot_general3A_84 = arith.constant dense<0.000000e+00> : vector<128x128xf32>
    %dot_general3A_85 = tpu.matmul %mul3A_81, %broadcast_in_dim3A_6, %dot_general3A_84 {dimension_numbers = #tpu.dot_dimension_numbers<[1], [0], [0], [1], [0, 0, 1, 1], [], []>, transpose_lhs_hint = false} : vector<128x128xbf16>, vector<128x128xbf16>, vector<128x128xf32> -> vector<128x128xf32>
    %mul3A_86 = arith.mulf %dot_general3A_83, %dot_general3A_83 : vector<128x128xf32>
    %sub3A_87 = arith.subf %dot_general3A_85, %mul3A_86 : vector<128x128xf32>
    %add3A_88 = arith.constant 9.99999974E-6 : f32
    %add3A_89 = vector.broadcast %add3A_88 : f32 to vector<128x128xf32>
    %add3A_90 = arith.addf %sub3A_87, %add3A_89 : vector<128x128xf32>
    %rsqrt3A_91 = math.rsqrt %add3A_90 : vector<128x128xf32>
    %sub3A_92 = arith.subf %add3A_79, %dot_general3A_83 : vector<128x128xf32>
    %mul3A_93 = vector.broadcast %get3A_9 : vector<1x128xf32> to vector<128x128xf32>
    %mul3A_94 = arith.mulf %rsqrt3A_91, %mul3A_93 : vector<128x128xf32>
    %mul3A_95 = arith.mulf %sub3A_92, %mul3A_94 : vector<128x128xf32>
    %add3A_96 = vector.broadcast %get3A_12 : vector<1x128xf32> to vector<128x128xf32>
    %add3A_97 = arith.addf %mul3A_95, %add3A_96 : vector<128x128xf32>
    %swap3A_98 = arith.constant 0 : index
    %swap3A_99 = arith.constant 128 : index
    %swap3A_100 = arith.constant 0 : index
    %swap3A_101 = vector.load %arg7[%swap3A_98, %swap3A_99, %swap3A_100] : memref<1x2048x128xf32, #tpu.memory_space<vmem>>, vector<1x128x128xf32>
    %swap3A_102 = vector.shape_cast %swap3A_101 : vector<1x128x128xf32> to vector<128x128xf32>
    %swap3A_103 = vector.shape_cast %add3A_97 : vector<128x128xf32> to vector<1x128x128xf32>
    tpu.vector_store %arg7[%swap3A_98, %swap3A_99, %swap3A_100], %swap3A_103 {strides = array<i32>} : memref<1x2048x128xf32, #tpu.memory_space<vmem>>, vector<1x128x128xf32>,
    %get3A_104 = arith.constant 256 : index
    %get3A_105 = arith.constant 0 : index
    %get3A_106 = vector.load %arg2[%get3A_104, %get3A_105] : memref<2048x32xf32, #tpu.memory_space<vmem>>, vector<128x32xf32>
    %mul3A_107 = vector.broadcast %convert_element_type3A_14 : vector<1x32xf32> to vector<128x32xf32>
    %mul3A_108 = arith.mulf %get3A_106, %mul3A_107 : vector<128x32xf32>
    %reduce_sum3A_109 = arith.constant dense<0.000000e+00> : vector<128xf32>
    %reduce_sum3A_110 = vector.multi_reduction <add>, %mul3A_108, %reduce_sum3A_109 [1] : vector<128x32xf32> to vector<128xf32>
    %broadcast_in_dim3A_111 = vector.shape_cast %reduce_sum3A_110 : vector<128xf32> to vector<128x1xf32>
    %get3A_112 = arith.constant 0 : index
    %get3A_113 = arith.constant 256 : index
    %get3A_114 = arith.constant 0 : index
    %get3A_115 = vector.load %arg1[%get3A_112, %get3A_113, %get3A_114] : memref<1x2048x128xf32, #tpu.memory_space<vmem>>, vector<1x128x128xf32>
    %get3A_116 = vector.shape_cast %get3A_115 : vector<1x128x128xf32> to vector<128x128xf32>
    %get3A_117 = arith.constant 256 : index
    %get3A_118 = arith.constant 0 : index
    %get3A_119 = vector.load %arg3[%get3A_117, %get3A_118] : memref<2048x128xf32, #tpu.memory_space<vmem>>, vector<128x128xf32>
    %add3A_120 = arith.addf %get3A_116, %get3A_119 : vector<128x128xf32>
    %mul3A_121 = vector.broadcast %broadcast_in_dim3A_111 : vector<128x1xf32> to vector<128x128xf32>
    %mul3A_122 = vector.broadcast %sub3A : vector<1x128xf32> to vector<128x128xf32>
    %mul3A_123 = arith.mulf %mul3A_121, %mul3A_122 : vector<128x128xf32>
    %add3A_124 = vector.broadcast %get3A_2 : vector<1x128xf32> to vector<128x128xf32>
    %add3A_125 = arith.addf %add3A_124, %mul3A_123 : vector<128x128xf32>
    %add3A_126 = arith.addf %add3A_120, %add3A_125 : vector<128x128xf32>
    %convert_element_type3A_127 = arith.truncf %add3A_126 : vector<128x128xf32> to vector<128x128xbf16>
    %mul3A_128 = arith.mulf %convert_element_type3A_127, %convert_element_type3A_127 : vector<128x128xbf16>
    %dot_general3A_129 = arith.constant dense<0.000000e+00> : vector<128x128xf32>
    %dot_general3A_130 = tpu.matmul %convert_element_type3A_127, %broadcast_in_dim3A_6, %dot_general3A_129 {dimension_numbers = #tpu.dot_dimension_numbers<[1], [0], [0], [1], [0, 0, 1, 1], [], []>, transpose_lhs_hint = false} : vector<128x128xbf16>, vector<128x128xbf16>, vector<128x128xf32> -> vector<128x128xf32>
    %dot_general3A_131 = arith.constant dense<0.000000e+00> : vector<128x128xf32>
    %dot_general3A_132 = tpu.matmul %mul3A_128, %broadcast_in_dim3A_6, %dot_general3A_131 {dimension_numbers = #tpu.dot_dimension_numbers<[1], [0], [0], [1], [0, 0, 1, 1], [], []>, transpose_lhs_hint = false} : vector<128x128xbf16>, vector<128x128xbf16>, vector<128x128xf32> -> vector<128x128xf32>
    %mul3A_133 = arith.mulf %dot_general3A_130, %dot_general3A_130 : vector<128x128xf32>
    %sub3A_134 = arith.subf %dot_general3A_132, %mul3A_133 : vector<128x128xf32>
    %add3A_135 = arith.constant 9.99999974E-6 : f32
    %add3A_136 = vector.broadcast %add3A_135 : f32 to vector<128x128xf32>
    %add3A_137 = arith.addf %sub3A_134, %add3A_136 : vector<128x128xf32>
    %rsqrt3A_138 = math.rsqrt %add3A_137 : vector<128x128xf32>
    %sub3A_139 = arith.subf %add3A_126, %dot_general3A_130 : vector<128x128xf32>
    %mul3A_140 = vector.broadcast %get3A_9 : vector<1x128xf32> to vector<128x128xf32>
    %mul3A_141 = arith.mulf %rsqrt3A_138, %mul3A_140 : vector<128x128xf32>
    %mul3A_142 = arith.mulf %sub3A_139, %mul3A_141 : vector<128x128xf32>
    %add3A_143 = vector.broadcast %get3A_12 : vector<1x128xf32> to vector<128x128xf32>
    %add3A_144 = arith.addf %mul3A_142, %add3A_143 : vector<128x128xf32>
    %swap3A_145 = arith.constant 0 : index
    %swap3A_146 = arith.constant 256 : index
    %swap3A_147 = arith.constant 0 : index
    %swap3A_148 = vector.load %arg7[%swap3A_145, %swap3A_146, %swap3A_147] : memref<1x2048x128xf32, #tpu.memory_space<vmem>>, vector<1x128x128xf32>
    %swap3A_149 = vector.shape_cast %swap3A_148 : vector<1x128x128xf32> to vector<128x128xf32>
    %swap3A_150 = vector.shape_cast %add3A_144 : vector<128x128xf32> to vector<1x128x128xf32>
    tpu.vector_store %arg7[%swap3A_145, %swap3A_146, %swap3A_147], %swap3A_150 {strides = array<i32>} : memref<1x2048x128xf32, #tpu.memory_space<vmem>>, vector<1x128x128xf32>,
    %get3A_151 = arith.constant 384 : index
    %get3A_152 = arith.constant 0 : index
    %get3A_153 = vector.load %arg2[%get3A_151, %get3A_152] : memref<2048x32xf32, #tpu.memory_space<vmem>>, vector<128x32xf32>
    %mul3A_154 = vector.broadcast %convert_element_type3A_14 : vector<1x32xf32> to vector<128x32xf32>
    %mul3A_155 = arith.mulf %get3A_153, %mul3A_154 : vector<128x32xf32>
    %reduce_sum3A_156 = arith.constant dense<0.000000e+00> : vector<128xf32>
    %reduce_sum3A_157 = vector.multi_reduction <add>, %mul3A_155, %reduce_sum3A_156 [1] : vector<128x32xf32> to vector<128xf32>
    %broadcast_in_dim3A_158 = vector.shape_cast %reduce_sum3A_157 : vector<128xf32> to vector<128x1xf32>
    %get3A_159 = arith.constant 0 : index
    %get3A_160 = arith.constant 384 : index
    %get3A_161 = arith.constant 0 : index
    %get3A_162 = vector.load %arg1[%get3A_159, %get3A_160, %get3A_161] : memref<1x2048x128xf32, #tpu.memory_space<vmem>>, vector<1x128x128xf32>
    %get3A_163 = vector.shape_cast %get3A_162 : vector<1x128x128xf32> to vector<128x128xf32>
    %get3A_164 = arith.constant 384 : index
    %get3A_165 = arith.constant 0 : index
    %get3A_166 = vector.load %arg3[%get3A_164, %get3A_165] : memref<2048x128xf32, #tpu.memory_space<vmem>>, vector<128x128xf32>
    %add3A_167 = arith.addf %get3A_163, %get3A_166 : vector<128x128xf32>
    %mul3A_168 = vector.broadcast %broadcast_in_dim3A_158 : vector<128x1xf32> to vector<128x128xf32>
    %mul3A_169 = vector.broadcast %sub3A : vector<1x128xf32> to vector<128x128xf32>
    %mul3A_170 = arith.mulf %mul3A_168, %mul3A_169 : vector<128x128xf32>
    %add3A_171 = vector.broadcast %get3A_2 : vector<1x128xf32> to vector<128x128xf32>
    %add3A_172 = arith.addf %add3A_171, %mul3A_170 : vector<128x128xf32>
    %add3A_173 = arith.addf %add3A_167, %add3A_172 : vector<128x128xf32>
    %convert_element_type3A_174 = arith.truncf %add3A_173 : vector<128x128xf32> to vector<128x128xbf16>
    %mul3A_175 = arith.mulf %convert_element_type3A_174, %convert_element_type3A_174 : vector<128x128xbf16>
    %dot_general3A_176 = arith.constant dense<0.000000e+00> : vector<128x128xf32>
    %dot_general3A_177 = tpu.matmul %convert_element_type3A_174, %broadcast_in_dim3A_6, %dot_general3A_176 {dimension_numbers = #tpu.dot_dimension_numbers<[1], [0], [0], [1], [0, 0, 1, 1], [], []>, transpose_lhs_hint = false} : vector<128x128xbf16>, vector<128x128xbf16>, vector<128x128xf32> -> vector<128x128xf32>
    %dot_general3A_178 = arith.constant dense<0.000000e+00> : vector<128x128xf32>
    %dot_general3A_179 = tpu.matmul %mul3A_175, %broadcast_in_dim3A_6, %dot_general3A_178 {dimension_numbers = #tpu.dot_dimension_numbers<[1], [0], [0], [1], [0, 0, 1, 1], [], []>, transpose_lhs_hint = false} : vector<128x128xbf16>, vector<128x128xbf16>, vector<128x128xf32> -> vector<128x128xf32>
    %mul3A_180 = arith.mulf %dot_general3A_177, %dot_general3A_177 : vector<128x128xf32>
    %sub3A_181 = arith.subf %dot_general3A_179, %mul3A_180 : vector<128x128xf32>
    %add3A_182 = arith.constant 9.99999974E-6 : f32
    %add3A_183 = vector.broadcast %add3A_182 : f32 to vector<128x128xf32>
    %add3A_184 = arith.addf %sub3A_181, %add3A_183 : vector<128x128xf32>
    %rsqrt3A_185 = math.rsqrt %add3A_184 : vector<128x128xf32>
    %sub3A_186 = arith.subf %add3A_173, %dot_general3A_177 : vector<128x128xf32>
    %mul3A_187 = vector.broadcast %get3A_9 : vector<1x128xf32> to vector<128x128xf32>
    %mul3A_188 = arith.mulf %rsqrt3A_185, %mul3A_187 : vector<128x128xf32>
    %mul3A_189 = arith.mulf %sub3A_186, %mul3A_188 : vector<128x128xf32>
    %add3A_190 = vector.broadcast %get3A_12 : vector<1x128xf32> to vector<128x128xf32>
    %add3A_191 = arith.addf %mul3A_189, %add3A_190 : vector<128x128xf32>
    %swap3A_192 = arith.constant 0 : index
    %swap3A_193 = arith.constant 384 : index
    %swap3A_194 = arith.constant 0 : index
    %swap3A_195 = vector.load %arg7[%swap3A_192, %swap3A_193, %swap3A_194] : memref<1x2048x128xf32, #tpu.memory_space<vmem>>, vector<1x128x128xf32>
    %swap3A_196 = vector.shape_cast %swap3A_195 : vector<1x128x128xf32> to vector<128x128xf32>
    %swap3A_197 = vector.shape_cast %add3A_191 : vector<128x128xf32> to vector<1x128x128xf32>
    tpu.vector_store %arg7[%swap3A_192, %swap3A_193, %swap3A_194], %swap3A_197 {strides = array<i32>} : memref<1x2048x128xf32, #tpu.memory_space<vmem>>, vector<1x128x128xf32>,
    %get3A_198 = arith.constant 512 : index
    %get3A_199 = arith.constant 0 : index
    %get3A_200 = vector.load %arg2[%get3A_198, %get3A_199] : memref<2048x32xf32, #tpu.memory_space<vmem>>, vector<128x32xf32>
    %mul3A_201 = vector.broadcast %convert_element_type3A_14 : vector<1x32xf32> to vector<128x32xf32>
    %mul3A_202 = arith.mulf %get3A_200, %mul3A_201 : vector<128x32xf32>
    %reduce_sum3A_203 = arith.constant dense<0.000000e+00> : vector<128xf32>
    %reduce_sum3A_204 = vector.multi_reduction <add>, %mul3A_202, %reduce_sum3A_203 [1] : vector<128x32xf32> to vector<128xf32>
    %broadcast_in_dim3A_205 = vector.shape_cast %reduce_sum3A_204 : vector<128xf32> to vector<128x1xf32>
    %get3A_206 = arith.constant 0 : index
    %get3A_207 = arith.constant 512 : index
    %get3A_208 = arith.constant 0 : index
    %get3A_209 = vector.load %arg1[%get3A_206, %get3A_207, %get3A_208] : memref<1x2048x128xf32, #tpu.memory_space<vmem>>, vector<1x128x128xf32>
    %get3A_210 = vector.shape_cast %get3A_209 : vector<1x128x128xf32> to vector<128x128xf32>
    %get3A_211 = arith.constant 512 : index
    %get3A_212 = arith.constant 0 : index
    %get3A_213 = vector.load %arg3[%get3A_211, %get3A_212] : memref<2048x128xf32, #tpu.memory_space<vmem>>, vector<128x128xf32>
    %add3A_214 = arith.addf %get3A_210, %get3A_213 : vector<128x128xf32>
    %mul3A_215 = vector.broadcast %broadcast_in_dim3A_205 : vector<128x1xf32> to vector<128x128xf32>
    %mul3A_216 = vector.broadcast %sub3A : vector<1x128xf32> to vector<128x128xf32>
    %mul3A_217 = arith.mulf %mul3A_215, %mul3A_216 : vector<128x128xf32>
    %add3A_218 = vector.broadcast %get3A_2 : vector<1x128xf32> to vector<128x128xf32>
    %add3A_219 = arith.addf %add3A_218, %mul3A_217 : vector<128x128xf32>
    %add3A_220 = arith.addf %add3A_214, %add3A_219 : vector<128x128xf32>
    %convert_element_type3A_221 = arith.truncf %add3A_220 : vector<128x128xf32> to vector<128x128xbf16>
    %mul3A_222 = arith.mulf %convert_element_type3A_221, %convert_element_type3A_221 : vector<128x128xbf16>
    %dot_general3A_223 = arith.constant dense<0.000000e+00> : vector<128x128xf32>
    %dot_general3A_224 = tpu.matmul %convert_element_type3A_221, %broadcast_in_dim3A_6, %dot_general3A_223 {dimension_numbers = #tpu.dot_dimension_numbers<[1], [0], [0], [1], [0, 0, 1, 1], [], []>, transpose_lhs_hint = false} : vector<128x128xbf16>, vector<128x128xbf16>, vector<128x128xf32> -> vector<128x128xf32>
    %dot_general3A_225 = arith.constant dense<0.000000e+00> : vector<128x128xf32>
    %dot_general3A_226 = tpu.matmul %mul3A_222, %broadcast_in_dim3A_6, %dot_general3A_225 {dimension_numbers = #tpu.dot_dimension_numbers<[1], [0], [0], [1], [0, 0, 1, 1], [], []>, transpose_lhs_hint = false} : vector<128x128xbf16>, vector<128x128xbf16>, vector<128x128xf32> -> vector<128x128xf32>
    %mul3A_227 = arith.mulf %dot_general3A_224, %dot_general3A_224 : vector<128x128xf32>
    %sub3A_228 = arith.subf %dot_general3A_226, %mul3A_227 : vector<128x128xf32>
    %add3A_229 = arith.constant 9.99999974E-6 : f32
    %add3A_230 = vector.broadcast %add3A_229 : f32 to vector<128x128xf32>
    %add3A_231 = arith.addf %sub3A_228, %add3A_230 : vector<128x128xf32>
    %rsqrt3A_232 = math.rsqrt %add3A_231 : vector<128x128xf32>
    %sub3A_233 = arith.subf %add3A_220, %dot_general3A_224 : vector<128x128xf32>
    %mul3A_234 = vector.broadcast %get3A_9 : vector<1x128xf32> to vector<128x128xf32>
    %mul3A_235 = arith.mulf %rsqrt3A_232, %mul3A_234 : vector<128x128xf32>
    %mul3A_236 = arith.mulf %sub3A_233, %mul3A_235 : vector<128x128xf32>
    %add3A_237 = vector.broadcast %get3A_12 : vector<1x128xf32> to vector<128x128xf32>
    %add3A_238 = arith.addf %mul3A_236, %add3A_237 : vector<128x128xf32>
    %swap3A_239 = arith.constant 0 : index
    %swap3A_240 = arith.constant 512 : index
    %swap3A_241 = arith.constant 0 : index
    %swap3A_242 = vector.load %arg7[%swap3A_239, %swap3A_240, %swap3A_241] : memref<1x2048x128xf32, #tpu.memory_space<vmem>>, vector<1x128x128xf32>
    %swap3A_243 = vector.shape_cast %swap3A_242 : vector<1x128x128xf32> to vector<128x128xf32>
    %swap3A_244 = vector.shape_cast %add3A_238 : vector<128x128xf32> to vector<1x128x128xf32>
    tpu.vector_store %arg7[%swap3A_239, %swap3A_240, %swap3A_241], %swap3A_244 {strides = array<i32>} : memref<1x2048x128xf32, #tpu.memory_space<vmem>>, vector<1x128x128xf32>,
    %get3A_245 = arith.constant 640 : index
    %get3A_246 = arith.constant 0 : index
    %get3A_247 = vector.load %arg2[%get3A_245, %get3A_246] : memref<2048x32xf32, #tpu.memory_space<vmem>>, vector<128x32xf32>
    %mul3A_248 = vector.broadcast %convert_element_type3A_14 : vector<1x32xf32> to vector<128x32xf32>
    %mul3A_249 = arith.mulf %get3A_247, %mul3A_248 : vector<128x32xf32>
    %reduce_sum3A_250 = arith.constant dense<0.000000e+00> : vector<128xf32>
    %reduce_sum3A_251 = vector.multi_reduction <add>, %mul3A_249, %reduce_sum3A_250 [1] : vector<128x32xf32> to vector<128xf32>
    %broadcast_in_dim3A_252 = vector.shape_cast %reduce_sum3A_251 : vector<128xf32> to vector<128x1xf32>
    %get3A_253 = arith.constant 0 : index
    %get3A_254 = arith.constant 640 : index
    %get3A_255 = arith.constant 0 : index
    %get3A_256 = vector.load %arg1[%get3A_253, %get3A_254, %get3A_255] : memref<1x2048x128xf32, #tpu.memory_space<vmem>>, vector<1x128x128xf32>
    %get3A_257 = vector.shape_cast %get3A_256 : vector<1x128x128xf32> to vector<128x128xf32>
    %get3A_258 = arith.constant 640 : index
    %get3A_259 = arith.constant 0 : index
    %get3A_260 = vector.load %arg3[%get3A_258, %get3A_259] : memref<2048x128xf32, #tpu.memory_space<vmem>>, vector<128x128xf32>
    %add3A_261 = arith.addf %get3A_257, %get3A_260 : vector<128x128xf32>
    %mul3A_262 = vector.broadcast %broadcast_in_dim3A_252 : vector<128x1xf32> to vector<128x128xf32>
    %mul3A_263 = vector.broadcast %sub3A : vector<1x128xf32> to vector<128x128xf32>
    %mul3A_264 = arith.mulf %mul3A_262, %mul3A_263 : vector<128x128xf32>
    %add3A_265 = vector.broadcast %get3A_2 : vector<1x128xf32> to vector<128x128xf32>
    %add3A_266 = arith.addf %add3A_265, %mul3A_264 : vector<128x128xf32>
    %add3A_267 = arith.addf %add3A_261, %add3A_266 : vector<128x128xf32>
    %convert_element_type3A_268 = arith.truncf %add3A_267 : vector<128x128xf32> to vector<128x128xbf16>
    %mul3A_269 = arith.mulf %convert_element_type3A_268, %convert_element_type3A_268 : vector<128x128xbf16>
    %dot_general3A_270 = arith.constant dense<0.000000e+00> : vector<128x128xf32>
    %dot_general3A_271 = tpu.matmul %convert_element_type3A_268, %broadcast_in_dim3A_6, %dot_general3A_270 {dimension_numbers = #tpu.dot_dimension_numbers<[1], [0], [0], [1], [0, 0, 1, 1], [], []>, transpose_lhs_hint = false} : vector<128x128xbf16>, vector<128x128xbf16>, vector<128x128xf32> -> vector<128x128xf32>
    %dot_general3A_272 = arith.constant dense<0.000000e+00> : vector<128x128xf32>
    %dot_general3A_273 = tpu.matmul %mul3A_269, %broadcast_in_dim3A_6, %dot_general3A_272 {dimension_numbers = #tpu.dot_dimension_numbers<[1], [0], [0], [1], [0, 0, 1, 1], [], []>, transpose_lhs_hint = false} : vector<128x128xbf16>, vector<128x128xbf16>, vector<128x128xf32> -> vector<128x128xf32>
    %mul3A_274 = arith.mulf %dot_general3A_271, %dot_general3A_271 : vector<128x128xf32>
    %sub3A_275 = arith.subf %dot_general3A_273, %mul3A_274 : vector<128x128xf32>
    %add3A_276 = arith.constant 9.99999974E-6 : f32
    %add3A_277 = vector.broadcast %add3A_276 : f32 to vector<128x128xf32>
    %add3A_278 = arith.addf %sub3A_275, %add3A_277 : vector<128x128xf32>
    %rsqrt3A_279 = math.rsqrt %add3A_278 : vector<128x128xf32>
    %sub3A_280 = arith.subf %add3A_267, %dot_general3A_271 : vector<128x128xf32>
    %mul3A_281 = vector.broadcast %get3A_9 : vector<1x128xf32> to vector<128x128xf32>
    %mul3A_282 = arith.mulf %rsqrt3A_279, %mul3A_281 : vector<128x128xf32>
    %mul3A_283 = arith.mulf %sub3A_280, %mul3A_282 : vector<128x128xf32>
    %add3A_284 = vector.broadcast %get3A_12 : vector<1x128xf32> to vector<128x128xf32>
    %add3A_285 = arith.addf %mul3A_283, %add3A_284 : vector<128x128xf32>
    %swap3A_286 = arith.constant 0 : index
    %swap3A_287 = arith.constant 640 : index
    %swap3A_288 = arith.constant 0 : index
    %swap3A_289 = vector.load %arg7[%swap3A_286, %swap3A_287, %swap3A_288] : memref<1x2048x128xf32, #tpu.memory_space<vmem>>, vector<1x128x128xf32>
    %swap3A_290 = vector.shape_cast %swap3A_289 : vector<1x128x128xf32> to vector<128x128xf32>
    %swap3A_291 = vector.shape_cast %add3A_285 : vector<128x128xf32> to vector<1x128x128xf32>
    tpu.vector_store %arg7[%swap3A_286, %swap3A_287, %swap3A_288], %swap3A_291 {strides = array<i32>} : memref<1x2048x128xf32, #tpu.memory_space<vmem>>, vector<1x128x128xf32>,
    %get3A_292 = arith.constant 768 : index
    %get3A_293 = arith.constant 0 : index
    %get3A_294 = vector.load %arg2[%get3A_292, %get3A_293] : memref<2048x32xf32, #tpu.memory_space<vmem>>, vector<128x32xf32>
    %mul3A_295 = vector.broadcast %convert_element_type3A_14 : vector<1x32xf32> to vector<128x32xf32>
    %mul3A_296 = arith.mulf %get3A_294, %mul3A_295 : vector<128x32xf32>
    %reduce_sum3A_297 = arith.constant dense<0.000000e+00> : vector<128xf32>
    %reduce_sum3A_298 = vector.multi_reduction <add>, %mul3A_296, %reduce_sum3A_297 [1] : vector<128x32xf32> to vector<128xf32>
    %broadcast_in_dim3A_299 = vector.shape_cast %reduce_sum3A_298 : vector<128xf32> to vector<128x1xf32>
    %get3A_300 = arith.constant 0 : index
    %get3A_301 = arith.constant 768 : index
    %get3A_302 = arith.constant 0 : index
    %get3A_303 = vector.load %arg1[%get3A_300, %get3A_301, %get3A_302] : memref<1x2048x128xf32, #tpu.memory_space<vmem>>, vector<1x128x128xf32>
    %get3A_304 = vector.shape_cast %get3A_303 : vector<1x128x128xf32> to vector<128x128xf32>
    %get3A_305 = arith.constant 768 : index
    %get3A_306 = arith.constant 0 : index
    %get3A_307 = vector.load %arg3[%get3A_305, %get3A_306] : memref<2048x128xf32, #tpu.memory_space<vmem>>, vector<128x128xf32>
    %add3A_308 = arith.addf %get3A_304, %get3A_307 : vector<128x128xf32>
    %mul3A_309 = vector.broadcast %broadcast_in_dim3A_299 : vector<128x1xf32> to vector<128x128xf32>
    %mul3A_310 = vector.broadcast %sub3A : vector<1x128xf32> to vector<128x128xf32>
    %mul3A_311 = arith.mulf %mul3A_309, %mul3A_310 : vector<128x128xf32>
    %add3A_312 = vector.broadcast %get3A_2 : vector<1x128xf32> to vector<128x128xf32>
    %add3A_313 = arith.addf %add3A_312, %mul3A_311 : vector<128x128xf32>
    %add3A_314 = arith.addf %add3A_308, %add3A_313 : vector<128x128xf32>
    %convert_element_type3A_315 = arith.truncf %add3A_314 : vector<128x128xf32> to vector<128x128xbf16>
    %mul3A_316 = arith.mulf %convert_element_type3A_315, %convert_element_type3A_315 : vector<128x128xbf16>
    %dot_general3A_317 = arith.constant dense<0.000000e+00> : vector<128x128xf32>
    %dot_general3A_318 = tpu.matmul %convert_element_type3A_315, %broadcast_in_dim3A_6, %dot_general3A_317 {dimension_numbers = #tpu.dot_dimension_numbers<[1], [0], [0], [1], [0, 0, 1, 1], [], []>, transpose_lhs_hint = false} : vector<128x128xbf16>, vector<128x128xbf16>, vector<128x128xf32> -> vector<128x128xf32>
    %dot_general3A_319 = arith.constant dense<0.000000e+00> : vector<128x128xf32>
    %dot_general3A_320 = tpu.matmul %mul3A_316, %broadcast_in_dim3A_6, %dot_general3A_319 {dimension_numbers = #tpu.dot_dimension_numbers<[1], [0], [0], [1], [0, 0, 1, 1], [], []>, transpose_lhs_hint = false} : vector<128x128xbf16>, vector<128x128xbf16>, vector<128x128xf32> -> vector<128x128xf32>
    %mul3A_321 = arith.mulf %dot_general3A_318, %dot_general3A_318 : vector<128x128xf32>
    %sub3A_322 = arith.subf %dot_general3A_320, %mul3A_321 : vector<128x128xf32>
    %add3A_323 = arith.constant 9.99999974E-6 : f32
    %add3A_324 = vector.broadcast %add3A_323 : f32 to vector<128x128xf32>
    %add3A_325 = arith.addf %sub3A_322, %add3A_324 : vector<128x128xf32>
    %rsqrt3A_326 = math.rsqrt %add3A_325 : vector<128x128xf32>
    %sub3A_327 = arith.subf %add3A_314, %dot_general3A_318 : vector<128x128xf32>
    %mul3A_328 = vector.broadcast %get3A_9 : vector<1x128xf32> to vector<128x128xf32>
    %mul3A_329 = arith.mulf %rsqrt3A_326, %mul3A_328 : vector<128x128xf32>
    %mul3A_330 = arith.mulf %sub3A_327, %mul3A_329 : vector<128x128xf32>
    %add3A_331 = vector.broadcast %get3A_12 : vector<1x128xf32> to vector<128x128xf32>
    %add3A_332 = arith.addf %mul3A_330, %add3A_331 : vector<128x128xf32>
    %swap3A_333 = arith.constant 0 : index
    %swap3A_334 = arith.constant 768 : index
    %swap3A_335 = arith.constant 0 : index
    %swap3A_336 = vector.load %arg7[%swap3A_333, %swap3A_334, %swap3A_335] : memref<1x2048x128xf32, #tpu.memory_space<vmem>>, vector<1x128x128xf32>
    %swap3A_337 = vector.shape_cast %swap3A_336 : vector<1x128x128xf32> to vector<128x128xf32>
    %swap3A_338 = vector.shape_cast %add3A_332 : vector<128x128xf32> to vector<1x128x128xf32>
    tpu.vector_store %arg7[%swap3A_333, %swap3A_334, %swap3A_335], %swap3A_338 {strides = array<i32>} : memref<1x2048x128xf32, #tpu.memory_space<vmem>>, vector<1x128x128xf32>,
    %get3A_339 = arith.constant 896 : index
    %get3A_340 = arith.constant 0 : index
    %get3A_341 = vector.load %arg2[%get3A_339, %get3A_340] : memref<2048x32xf32, #tpu.memory_space<vmem>>, vector<128x32xf32>
    %mul3A_342 = vector.broadcast %convert_element_type3A_14 : vector<1x32xf32> to vector<128x32xf32>
    %mul3A_343 = arith.mulf %get3A_341, %mul3A_342 : vector<128x32xf32>
    %reduce_sum3A_344 = arith.constant dense<0.000000e+00> : vector<128xf32>
    %reduce_sum3A_345 = vector.multi_reduction <add>, %mul3A_343, %reduce_sum3A_344 [1] : vector<128x32xf32> to vector<128xf32>
    %broadcast_in_dim3A_346 = vector.shape_cast %reduce_sum3A_345 : vector<128xf32> to vector<128x1xf32>
    %get3A_347 = arith.constant 0 : index
    %get3A_348 = arith.constant 896 : index
    %get3A_349 = arith.constant 0 : index
    %get3A_350 = vector.load %arg1[%get3A_347, %get3A_348, %get3A_349] : memref<1x2048x128xf32, #tpu.memory_space<vmem>>, vector<1x128x128xf32>
    %get3A_351 = vector.shape_cast %get3A_350 : vector<1x128x128xf32> to vector<128x128xf32>
    %get3A_352 = arith.constant 896 : index
    %get3A_353 = arith.constant 0 : index
    %get3A_354 = vector.load %arg3[%get3A_352, %get3A_353] : memref<2048x128xf32, #tpu.memory_space<vmem>>, vector<128x128xf32>
    %add3A_355 = arith.addf %get3A_351, %get3A_354 : vector<128x128xf32>
    %mul3A_356 = vector.broadcast %broadcast_in_dim3A_346 : vector<128x1xf32> to vector<128x128xf32>
    %mul3A_357 = vector.broadcast %sub3A : vector<1x128xf32> to vector<128x128xf32>
    %mul3A_358 = arith.mulf %mul3A_356, %mul3A_357 : vector<128x128xf32>
    %add3A_359 = vector.broadcast %get3A_2 : vector<1x128xf32> to vector<128x128xf32>
    %add3A_360 = arith.addf %add3A_359, %mul3A_358 : vector<128x128xf32>
    %add3A_361 = arith.addf %add3A_355, %add3A_360 : vector<128x128xf32>
    %convert_element_type3A_362 = arith.truncf %add3A_361 : vector<128x128xf32> to vector<128x128xbf16>
    %mul3A_363 = arith.mulf %convert_element_type3A_362, %convert_element_type3A_362 : vector<128x128xbf16>
    %dot_general3A_364 = arith.constant dense<0.000000e+00> : vector<128x128xf32>
    %dot_general3A_365 = tpu.matmul %convert_element_type3A_362, %broadcast_in_dim3A_6, %dot_general3A_364 {dimension_numbers = #tpu.dot_dimension_numbers<[1], [0], [0], [1], [0, 0, 1, 1], [], []>, transpose_lhs_hint = false} : vector<128x128xbf16>, vector<128x128xbf16>, vector<128x128xf32> -> vector<128x128xf32>
    %dot_general3A_366 = arith.constant dense<0.000000e+00> : vector<128x128xf32>
    %dot_general3A_367 = tpu.matmul %mul3A_363, %broadcast_in_dim3A_6, %dot_general3A_366 {dimension_numbers = #tpu.dot_dimension_numbers<[1], [0], [0], [1], [0, 0, 1, 1], [], []>, transpose_lhs_hint = false} : vector<128x128xbf16>, vector<128x128xbf16>, vector<128x128xf32> -> vector<128x128xf32>
    %mul3A_368 = arith.mulf %dot_general3A_365, %dot_general3A_365 : vector<128x128xf32>
    %sub3A_369 = arith.subf %dot_general3A_367, %mul3A_368 : vector<128x128xf32>
    %add3A_370 = arith.constant 9.99999974E-6 : f32
    %add3A_371 = vector.broadcast %add3A_370 : f32 to vector<128x128xf32>
    %add3A_372 = arith.addf %sub3A_369, %add3A_371 : vector<128x128xf32>
    %rsqrt3A_373 = math.rsqrt %add3A_372 : vector<128x128xf32>
    %sub3A_374 = arith.subf %add3A_361, %dot_general3A_365 : vector<128x128xf32>
    %mul3A_375 = vector.broadcast %get3A_9 : vector<1x128xf32> to vector<128x128xf32>
    %mul3A_376 = arith.mulf %rsqrt3A_373, %mul3A_375 : vector<128x128xf32>
    %mul3A_377 = arith.mulf %sub3A_374, %mul3A_376 : vector<128x128xf32>
    %add3A_378 = vector.broadcast %get3A_12 : vector<1x128xf32> to vector<128x128xf32>
    %add3A_379 = arith.addf %mul3A_377, %add3A_378 : vector<128x128xf32>
    %swap3A_380 = arith.constant 0 : index
    %swap3A_381 = arith.constant 896 : index
    %swap3A_382 = arith.constant 0 : index
    %swap3A_383 = vector.load %arg7[%swap3A_380, %swap3A_381, %swap3A_382] : memref<1x2048x128xf32, #tpu.memory_space<vmem>>, vector<1x128x128xf32>
    %swap3A_384 = vector.shape_cast %swap3A_383 : vector<1x128x128xf32> to vector<128x128xf32>
    %swap3A_385 = vector.shape_cast %add3A_379 : vector<128x128xf32> to vector<1x128x128xf32>
    tpu.vector_store %arg7[%swap3A_380, %swap3A_381, %swap3A_382], %swap3A_385 {strides = array<i32>} : memref<1x2048x128xf32, #tpu.memory_space<vmem>>, vector<1x128x128xf32>,
    %get3A_386 = arith.constant 1024 : index
    %get3A_387 = arith.constant 0 : index
    %get3A_388 = vector.load %arg2[%get3A_386, %get3A_387] : memref<2048x32xf32, #tpu.memory_space<vmem>>, vector<128x32xf32>
    %mul3A_389 = vector.broadcast %convert_element_type3A_14 : vector<1x32xf32> to vector<128x32xf32>
    %mul3A_390 = arith.mulf %get3A_388, %mul3A_389 : vector<128x32xf32>
    %reduce_sum3A_391 = arith.constant dense<0.000000e+00> : vector<128xf32>
    %reduce_sum3A_392 = vector.multi_reduction <add>, %mul3A_390, %reduce_sum3A_391 [1] : vector<128x32xf32> to vector<128xf32>
    %broadcast_in_dim3A_393 = vector.shape_cast %reduce_sum3A_392 : vector<128xf32> to vector<128x1xf32>
    %get3A_394 = arith.constant 0 : index
    %get3A_395 = arith.constant 1024 : index
    %get3A_396 = arith.constant 0 : index
    %get3A_397 = vector.load %arg1[%get3A_394, %get3A_395, %get3A_396] : memref<1x2048x128xf32, #tpu.memory_space<vmem>>, vector<1x128x128xf32>
    %get3A_398 = vector.shape_cast %get3A_397 : vector<1x128x128xf32> to vector<128x128xf32>
    %get3A_399 = arith.constant 1024 : index
    %get3A_400 = arith.constant 0 : index
    %get3A_401 = vector.load %arg3[%get3A_399, %get3A_400] : memref<2048x128xf32, #tpu.memory_space<vmem>>, vector<128x128xf32>
    %add3A_402 = arith.addf %get3A_398, %get3A_401 : vector<128x128xf32>
    %mul3A_403 = vector.broadcast %broadcast_in_dim3A_393 : vector<128x1xf32> to vector<128x128xf32>
    %mul3A_404 = vector.broadcast %sub3A : vector<1x128xf32> to vector<128x128xf32>
    %mul3A_405 = arith.mulf %mul3A_403, %mul3A_404 : vector<128x128xf32>
    %add3A_406 = vector.broadcast %get3A_2 : vector<1x128xf32> to vector<128x128xf32>
    %add3A_407 = arith.addf %add3A_406, %mul3A_405 : vector<128x128xf32>
    %add3A_408 = arith.addf %add3A_402, %add3A_407 : vector<128x128xf32>
    %convert_element_type3A_409 = arith.truncf %add3A_408 : vector<128x128xf32> to vector<128x128xbf16>
    %mul3A_410 = arith.mulf %convert_element_type3A_409, %convert_element_type3A_409 : vector<128x128xbf16>
    %dot_general3A_411 = arith.constant dense<0.000000e+00> : vector<128x128xf32>
    %dot_general3A_412 = tpu.matmul %convert_element_type3A_409, %broadcast_in_dim3A_6, %dot_general3A_411 {dimension_numbers = #tpu.dot_dimension_numbers<[1], [0], [0], [1], [0, 0, 1, 1], [], []>, transpose_lhs_hint = false} : vector<128x128xbf16>, vector<128x128xbf16>, vector<128x128xf32> -> vector<128x128xf32>
    %dot_general3A_413 = arith.constant dense<0.000000e+00> : vector<128x128xf32>
    %dot_general3A_414 = tpu.matmul %mul3A_410, %broadcast_in_dim3A_6, %dot_general3A_413 {dimension_numbers = #tpu.dot_dimension_numbers<[1], [0], [0], [1], [0, 0, 1, 1], [], []>, transpose_lhs_hint = false} : vector<128x128xbf16>, vector<128x128xbf16>, vector<128x128xf32> -> vector<128x128xf32>
    %mul3A_415 = arith.mulf %dot_general3A_412, %dot_general3A_412 : vector<128x128xf32>
    %sub3A_416 = arith.subf %dot_general3A_414, %mul3A_415 : vector<128x128xf32>
    %add3A_417 = arith.constant 9.99999974E-6 : f32
    %add3A_418 = vector.broadcast %add3A_417 : f32 to vector<128x128xf32>
    %add3A_419 = arith.addf %sub3A_416, %add3A_418 : vector<128x128xf32>
    %rsqrt3A_420 = math.rsqrt %add3A_419 : vector<128x128xf32>
    %sub3A_421 = arith.subf %add3A_408, %dot_general3A_412 : vector<128x128xf32>
    %mul3A_422 = vector.broadcast %get3A_9 : vector<1x128xf32> to vector<128x128xf32>
    %mul3A_423 = arith.mulf %rsqrt3A_420, %mul3A_422 : vector<128x128xf32>
    %mul3A_424 = arith.mulf %sub3A_421, %mul3A_423 : vector<128x128xf32>
    %add3A_425 = vector.broadcast %get3A_12 : vector<1x128xf32> to vector<128x128xf32>
    %add3A_426 = arith.addf %mul3A_424, %add3A_425 : vector<128x128xf32>
    %swap3A_427 = arith.constant 0 : index
    %swap3A_428 = arith.constant 1024 : index
    %swap3A_429 = arith.constant 0 : index
    %swap3A_430 = vector.load %arg7[%swap3A_427, %swap3A_428, %swap3A_429] : memref<1x2048x128xf32, #tpu.memory_space<vmem>>, vector<1x128x128xf32>
    %swap3A_431 = vector.shape_cast %swap3A_430 : vector<1x128x128xf32> to vector<128x128xf32>
    %swap3A_432 = vector.shape_cast %add3A_426 : vector<128x128xf32> to vector<1x128x128xf32>
    tpu.vector_store %arg7[%swap3A_427, %swap3A_428, %swap3A_429], %swap3A_432 {strides = array<i32>} : memref<1x2048x128xf32, #tpu.memory_space<vmem>>, vector<1x128x128xf32>,
    %get3A_433 = arith.constant 1152 : index
    %get3A_434 = arith.constant 0 : index
    %get3A_435 = vector.load %arg2[%get3A_433, %get3A_434] : memref<2048x32xf32, #tpu.memory_space<vmem>>, vector<128x32xf32>
    %mul3A_436 = vector.broadcast %convert_element_type3A_14 : vector<1x32xf32> to vector<128x32xf32>
    %mul3A_437 = arith.mulf %get3A_435, %mul3A_436 : vector<128x32xf32>
    %reduce_sum3A_438 = arith.constant dense<0.000000e+00> : vector<128xf32>
    %reduce_sum3A_439 = vector.multi_reduction <add>, %mul3A_437, %reduce_sum3A_438 [1] : vector<128x32xf32> to vector<128xf32>
    %broadcast_in_dim3A_440 = vector.shape_cast %reduce_sum3A_439 : vector<128xf32> to vector<128x1xf32>
    %get3A_441 = arith.constant 0 : index
    %get3A_442 = arith.constant 1152 : index
    %get3A_443 = arith.constant 0 : index
    %get3A_444 = vector.load %arg1[%get3A_441, %get3A_442, %get3A_443] : memref<1x2048x128xf32, #tpu.memory_space<vmem>>, vector<1x128x128xf32>
    %get3A_445 = vector.shape_cast %get3A_444 : vector<1x128x128xf32> to vector<128x128xf32>
    %get3A_446 = arith.constant 1152 : index
    %get3A_447 = arith.constant 0 : index
    %get3A_448 = vector.load %arg3[%get3A_446, %get3A_447] : memref<2048x128xf32, #tpu.memory_space<vmem>>, vector<128x128xf32>
    %add3A_449 = arith.addf %get3A_445, %get3A_448 : vector<128x128xf32>
    %mul3A_450 = vector.broadcast %broadcast_in_dim3A_440 : vector<128x1xf32> to vector<128x128xf32>
    %mul3A_451 = vector.broadcast %sub3A : vector<1x128xf32> to vector<128x128xf32>
    %mul3A_452 = arith.mulf %mul3A_450, %mul3A_451 : vector<128x128xf32>
    %add3A_453 = vector.broadcast %get3A_2 : vector<1x128xf32> to vector<128x128xf32>
    %add3A_454 = arith.addf %add3A_453, %mul3A_452 : vector<128x128xf32>
    %add3A_455 = arith.addf %add3A_449, %add3A_454 : vector<128x128xf32>
    %convert_element_type3A_456 = arith.truncf %add3A_455 : vector<128x128xf32> to vector<128x128xbf16>
    %mul3A_457 = arith.mulf %convert_element_type3A_456, %convert_element_type3A_456 : vector<128x128xbf16>
    %dot_general3A_458 = arith.constant dense<0.000000e+00> : vector<128x128xf32>
    %dot_general3A_459 = tpu.matmul %convert_element_type3A_456, %broadcast_in_dim3A_6, %dot_general3A_458 {dimension_numbers = #tpu.dot_dimension_numbers<[1], [0], [0], [1], [0, 0, 1, 1], [], []>, transpose_lhs_hint = false} : vector<128x128xbf16>, vector<128x128xbf16>, vector<128x128xf32> -> vector<128x128xf32>
    %dot_general3A_460 = arith.constant dense<0.000000e+00> : vector<128x128xf32>
    %dot_general3A_461 = tpu.matmul %mul3A_457, %broadcast_in_dim3A_6, %dot_general3A_460 {dimension_numbers = #tpu.dot_dimension_numbers<[1], [0], [0], [1], [0, 0, 1, 1], [], []>, transpose_lhs_hint = false} : vector<128x128xbf16>, vector<128x128xbf16>, vector<128x128xf32> -> vector<128x128xf32>
    %mul3A_462 = arith.mulf %dot_general3A_459, %dot_general3A_459 : vector<128x128xf32>
    %sub3A_463 = arith.subf %dot_general3A_461, %mul3A_462 : vector<128x128xf32>
    %add3A_464 = arith.constant 9.99999974E-6 : f32
    %add3A_465 = vector.broadcast %add3A_464 : f32 to vector<128x128xf32>
    %add3A_466 = arith.addf %sub3A_463, %add3A_465 : vector<128x128xf32>
    %rsqrt3A_467 = math.rsqrt %add3A_466 : vector<128x128xf32>
    %sub3A_468 = arith.subf %add3A_455, %dot_general3A_459 : vector<128x128xf32>
    %mul3A_469 = vector.broadcast %get3A_9 : vector<1x128xf32> to vector<128x128xf32>
    %mul3A_470 = arith.mulf %rsqrt3A_467, %mul3A_469 : vector<128x128xf32>
    %mul3A_471 = arith.mulf %sub3A_468, %mul3A_470 : vector<128x128xf32>
    %add3A_472 = vector.broadcast %get3A_12 : vector<1x128xf32> to vector<128x128xf32>
    %add3A_473 = arith.addf %mul3A_471, %add3A_472 : vector<128x128xf32>
    %swap3A_474 = arith.constant 0 : index
    %swap3A_475 = arith.constant 1152 : index
    %swap3A_476 = arith.constant 0 : index
    %swap3A_477 = vector.load %arg7[%swap3A_474, %swap3A_475, %swap3A_476] : memref<1x2048x128xf32, #tpu.memory_space<vmem>>, vector<1x128x128xf32>
    %swap3A_478 = vector.shape_cast %swap3A_477 : vector<1x128x128xf32> to vector<128x128xf32>
    %swap3A_479 = vector.shape_cast %add3A_473 : vector<128x128xf32> to vector<1x128x128xf32>
    tpu.vector_store %arg7[%swap3A_474, %swap3A_475, %swap3A_476], %swap3A_479 {strides = array<i32>} : memref<1x2048x128xf32, #tpu.memory_space<vmem>>, vector<1x128x128xf32>,
    %get3A_480 = arith.constant 1280 : index
    %get3A_481 = arith.constant 0 : index
    %get3A_482 = vector.load %arg2[%get3A_480, %get3A_481] : memref<2048x32xf32, #tpu.memory_space<vmem>>, vector<128x32xf32>
    %mul3A_483 = vector.broadcast %convert_element_type3A_14 : vector<1x32xf32> to vector<128x32xf32>
    %mul3A_484 = arith.mulf %get3A_482, %mul3A_483 : vector<128x32xf32>
    %reduce_sum3A_485 = arith.constant dense<0.000000e+00> : vector<128xf32>
    %reduce_sum3A_486 = vector.multi_reduction <add>, %mul3A_484, %reduce_sum3A_485 [1] : vector<128x32xf32> to vector<128xf32>
    %broadcast_in_dim3A_487 = vector.shape_cast %reduce_sum3A_486 : vector<128xf32> to vector<128x1xf32>
    %get3A_488 = arith.constant 0 : index
    %get3A_489 = arith.constant 1280 : index
    %get3A_490 = arith.constant 0 : index
    %get3A_491 = vector.load %arg1[%get3A_488, %get3A_489, %get3A_490] : memref<1x2048x128xf32, #tpu.memory_space<vmem>>, vector<1x128x128xf32>
    %get3A_492 = vector.shape_cast %get3A_491 : vector<1x128x128xf32> to vector<128x128xf32>
    %get3A_493 = arith.constant 1280 : index
    %get3A_494 = arith.constant 0 : index
    %get3A_495 = vector.load %arg3[%get3A_493, %get3A_494] : memref<2048x128xf32, #tpu.memory_space<vmem>>, vector<128x128xf32>
    %add3A_496 = arith.addf %get3A_492, %get3A_495 : vector<128x128xf32>
    %mul3A_497 = vector.broadcast %broadcast_in_dim3A_487 : vector<128x1xf32> to vector<128x128xf32>
    %mul3A_498 = vector.broadcast %sub3A : vector<1x128xf32> to vector<128x128xf32>
    %mul3A_499 = arith.mulf %mul3A_497, %mul3A_498 : vector<128x128xf32>
    %add3A_500 = vector.broadcast %get3A_2 : vector<1x128xf32> to vector<128x128xf32>
    %add3A_501 = arith.addf %add3A_500, %mul3A_499 : vector<128x128xf32>
    %add3A_502 = arith.addf %add3A_496, %add3A_501 : vector<128x128xf32>
    %convert_element_type3A_503 = arith.truncf %add3A_502 : vector<128x128xf32> to vector<128x128xbf16>
    %mul3A_504 = arith.mulf %convert_element_type3A_503, %convert_element_type3A_503 : vector<128x128xbf16>
    %dot_general3A_505 = arith.constant dense<0.000000e+00> : vector<128x128xf32>
    %dot_general3A_506 = tpu.matmul %convert_element_type3A_503, %broadcast_in_dim3A_6, %dot_general3A_505 {dimension_numbers = #tpu.dot_dimension_numbers<[1], [0], [0], [1], [0, 0, 1, 1], [], []>, transpose_lhs_hint = false} : vector<128x128xbf16>, vector<128x128xbf16>, vector<128x128xf32> -> vector<128x128xf32>
    %dot_general3A_507 = arith.constant dense<0.000000e+00> : vector<128x128xf32>
    %dot_general3A_508 = tpu.matmul %mul3A_504, %broadcast_in_dim3A_6, %dot_general3A_507 {dimension_numbers = #tpu.dot_dimension_numbers<[1], [0], [0], [1], [0, 0, 1, 1], [], []>, transpose_lhs_hint = false} : vector<128x128xbf16>, vector<128x128xbf16>, vector<128x128xf32> -> vector<128x128xf32>
    %mul3A_509 = arith.mulf %dot_general3A_506, %dot_general3A_506 : vector<128x128xf32>
    %sub3A_510 = arith.subf %dot_general3A_508, %mul3A_509 : vector<128x128xf32>
    %add3A_511 = arith.constant 9.99999974E-6 : f32
    %add3A_512 = vector.broadcast %add3A_511 : f32 to vector<128x128xf32>
    %add3A_513 = arith.addf %sub3A_510, %add3A_512 : vector<128x128xf32>
    %rsqrt3A_514 = math.rsqrt %add3A_513 : vector<128x128xf32>
    %sub3A_515 = arith.subf %add3A_502, %dot_general3A_506 : vector<128x128xf32>
    %mul3A_516 = vector.broadcast %get3A_9 : vector<1x128xf32> to vector<128x128xf32>
    %mul3A_517 = arith.mulf %rsqrt3A_514, %mul3A_516 : vector<128x128xf32>
    %mul3A_518 = arith.mulf %sub3A_515, %mul3A_517 : vector<128x128xf32>
    %add3A_519 = vector.broadcast %get3A_12 : vector<1x128xf32> to vector<128x128xf32>
    %add3A_520 = arith.addf %mul3A_518, %add3A_519 : vector<128x128xf32>
    %swap3A_521 = arith.constant 0 : index
    %swap3A_522 = arith.constant 1280 : index
    %swap3A_523 = arith.constant 0 : index
    %swap3A_524 = vector.load %arg7[%swap3A_521, %swap3A_522, %swap3A_523] : memref<1x2048x128xf32, #tpu.memory_space<vmem>>, vector<1x128x128xf32>
    %swap3A_525 = vector.shape_cast %swap3A_524 : vector<1x128x128xf32> to vector<128x128xf32>
    %swap3A_526 = vector.shape_cast %add3A_520 : vector<128x128xf32> to vector<1x128x128xf32>
    tpu.vector_store %arg7[%swap3A_521, %swap3A_522, %swap3A_523], %swap3A_526 {strides = array<i32>} : memref<1x2048x128xf32, #tpu.memory_space<vmem>>, vector<1x128x128xf32>,
    %get3A_527 = arith.constant 1408 : index
    %get3A_528 = arith.constant 0 : index
    %get3A_529 = vector.load %arg2[%get3A_527, %get3A_528] : memref<2048x32xf32, #tpu.memory_space<vmem>>, vector<128x32xf32>
    %mul3A_530 = vector.broadcast %convert_element_type3A_14 : vector<1x32xf32> to vector<128x32xf32>
    %mul3A_531 = arith.mulf %get3A_529, %mul3A_530 : vector<128x32xf32>
    %reduce_sum3A_532 = arith.constant dense<0.000000e+00> : vector<128xf32>
    %reduce_sum3A_533 = vector.multi_reduction <add>, %mul3A_531, %reduce_sum3A_532 [1] : vector<128x32xf32> to vector<128xf32>
    %broadcast_in_dim3A_534 = vector.shape_cast %reduce_sum3A_533 : vector<128xf32> to vector<128x1xf32>
    %get3A_535 = arith.constant 0 : index
    %get3A_536 = arith.constant 1408 : index
    %get3A_537 = arith.constant 0 : index
    %get3A_538 = vector.load %arg1[%get3A_535, %get3A_536, %get3A_537] : memref<1x2048x128xf32, #tpu.memory_space<vmem>>, vector<1x128x128xf32>
    %get3A_539 = vector.shape_cast %get3A_538 : vector<1x128x128xf32> to vector<128x128xf32>
    %get3A_540 = arith.constant 1408 : index
    %get3A_541 = arith.constant 0 : index
    %get3A_542 = vector.load %arg3[%get3A_540, %get3A_541] : memref<2048x128xf32, #tpu.memory_space<vmem>>, vector<128x128xf32>
    %add3A_543 = arith.addf %get3A_539, %get3A_542 : vector<128x128xf32>
    %mul3A_544 = vector.broadcast %broadcast_in_dim3A_534 : vector<128x1xf32> to vector<128x128xf32>
    %mul3A_545 = vector.broadcast %sub3A : vector<1x128xf32> to vector<128x128xf32>
    %mul3A_546 = arith.mulf %mul3A_544, %mul3A_545 : vector<128x128xf32>
    %add3A_547 = vector.broadcast %get3A_2 : vector<1x128xf32> to vector<128x128xf32>
    %add3A_548 = arith.addf %add3A_547, %mul3A_546 : vector<128x128xf32>
    %add3A_549 = arith.addf %add3A_543, %add3A_548 : vector<128x128xf32>
    %convert_element_type3A_550 = arith.truncf %add3A_549 : vector<128x128xf32> to vector<128x128xbf16>
    %mul3A_551 = arith.mulf %convert_element_type3A_550, %convert_element_type3A_550 : vector<128x128xbf16>
    %dot_general3A_552 = arith.constant dense<0.000000e+00> : vector<128x128xf32>
    %dot_general3A_553 = tpu.matmul %convert_element_type3A_550, %broadcast_in_dim3A_6, %dot_general3A_552 {dimension_numbers = #tpu.dot_dimension_numbers<[1], [0], [0], [1], [0, 0, 1, 1], [], []>, transpose_lhs_hint = false} : vector<128x128xbf16>, vector<128x128xbf16>, vector<128x128xf32> -> vector<128x128xf32>
    %dot_general3A_554 = arith.constant dense<0.000000e+00> : vector<128x128xf32>
    %dot_general3A_555 = tpu.matmul %mul3A_551, %broadcast_in_dim3A_6, %dot_general3A_554 {dimension_numbers = #tpu.dot_dimension_numbers<[1], [0], [0], [1], [0, 0, 1, 1], [], []>, transpose_lhs_hint = false} : vector<128x128xbf16>, vector<128x128xbf16>, vector<128x128xf32> -> vector<128x128xf32>
    %mul3A_556 = arith.mulf %dot_general3A_553, %dot_general3A_553 : vector<128x128xf32>
    %sub3A_557 = arith.subf %dot_general3A_555, %mul3A_556 : vector<128x128xf32>
    %add3A_558 = arith.constant 9.99999974E-6 : f32
    %add3A_559 = vector.broadcast %add3A_558 : f32 to vector<128x128xf32>
    %add3A_560 = arith.addf %sub3A_557, %add3A_559 : vector<128x128xf32>
    %rsqrt3A_561 = math.rsqrt %add3A_560 : vector<128x128xf32>
    %sub3A_562 = arith.subf %add3A_549, %dot_general3A_553 : vector<128x128xf32>
    %mul3A_563 = vector.broadcast %get3A_9 : vector<1x128xf32> to vector<128x128xf32>
    %mul3A_564 = arith.mulf %rsqrt3A_561, %mul3A_563 : vector<128x128xf32>
    %mul3A_565 = arith.mulf %sub3A_562, %mul3A_564 : vector<128x128xf32>
    %add3A_566 = vector.broadcast %get3A_12 : vector<1x128xf32> to vector<128x128xf32>
    %add3A_567 = arith.addf %mul3A_565, %add3A_566 : vector<128x128xf32>
    %swap3A_568 = arith.constant 0 : index
    %swap3A_569 = arith.constant 1408 : index
    %swap3A_570 = arith.constant 0 : index
    %swap3A_571 = vector.load %arg7[%swap3A_568, %swap3A_569, %swap3A_570] : memref<1x2048x128xf32, #tpu.memory_space<vmem>>, vector<1x128x128xf32>
    %swap3A_572 = vector.shape_cast %swap3A_571 : vector<1x128x128xf32> to vector<128x128xf32>
    %swap3A_573 = vector.shape_cast %add3A_567 : vector<128x128xf32> to vector<1x128x128xf32>
    tpu.vector_store %arg7[%swap3A_568, %swap3A_569, %swap3A_570], %swap3A_573 {strides = array<i32>} : memref<1x2048x128xf32, #tpu.memory_space<vmem>>, vector<1x128x128xf32>,
    %get3A_574 = arith.constant 1536 : index
    %get3A_575 = arith.constant 0 : index
    %get3A_576 = vector.load %arg2[%get3A_574, %get3A_575] : memref<2048x32xf32, #tpu.memory_space<vmem>>, vector<128x32xf32>
    %mul3A_577 = vector.broadcast %convert_element_type3A_14 : vector<1x32xf32> to vector<128x32xf32>
    %mul3A_578 = arith.mulf %get3A_576, %mul3A_577 : vector<128x32xf32>
    %reduce_sum3A_579 = arith.constant dense<0.000000e+00> : vector<128xf32>
    %reduce_sum3A_580 = vector.multi_reduction <add>, %mul3A_578, %reduce_sum3A_579 [1] : vector<128x32xf32> to vector<128xf32>
    %broadcast_in_dim3A_581 = vector.shape_cast %reduce_sum3A_580 : vector<128xf32> to vector<128x1xf32>
    %get3A_582 = arith.constant 0 : index
    %get3A_583 = arith.constant 1536 : index
    %get3A_584 = arith.constant 0 : index
    %get3A_585 = vector.load %arg1[%get3A_582, %get3A_583, %get3A_584] : memref<1x2048x128xf32, #tpu.memory_space<vmem>>, vector<1x128x128xf32>
    %get3A_586 = vector.shape_cast %get3A_585 : vector<1x128x128xf32> to vector<128x128xf32>
    %get3A_587 = arith.constant 1536 : index
    %get3A_588 = arith.constant 0 : index
    %get3A_589 = vector.load %arg3[%get3A_587, %get3A_588] : memref<2048x128xf32, #tpu.memory_space<vmem>>, vector<128x128xf32>
    %add3A_590 = arith.addf %get3A_586, %get3A_589 : vector<128x128xf32>
    %mul3A_591 = vector.broadcast %broadcast_in_dim3A_581 : vector<128x1xf32> to vector<128x128xf32>
    %mul3A_592 = vector.broadcast %sub3A : vector<1x128xf32> to vector<128x128xf32>
    %mul3A_593 = arith.mulf %mul3A_591, %mul3A_592 : vector<128x128xf32>
    %add3A_594 = vector.broadcast %get3A_2 : vector<1x128xf32> to vector<128x128xf32>
    %add3A_595 = arith.addf %add3A_594, %mul3A_593 : vector<128x128xf32>
    %add3A_596 = arith.addf %add3A_590, %add3A_595 : vector<128x128xf32>
    %convert_element_type3A_597 = arith.truncf %add3A_596 : vector<128x128xf32> to vector<128x128xbf16>
    %mul3A_598 = arith.mulf %convert_element_type3A_597, %convert_element_type3A_597 : vector<128x128xbf16>
    %dot_general3A_599 = arith.constant dense<0.000000e+00> : vector<128x128xf32>
    %dot_general3A_600 = tpu.matmul %convert_element_type3A_597, %broadcast_in_dim3A_6, %dot_general3A_599 {dimension_numbers = #tpu.dot_dimension_numbers<[1], [0], [0], [1], [0, 0, 1, 1], [], []>, transpose_lhs_hint = false} : vector<128x128xbf16>, vector<128x128xbf16>, vector<128x128xf32> -> vector<128x128xf32>
    %dot_general3A_601 = arith.constant dense<0.000000e+00> : vector<128x128xf32>
    %dot_general3A_602 = tpu.matmul %mul3A_598, %broadcast_in_dim3A_6, %dot_general3A_601 {dimension_numbers = #tpu.dot_dimension_numbers<[1], [0], [0], [1], [0, 0, 1, 1], [], []>, transpose_lhs_hint = false} : vector<128x128xbf16>, vector<128x128xbf16>, vector<128x128xf32> -> vector<128x128xf32>
    %mul3A_603 = arith.mulf %dot_general3A_600, %dot_general3A_600 : vector<128x128xf32>
    %sub3A_604 = arith.subf %dot_general3A_602, %mul3A_603 : vector<128x128xf32>
    %add3A_605 = arith.constant 9.99999974E-6 : f32
    %add3A_606 = vector.broadcast %add3A_605 : f32 to vector<128x128xf32>
    %add3A_607 = arith.addf %sub3A_604, %add3A_606 : vector<128x128xf32>
    %rsqrt3A_608 = math.rsqrt %add3A_607 : vector<128x128xf32>
    %sub3A_609 = arith.subf %add3A_596, %dot_general3A_600 : vector<128x128xf32>
    %mul3A_610 = vector.broadcast %get3A_9 : vector<1x128xf32> to vector<128x128xf32>
    %mul3A_611 = arith.mulf %rsqrt3A_608, %mul3A_610 : vector<128x128xf32>
    %mul3A_612 = arith.mulf %sub3A_609, %mul3A_611 : vector<128x128xf32>
    %add3A_613 = vector.broadcast %get3A_12 : vector<1x128xf32> to vector<128x128xf32>
    %add3A_614 = arith.addf %mul3A_612, %add3A_613 : vector<128x128xf32>
    %swap3A_615 = arith.constant 0 : index
    %swap3A_616 = arith.constant 1536 : index
    %swap3A_617 = arith.constant 0 : index
    %swap3A_618 = vector.load %arg7[%swap3A_615, %swap3A_616, %swap3A_617] : memref<1x2048x128xf32, #tpu.memory_space<vmem>>, vector<1x128x128xf32>
    %swap3A_619 = vector.shape_cast %swap3A_618 : vector<1x128x128xf32> to vector<128x128xf32>
    %swap3A_620 = vector.shape_cast %add3A_614 : vector<128x128xf32> to vector<1x128x128xf32>
    tpu.vector_store %arg7[%swap3A_615, %swap3A_616, %swap3A_617], %swap3A_620 {strides = array<i32>} : memref<1x2048x128xf32, #tpu.memory_space<vmem>>, vector<1x128x128xf32>,
    %get3A_621 = arith.constant 1664 : index
    %get3A_622 = arith.constant 0 : index
    %get3A_623 = vector.load %arg2[%get3A_621, %get3A_622] : memref<2048x32xf32, #tpu.memory_space<vmem>>, vector<128x32xf32>
    %mul3A_624 = vector.broadcast %convert_element_type3A_14 : vector<1x32xf32> to vector<128x32xf32>
    %mul3A_625 = arith.mulf %get3A_623, %mul3A_624 : vector<128x32xf32>
    %reduce_sum3A_626 = arith.constant dense<0.000000e+00> : vector<128xf32>
    %reduce_sum3A_627 = vector.multi_reduction <add>, %mul3A_625, %reduce_sum3A_626 [1] : vector<128x32xf32> to vector<128xf32>
    %broadcast_in_dim3A_628 = vector.shape_cast %reduce_sum3A_627 : vector<128xf32> to vector<128x1xf32>
    %get3A_629 = arith.constant 0 : index
    %get3A_630 = arith.constant 1664 : index
    %get3A_631 = arith.constant 0 : index
    %get3A_632 = vector.load %arg1[%get3A_629, %get3A_630, %get3A_631] : memref<1x2048x128xf32, #tpu.memory_space<vmem>>, vector<1x128x128xf32>
    %get3A_633 = vector.shape_cast %get3A_632 : vector<1x128x128xf32> to vector<128x128xf32>
    %get3A_634 = arith.constant 1664 : index
    %get3A_635 = arith.constant 0 : index
    %get3A_636 = vector.load %arg3[%get3A_634, %get3A_635] : memref<2048x128xf32, #tpu.memory_space<vmem>>, vector<128x128xf32>
    %add3A_637 = arith.addf %get3A_633, %get3A_636 : vector<128x128xf32>
    %mul3A_638 = vector.broadcast %broadcast_in_dim3A_628 : vector<128x1xf32> to vector<128x128xf32>
    %mul3A_639 = vector.broadcast %sub3A : vector<1x128xf32> to vector<128x128xf32>
    %mul3A_640 = arith.mulf %mul3A_638, %mul3A_639 : vector<128x128xf32>
    %add3A_641 = vector.broadcast %get3A_2 : vector<1x128xf32> to vector<128x128xf32>
    %add3A_642 = arith.addf %add3A_641, %mul3A_640 : vector<128x128xf32>
    %add3A_643 = arith.addf %add3A_637, %add3A_642 : vector<128x128xf32>
    %convert_element_type3A_644 = arith.truncf %add3A_643 : vector<128x128xf32> to vector<128x128xbf16>
    %mul3A_645 = arith.mulf %convert_element_type3A_644, %convert_element_type3A_644 : vector<128x128xbf16>
    %dot_general3A_646 = arith.constant dense<0.000000e+00> : vector<128x128xf32>
    %dot_general3A_647 = tpu.matmul %convert_element_type3A_644, %broadcast_in_dim3A_6, %dot_general3A_646 {dimension_numbers = #tpu.dot_dimension_numbers<[1], [0], [0], [1], [0, 0, 1, 1], [], []>, transpose_lhs_hint = false} : vector<128x128xbf16>, vector<128x128xbf16>, vector<128x128xf32> -> vector<128x128xf32>
    %dot_general3A_648 = arith.constant dense<0.000000e+00> : vector<128x128xf32>
    %dot_general3A_649 = tpu.matmul %mul3A_645, %broadcast_in_dim3A_6, %dot_general3A_648 {dimension_numbers = #tpu.dot_dimension_numbers<[1], [0], [0], [1], [0, 0, 1, 1], [], []>, transpose_lhs_hint = false} : vector<128x128xbf16>, vector<128x128xbf16>, vector<128x128xf32> -> vector<128x128xf32>
    %mul3A_650 = arith.mulf %dot_general3A_647, %dot_general3A_647 : vector<128x128xf32>
    %sub3A_651 = arith.subf %dot_general3A_649, %mul3A_650 : vector<128x128xf32>
    %add3A_652 = arith.constant 9.99999974E-6 : f32
    %add3A_653 = vector.broadcast %add3A_652 : f32 to vector<128x128xf32>
    %add3A_654 = arith.addf %sub3A_651, %add3A_653 : vector<128x128xf32>
    %rsqrt3A_655 = math.rsqrt %add3A_654 : vector<128x128xf32>
    %sub3A_656 = arith.subf %add3A_643, %dot_general3A_647 : vector<128x128xf32>
    %mul3A_657 = vector.broadcast %get3A_9 : vector<1x128xf32> to vector<128x128xf32>
    %mul3A_658 = arith.mulf %rsqrt3A_655, %mul3A_657 : vector<128x128xf32>
    %mul3A_659 = arith.mulf %sub3A_656, %mul3A_658 : vector<128x128xf32>
    %add3A_660 = vector.broadcast %get3A_12 : vector<1x128xf32> to vector<128x128xf32>
    %add3A_661 = arith.addf %mul3A_659, %add3A_660 : vector<128x128xf32>
    %swap3A_662 = arith.constant 0 : index
    %swap3A_663 = arith.constant 1664 : index
    %swap3A_664 = arith.constant 0 : index
    %swap3A_665 = vector.load %arg7[%swap3A_662, %swap3A_663, %swap3A_664] : memref<1x2048x128xf32, #tpu.memory_space<vmem>>, vector<1x128x128xf32>
    %swap3A_666 = vector.shape_cast %swap3A_665 : vector<1x128x128xf32> to vector<128x128xf32>
    %swap3A_667 = vector.shape_cast %add3A_661 : vector<128x128xf32> to vector<1x128x128xf32>
    tpu.vector_store %arg7[%swap3A_662, %swap3A_663, %swap3A_664], %swap3A_667 {strides = array<i32>} : memref<1x2048x128xf32, #tpu.memory_space<vmem>>, vector<1x128x128xf32>,
    %get3A_668 = arith.constant 1792 : index
    %get3A_669 = arith.constant 0 : index
    %get3A_670 = vector.load %arg2[%get3A_668, %get3A_669] : memref<2048x32xf32, #tpu.memory_space<vmem>>, vector<128x32xf32>
    %mul3A_671 = vector.broadcast %convert_element_type3A_14 : vector<1x32xf32> to vector<128x32xf32>
    %mul3A_672 = arith.mulf %get3A_670, %mul3A_671 : vector<128x32xf32>
    %reduce_sum3A_673 = arith.constant dense<0.000000e+00> : vector<128xf32>
    %reduce_sum3A_674 = vector.multi_reduction <add>, %mul3A_672, %reduce_sum3A_673 [1] : vector<128x32xf32> to vector<128xf32>
    %broadcast_in_dim3A_675 = vector.shape_cast %reduce_sum3A_674 : vector<128xf32> to vector<128x1xf32>
    %get3A_676 = arith.constant 0 : index
    %get3A_677 = arith.constant 1792 : index
    %get3A_678 = arith.constant 0 : index
    %get3A_679 = vector.load %arg1[%get3A_676, %get3A_677, %get3A_678] : memref<1x2048x128xf32, #tpu.memory_space<vmem>>, vector<1x128x128xf32>
    %get3A_680 = vector.shape_cast %get3A_679 : vector<1x128x128xf32> to vector<128x128xf32>
    %get3A_681 = arith.constant 1792 : index
    %get3A_682 = arith.constant 0 : index
    %get3A_683 = vector.load %arg3[%get3A_681, %get3A_682] : memref<2048x128xf32, #tpu.memory_space<vmem>>, vector<128x128xf32>
    %add3A_684 = arith.addf %get3A_680, %get3A_683 : vector<128x128xf32>
    %mul3A_685 = vector.broadcast %broadcast_in_dim3A_675 : vector<128x1xf32> to vector<128x128xf32>
    %mul3A_686 = vector.broadcast %sub3A : vector<1x128xf32> to vector<128x128xf32>
    %mul3A_687 = arith.mulf %mul3A_685, %mul3A_686 : vector<128x128xf32>
    %add3A_688 = vector.broadcast %get3A_2 : vector<1x128xf32> to vector<128x128xf32>
    %add3A_689 = arith.addf %add3A_688, %mul3A_687 : vector<128x128xf32>
    %add3A_690 = arith.addf %add3A_684, %add3A_689 : vector<128x128xf32>
    %convert_element_type3A_691 = arith.truncf %add3A_690 : vector<128x128xf32> to vector<128x128xbf16>
    %mul3A_692 = arith.mulf %convert_element_type3A_691, %convert_element_type3A_691 : vector<128x128xbf16>
    %dot_general3A_693 = arith.constant dense<0.000000e+00> : vector<128x128xf32>
    %dot_general3A_694 = tpu.matmul %convert_element_type3A_691, %broadcast_in_dim3A_6, %dot_general3A_693 {dimension_numbers = #tpu.dot_dimension_numbers<[1], [0], [0], [1], [0, 0, 1, 1], [], []>, transpose_lhs_hint = false} : vector<128x128xbf16>, vector<128x128xbf16>, vector<128x128xf32> -> vector<128x128xf32>
    %dot_general3A_695 = arith.constant dense<0.000000e+00> : vector<128x128xf32>
    %dot_general3A_696 = tpu.matmul %mul3A_692, %broadcast_in_dim3A_6, %dot_general3A_695 {dimension_numbers = #tpu.dot_dimension_numbers<[1], [0], [0], [1], [0, 0, 1, 1], [], []>, transpose_lhs_hint = false} : vector<128x128xbf16>, vector<128x128xbf16>, vector<128x128xf32> -> vector<128x128xf32>
    %mul3A_697 = arith.mulf %dot_general3A_694, %dot_general3A_694 : vector<128x128xf32>
    %sub3A_698 = arith.subf %dot_general3A_696, %mul3A_697 : vector<128x128xf32>
    %add3A_699 = arith.constant 9.99999974E-6 : f32
    %add3A_700 = vector.broadcast %add3A_699 : f32 to vector<128x128xf32>
    %add3A_701 = arith.addf %sub3A_698, %add3A_700 : vector<128x128xf32>
    %rsqrt3A_702 = math.rsqrt %add3A_701 : vector<128x128xf32>
    %sub3A_703 = arith.subf %add3A_690, %dot_general3A_694 : vector<128x128xf32>
    %mul3A_704 = vector.broadcast %get3A_9 : vector<1x128xf32> to vector<128x128xf32>
    %mul3A_705 = arith.mulf %rsqrt3A_702, %mul3A_704 : vector<128x128xf32>
    %mul3A_706 = arith.mulf %sub3A_703, %mul3A_705 : vector<128x128xf32>
    %add3A_707 = vector.broadcast %get3A_12 : vector<1x128xf32> to vector<128x128xf32>
    %add3A_708 = arith.addf %mul3A_706, %add3A_707 : vector<128x128xf32>
    %swap3A_709 = arith.constant 0 : index
    %swap3A_710 = arith.constant 1792 : index
    %swap3A_711 = arith.constant 0 : index
    %swap3A_712 = vector.load %arg7[%swap3A_709, %swap3A_710, %swap3A_711] : memref<1x2048x128xf32, #tpu.memory_space<vmem>>, vector<1x128x128xf32>
    %swap3A_713 = vector.shape_cast %swap3A_712 : vector<1x128x128xf32> to vector<128x128xf32>
    %swap3A_714 = vector.shape_cast %add3A_708 : vector<128x128xf32> to vector<1x128x128xf32>
    tpu.vector_store %arg7[%swap3A_709, %swap3A_710, %swap3A_711], %swap3A_714 {strides = array<i32>} : memref<1x2048x128xf32, #tpu.memory_space<vmem>>, vector<1x128x128xf32>,
    %get3A_715 = arith.constant 1920 : index
    %get3A_716 = arith.constant 0 : index
    %get3A_717 = vector.load %arg2[%get3A_715, %get3A_716] : memref<2048x32xf32, #tpu.memory_space<vmem>>, vector<128x32xf32>
    %mul3A_718 = vector.broadcast %convert_element_type3A_14 : vector<1x32xf32> to vector<128x32xf32>
    %mul3A_719 = arith.mulf %get3A_717, %mul3A_718 : vector<128x32xf32>
    %reduce_sum3A_720 = arith.constant dense<0.000000e+00> : vector<128xf32>
    %reduce_sum3A_721 = vector.multi_reduction <add>, %mul3A_719, %reduce_sum3A_720 [1] : vector<128x32xf32> to vector<128xf32>
    %broadcast_in_dim3A_722 = vector.shape_cast %reduce_sum3A_721 : vector<128xf32> to vector<128x1xf32>
    %get3A_723 = arith.constant 0 : index
    %get3A_724 = arith.constant 1920 : index
    %get3A_725 = arith.constant 0 : index
    %get3A_726 = vector.load %arg1[%get3A_723, %get3A_724, %get3A_725] : memref<1x2048x128xf32, #tpu.memory_space<vmem>>, vector<1x128x128xf32>
    %get3A_727 = vector.shape_cast %get3A_726 : vector<1x128x128xf32> to vector<128x128xf32>
    %get3A_728 = arith.constant 1920 : index
    %get3A_729 = arith.constant 0 : index
    %get3A_730 = vector.load %arg3[%get3A_728, %get3A_729] : memref<2048x128xf32, #tpu.memory_space<vmem>>, vector<128x128xf32>
    %add3A_731 = arith.addf %get3A_727, %get3A_730 : vector<128x128xf32>
    %mul3A_732 = vector.broadcast %broadcast_in_dim3A_722 : vector<128x1xf32> to vector<128x128xf32>
    %mul3A_733 = vector.broadcast %sub3A : vector<1x128xf32> to vector<128x128xf32>
    %mul3A_734 = arith.mulf %mul3A_732, %mul3A_733 : vector<128x128xf32>
    %add3A_735 = vector.broadcast %get3A_2 : vector<1x128xf32> to vector<128x128xf32>
    %add3A_736 = arith.addf %add3A_735, %mul3A_734 : vector<128x128xf32>
    %add3A_737 = arith.addf %add3A_731, %add3A_736 : vector<128x128xf32>
    %convert_element_type3A_738 = arith.truncf %add3A_737 : vector<128x128xf32> to vector<128x128xbf16>
    %mul3A_739 = arith.mulf %convert_element_type3A_738, %convert_element_type3A_738 : vector<128x128xbf16>
    %dot_general3A_740 = arith.constant dense<0.000000e+00> : vector<128x128xf32>
    %dot_general3A_741 = tpu.matmul %convert_element_type3A_738, %broadcast_in_dim3A_6, %dot_general3A_740 {dimension_numbers = #tpu.dot_dimension_numbers<[1], [0], [0], [1], [0, 0, 1, 1], [], []>, transpose_lhs_hint = false} : vector<128x128xbf16>, vector<128x128xbf16>, vector<128x128xf32> -> vector<128x128xf32>
    %dot_general3A_742 = arith.constant dense<0.000000e+00> : vector<128x128xf32>
    %dot_general3A_743 = tpu.matmul %mul3A_739, %broadcast_in_dim3A_6, %dot_general3A_742 {dimension_numbers = #tpu.dot_dimension_numbers<[1], [0], [0], [1], [0, 0, 1, 1], [], []>, transpose_lhs_hint = false} : vector<128x128xbf16>, vector<128x128xbf16>, vector<128x128xf32> -> vector<128x128xf32>
    %mul3A_744 = arith.mulf %dot_general3A_741, %dot_general3A_741 : vector<128x128xf32>
    %sub3A_745 = arith.subf %dot_general3A_743, %mul3A_744 : vector<128x128xf32>
    %add3A_746 = arith.constant 9.99999974E-6 : f32
    %add3A_747 = vector.broadcast %add3A_746 : f32 to vector<128x128xf32>
    %add3A_748 = arith.addf %sub3A_745, %add3A_747 : vector<128x128xf32>
    %rsqrt3A_749 = math.rsqrt %add3A_748 : vector<128x128xf32>
    %sub3A_750 = arith.subf %add3A_737, %dot_general3A_741 : vector<128x128xf32>
    %mul3A_751 = vector.broadcast %get3A_9 : vector<1x128xf32> to vector<128x128xf32>
    %mul3A_752 = arith.mulf %rsqrt3A_749, %mul3A_751 : vector<128x128xf32>
    %mul3A_753 = arith.mulf %sub3A_750, %mul3A_752 : vector<128x128xf32>
    %add3A_754 = vector.broadcast %get3A_12 : vector<1x128xf32> to vector<128x128xf32>
    %add3A_755 = arith.addf %mul3A_753, %add3A_754 : vector<128x128xf32>
    %swap3A_756 = arith.constant 0 : index
    %swap3A_757 = arith.constant 1920 : index
    %swap3A_758 = arith.constant 0 : index
    %swap3A_759 = vector.load %arg7[%swap3A_756, %swap3A_757, %swap3A_758] : memref<1x2048x128xf32, #tpu.memory_space<vmem>>, vector<1x128x128xf32>
    %swap3A_760 = vector.shape_cast %swap3A_759 : vector<1x128x128xf32> to vector<128x128xf32>
    %swap3A_761 = vector.shape_cast %add3A_755 : vector<128x128xf32> to vector<1x128x128xf32>
    tpu.vector_store %arg7[%swap3A_756, %swap3A_757, %swap3A_758], %swap3A_761 {strides = array<i32>} : memref<1x2048x128xf32, #tpu.memory_space<vmem>>, vector<1x128x128xf32>,
    return
  }
  func.func @transform_0(%arg0: i32) -> (i32, i32, i32) {
    %c0_i32 = arith.constant 0 : i32
    %c0_i32_0 = arith.constant 0 : i32
    %c0_i32_1 = arith.constant 0 : i32
    return %arg0, %c0_i32, %c0_i32_0 : i32, i32, i32
  }
  func.func @transform_1(%arg0: i32) -> (i32, i32) {
    %c0_i32 = arith.constant 0 : i32
    %c0_i32_0 = arith.constant 0 : i32
    %c0_i32_1 = arith.constant 0 : i32
    return %c0_i32, %c0_i32_0 : i32, i32
  }
  func.func @transform_2(%arg0: i32) -> (i32, i32) {
    %c0_i32 = arith.constant 0 : i32
    %c0_i32_0 = arith.constant 0 : i32
    %c0_i32_1 = arith.constant 0 : i32
    return %c0_i32, %c0_i32_0 : i32, i32
  }
  func.func @transform_3(%arg0: i32) -> (i32, i32) {
    %c0_i32 = arith.constant 0 : i32
    %c0_i32_0 = arith.constant 0 : i32
    %c0_i32_1 = arith.constant 0 : i32
    return %c0_i32, %c0_i32_0 : i32, i32
  }
  func.func @transform_4(%arg0: i32) -> (i32, i32) {
    %c0_i32 = arith.constant 0 : i32
    %c0_i32_0 = arith.constant 0 : i32
    %c0_i32_1 = arith.constant 0 : i32
    return %c0_i32, %c0_i32_0 : i32, i32
  }
  func.func @transform_5(%arg0: i32) -> (i32, i32) {
    %c0_i32 = arith.constant 0 : i32
    %c0_i32_0 = arith.constant 0 : i32
    %c0_i32_1 = arith.constant 0 : i32
    return %c0_i32, %c0_i32_0 : i32, i32
  }
  func.func @transform_6(%arg0: i32) -> (i32, i32, i32) {
    %add3A = arith.constant 0 : i32
    %add3A_0 = arith.addi %arg0, %add3A : i32
    %c0_i32 = arith.constant 0 : i32
    %c0_i32_1 = arith.constant 0 : i32
    %c0_i32_2 = arith.constant 0 : i32
    return %add3A_0, %c0_i32, %c0_i32_1 : i32, i32, i32
  }
}

module attributes {stable_mosaic.version = 14 : i64} {
  func.func @body(%arg0: i32, %arg1: memref<1x2048x128xf32, #tpu.memory_space<vmem>>, %arg2: memref<2048x32xf32, #tpu.memory_space<vmem>>, %arg3: memref<2048x128xf32, #tpu.memory_space<vmem>>, %arg4: memref<2x128xf32, #tpu.memory_space<vmem>>, %arg5: memref<1x128xf32, #tpu.memory_space<vmem>>, %arg6: memref<1x128xf32, #tpu.memory_space<vmem>>, %arg7: memref<32x2048x128xf32, #tpu.memory_space<any>>, %arg8: memref<1x2048x128xf32, #tpu.memory_space<vmem>>) attributes {dimension_semantics = [#tpu.dimension_semantics<arbitrary>], iteration_bounds = array<i64: 16>, scalar_prefetch = 0 : i64, scratch_operands = 0 : i64, tpu.core_type = #tpu.core_type<tc>, window_params = [{transform_indices = @transform_0, window_bounds = array<i64: 1, 2048, 128>}, {pipeline_mode = #tpu.pipeline_mode<synchronous>, transform_indices = @transform_1, window_bounds = array<i64: 2048, 32>}, {pipeline_mode = #tpu.pipeline_mode<synchronous>, transform_indices = @transform_2, window_bounds = array<i64: 2048, 128>}, {pipeline_mode = #tpu.pipeline_mode<synchronous>, transform_indices = @transform_3, window_bounds = array<i64: 2, 128>}, {pipeline_mode = #tpu.pipeline_mode<synchronous>, transform_indices = @transform_4, window_bounds = array<i64: 1, 128>}, {pipeline_mode = #tpu.pipeline_mode<synchronous>, transform_indices = @transform_5, window_bounds = array<i64: 1, 128>}, {}, {transform_indices = @transform_7, window_bounds = array<i64: 1, 2048, 128>}]} {
    %add3A = arith.constant 16 : i32
    %add3A_0 = arith.addi %arg0, %add3A : i32
    %get3A = arith.constant 0 : index
    %get3A_1 = arith.constant 0 : index
    %get3A_2 = vector.load %arg4[%get3A, %get3A_1] : memref<2x128xf32, #tpu.memory_space<vmem>>, vector<1x128xf32>
    %get3A_3 = arith.constant 1 : index
    %get3A_4 = arith.constant 0 : index
    %get3A_5 = vector.load %arg4[%get3A_3, %get3A_4] : memref<2x128xf32, #tpu.memory_space<vmem>>, vector<1x128xf32>
    %sub3A = arith.subf %get3A_5, %get3A_2 : vector<1x128xf32>
    %broadcast_in_dim3A = arith.constant 7.812500e-03 : bf16
    %broadcast_in_dim3A_6 = vector.broadcast %broadcast_in_dim3A : bf16 to vector<128x128xbf16>
    %get3A_7 = arith.constant 0 : index
    %get3A_8 = arith.constant 0 : index
    %get3A_9 = vector.load %arg5[%get3A_7, %get3A_8] : memref<1x128xf32, #tpu.memory_space<vmem>>, vector<1x128xf32>
    %get3A_10 = arith.constant 0 : index
    %get3A_11 = arith.constant 0 : index
    %get3A_12 = vector.load %arg6[%get3A_10, %get3A_11] : memref<1x128xf32, #tpu.memory_space<vmem>>, vector<1x128xf32>
    %iota3A = tpu.iota {dimensions = array<i32: 1>} : vector<1x32xi32>
    %eq3A = vector.broadcast %add3A_0 : i32 to vector<1x32xi32>
    %eq3A_13 = arith.cmpi eq, %iota3A, %eq3A : vector<1x32xi32>
    %convert_element_type3A = arith.extui %eq3A_13 : vector<1x32xi1> to vector<1x32xi32>
    %convert_element_type3A_14 = arith.sitofp %convert_element_type3A : vector<1x32xi32> to vector<1x32xf32>
    %get3A_15 = arith.constant 0 : index
    %get3A_16 = arith.constant 0 : index
    %get3A_17 = vector.load %arg2[%get3A_15, %get3A_16] : memref<2048x32xf32, #tpu.memory_space<vmem>>, vector<128x32xf32>
    %mul3A = vector.broadcast %convert_element_type3A_14 : vector<1x32xf32> to vector<128x32xf32>
    %mul3A_18 = arith.mulf %get3A_17, %mul3A : vector<128x32xf32>
    %reduce_sum3A = arith.constant dense<0.000000e+00> : vector<128xf32>
    %reduce_sum3A_19 = vector.multi_reduction <add>, %mul3A_18, %reduce_sum3A [1] : vector<128x32xf32> to vector<128xf32>
    %broadcast_in_dim3A_20 = vector.shape_cast %reduce_sum3A_19 : vector<128xf32> to vector<128x1xf32>
    %get3A_21 = arith.constant 0 : index
    %get3A_22 = arith.constant 0 : index
    %get3A_23 = arith.constant 0 : index
    %get3A_24 = vector.load %arg1[%get3A_21, %get3A_22, %get3A_23] : memref<1x2048x128xf32, #tpu.memory_space<vmem>>, vector<1x128x128xf32>
    %get3A_25 = vector.shape_cast %get3A_24 : vector<1x128x128xf32> to vector<128x128xf32>
    %get3A_26 = arith.constant 0 : index
    %get3A_27 = arith.constant 0 : index
    %get3A_28 = vector.load %arg3[%get3A_26, %get3A_27] : memref<2048x128xf32, #tpu.memory_space<vmem>>, vector<128x128xf32>
    %add3A_29 = arith.addf %get3A_25, %get3A_28 : vector<128x128xf32>
    %mul3A_30 = vector.broadcast %broadcast_in_dim3A_20 : vector<128x1xf32> to vector<128x128xf32>
    %mul3A_31 = vector.broadcast %sub3A : vector<1x128xf32> to vector<128x128xf32>
    %mul3A_32 = arith.mulf %mul3A_30, %mul3A_31 : vector<128x128xf32>
    %add3A_33 = vector.broadcast %get3A_2 : vector<1x128xf32> to vector<128x128xf32>
    %add3A_34 = arith.addf %add3A_33, %mul3A_32 : vector<128x128xf32>
    %add3A_35 = arith.addf %add3A_29, %add3A_34 : vector<128x128xf32>
    %convert_element_type3A_36 = arith.truncf %add3A_35 : vector<128x128xf32> to vector<128x128xbf16>
    %mul3A_37 = arith.mulf %convert_element_type3A_36, %convert_element_type3A_36 : vector<128x128xbf16>
    %dot_general3A = arith.constant dense<0.000000e+00> : vector<128x128xf32>
    %dot_general3A_38 = tpu.matmul %convert_element_type3A_36, %broadcast_in_dim3A_6, %dot_general3A {dimension_numbers = #tpu.dot_dimension_numbers<[1], [0], [0], [1], [0, 0, 1, 1], [], []>, transpose_lhs_hint = false} : vector<128x128xbf16>, vector<128x128xbf16>, vector<128x128xf32> -> vector<128x128xf32>
    %dot_general3A_39 = arith.constant dense<0.000000e+00> : vector<128x128xf32>
    %dot_general3A_40 = tpu.matmul %mul3A_37, %broadcast_in_dim3A_6, %dot_general3A_39 {dimension_numbers = #tpu.dot_dimension_numbers<[1], [0], [0], [1], [0, 0, 1, 1], [], []>, transpose_lhs_hint = false} : vector<128x128xbf16>, vector<128x128xbf16>, vector<128x128xf32> -> vector<128x128xf32>
    %mul3A_41 = arith.mulf %dot_general3A_38, %dot_general3A_38 : vector<128x128xf32>
    %sub3A_42 = arith.subf %dot_general3A_40, %mul3A_41 : vector<128x128xf32>
    %add3A_43 = arith.constant 9.99999974E-6 : f32
    %add3A_44 = vector.broadcast %add3A_43 : f32 to vector<128x128xf32>
    %add3A_45 = arith.addf %sub3A_42, %add3A_44 : vector<128x128xf32>
    %rsqrt3A = math.rsqrt %add3A_45 : vector<128x128xf32>
    %sub3A_46 = arith.subf %add3A_35, %dot_general3A_38 : vector<128x128xf32>
    %mul3A_47 = vector.broadcast %get3A_9 : vector<1x128xf32> to vector<128x128xf32>
    %mul3A_48 = arith.mulf %rsqrt3A, %mul3A_47 : vector<128x128xf32>
    %mul3A_49 = arith.mulf %sub3A_46, %mul3A_48 : vector<128x128xf32>
    %add3A_50 = vector.broadcast %get3A_12 : vector<1x128xf32> to vector<128x128xf32>
    %add3A_51 = arith.addf %mul3A_49, %add3A_50 : vector<128x128xf32>
    %swap3A = arith.constant 0 : index
    %swap3A_52 = arith.constant 0 : index
    %swap3A_53 = arith.constant 0 : index
    %swap3A_54 = vector.load %arg8[%swap3A, %swap3A_52, %swap3A_53] : memref<1x2048x128xf32, #tpu.memory_space<vmem>>, vector<1x128x128xf32>
    %swap3A_55 = vector.shape_cast %swap3A_54 : vector<1x128x128xf32> to vector<128x128xf32>
    %swap3A_56 = vector.shape_cast %add3A_51 : vector<128x128xf32> to vector<1x128x128xf32>
    tpu.vector_store %arg8[%swap3A, %swap3A_52, %swap3A_53], %swap3A_56 {strides = array<i32>} : memref<1x2048x128xf32, #tpu.memory_space<vmem>>, vector<1x128x128xf32>,
    %get3A_57 = arith.constant 128 : index
    %get3A_58 = arith.constant 0 : index
    %get3A_59 = vector.load %arg2[%get3A_57, %get3A_58] : memref<2048x32xf32, #tpu.memory_space<vmem>>, vector<128x32xf32>
    %mul3A_60 = vector.broadcast %convert_element_type3A_14 : vector<1x32xf32> to vector<128x32xf32>
    %mul3A_61 = arith.mulf %get3A_59, %mul3A_60 : vector<128x32xf32>
    %reduce_sum3A_62 = arith.constant dense<0.000000e+00> : vector<128xf32>
    %reduce_sum3A_63 = vector.multi_reduction <add>, %mul3A_61, %reduce_sum3A_62 [1] : vector<128x32xf32> to vector<128xf32>
    %broadcast_in_dim3A_64 = vector.shape_cast %reduce_sum3A_63 : vector<128xf32> to vector<128x1xf32>
    %get3A_65 = arith.constant 0 : index
    %get3A_66 = arith.constant 128 : index
    %get3A_67 = arith.constant 0 : index
    %get3A_68 = vector.load %arg1[%get3A_65, %get3A_66, %get3A_67] : memref<1x2048x128xf32, #tpu.memory_space<vmem>>, vector<1x128x128xf32>
    %get3A_69 = vector.shape_cast %get3A_68 : vector<1x128x128xf32> to vector<128x128xf32>
    %get3A_70 = arith.constant 128 : index
    %get3A_71 = arith.constant 0 : index
    %get3A_72 = vector.load %arg3[%get3A_70, %get3A_71] : memref<2048x128xf32, #tpu.memory_space<vmem>>, vector<128x128xf32>
    %add3A_73 = arith.addf %get3A_69, %get3A_72 : vector<128x128xf32>
    %mul3A_74 = vector.broadcast %broadcast_in_dim3A_64 : vector<128x1xf32> to vector<128x128xf32>
    %mul3A_75 = vector.broadcast %sub3A : vector<1x128xf32> to vector<128x128xf32>
    %mul3A_76 = arith.mulf %mul3A_74, %mul3A_75 : vector<128x128xf32>
    %add3A_77 = vector.broadcast %get3A_2 : vector<1x128xf32> to vector<128x128xf32>
    %add3A_78 = arith.addf %add3A_77, %mul3A_76 : vector<128x128xf32>
    %add3A_79 = arith.addf %add3A_73, %add3A_78 : vector<128x128xf32>
    %convert_element_type3A_80 = arith.truncf %add3A_79 : vector<128x128xf32> to vector<128x128xbf16>
    %mul3A_81 = arith.mulf %convert_element_type3A_80, %convert_element_type3A_80 : vector<128x128xbf16>
    %dot_general3A_82 = arith.constant dense<0.000000e+00> : vector<128x128xf32>
    %dot_general3A_83 = tpu.matmul %convert_element_type3A_80, %broadcast_in_dim3A_6, %dot_general3A_82 {dimension_numbers = #tpu.dot_dimension_numbers<[1], [0], [0], [1], [0, 0, 1, 1], [], []>, transpose_lhs_hint = false} : vector<128x128xbf16>, vector<128x128xbf16>, vector<128x128xf32> -> vector<128x128xf32>
    %dot_general3A_84 = arith.constant dense<0.000000e+00> : vector<128x128xf32>
    %dot_general3A_85 = tpu.matmul %mul3A_81, %broadcast_in_dim3A_6, %dot_general3A_84 {dimension_numbers = #tpu.dot_dimension_numbers<[1], [0], [0], [1], [0, 0, 1, 1], [], []>, transpose_lhs_hint = false} : vector<128x128xbf16>, vector<128x128xbf16>, vector<128x128xf32> -> vector<128x128xf32>
    %mul3A_86 = arith.mulf %dot_general3A_83, %dot_general3A_83 : vector<128x128xf32>
    %sub3A_87 = arith.subf %dot_general3A_85, %mul3A_86 : vector<128x128xf32>
    %add3A_88 = arith.constant 9.99999974E-6 : f32
    %add3A_89 = vector.broadcast %add3A_88 : f32 to vector<128x128xf32>
    %add3A_90 = arith.addf %sub3A_87, %add3A_89 : vector<128x128xf32>
    %rsqrt3A_91 = math.rsqrt %add3A_90 : vector<128x128xf32>
    %sub3A_92 = arith.subf %add3A_79, %dot_general3A_83 : vector<128x128xf32>
    %mul3A_93 = vector.broadcast %get3A_9 : vector<1x128xf32> to vector<128x128xf32>
    %mul3A_94 = arith.mulf %rsqrt3A_91, %mul3A_93 : vector<128x128xf32>
    %mul3A_95 = arith.mulf %sub3A_92, %mul3A_94 : vector<128x128xf32>
    %add3A_96 = vector.broadcast %get3A_12 : vector<1x128xf32> to vector<128x128xf32>
    %add3A_97 = arith.addf %mul3A_95, %add3A_96 : vector<128x128xf32>
    %swap3A_98 = arith.constant 0 : index
    %swap3A_99 = arith.constant 128 : index
    %swap3A_100 = arith.constant 0 : index
    %swap3A_101 = vector.load %arg8[%swap3A_98, %swap3A_99, %swap3A_100] : memref<1x2048x128xf32, #tpu.memory_space<vmem>>, vector<1x128x128xf32>
    %swap3A_102 = vector.shape_cast %swap3A_101 : vector<1x128x128xf32> to vector<128x128xf32>
    %swap3A_103 = vector.shape_cast %add3A_97 : vector<128x128xf32> to vector<1x128x128xf32>
    tpu.vector_store %arg8[%swap3A_98, %swap3A_99, %swap3A_100], %swap3A_103 {strides = array<i32>} : memref<1x2048x128xf32, #tpu.memory_space<vmem>>, vector<1x128x128xf32>,
    %get3A_104 = arith.constant 256 : index
    %get3A_105 = arith.constant 0 : index
    %get3A_106 = vector.load %arg2[%get3A_104, %get3A_105] : memref<2048x32xf32, #tpu.memory_space<vmem>>, vector<128x32xf32>
    %mul3A_107 = vector.broadcast %convert_element_type3A_14 : vector<1x32xf32> to vector<128x32xf32>
    %mul3A_108 = arith.mulf %get3A_106, %mul3A_107 : vector<128x32xf32>
    %reduce_sum3A_109 = arith.constant dense<0.000000e+00> : vector<128xf32>
    %reduce_sum3A_110 = vector.multi_reduction <add>, %mul3A_108, %reduce_sum3A_109 [1] : vector<128x32xf32> to vector<128xf32>
    %broadcast_in_dim3A_111 = vector.shape_cast %reduce_sum3A_110 : vector<128xf32> to vector<128x1xf32>
    %get3A_112 = arith.constant 0 : index
    %get3A_113 = arith.constant 256 : index
    %get3A_114 = arith.constant 0 : index
    %get3A_115 = vector.load %arg1[%get3A_112, %get3A_113, %get3A_114] : memref<1x2048x128xf32, #tpu.memory_space<vmem>>, vector<1x128x128xf32>
    %get3A_116 = vector.shape_cast %get3A_115 : vector<1x128x128xf32> to vector<128x128xf32>
    %get3A_117 = arith.constant 256 : index
    %get3A_118 = arith.constant 0 : index
    %get3A_119 = vector.load %arg3[%get3A_117, %get3A_118] : memref<2048x128xf32, #tpu.memory_space<vmem>>, vector<128x128xf32>
    %add3A_120 = arith.addf %get3A_116, %get3A_119 : vector<128x128xf32>
    %mul3A_121 = vector.broadcast %broadcast_in_dim3A_111 : vector<128x1xf32> to vector<128x128xf32>
    %mul3A_122 = vector.broadcast %sub3A : vector<1x128xf32> to vector<128x128xf32>
    %mul3A_123 = arith.mulf %mul3A_121, %mul3A_122 : vector<128x128xf32>
    %add3A_124 = vector.broadcast %get3A_2 : vector<1x128xf32> to vector<128x128xf32>
    %add3A_125 = arith.addf %add3A_124, %mul3A_123 : vector<128x128xf32>
    %add3A_126 = arith.addf %add3A_120, %add3A_125 : vector<128x128xf32>
    %convert_element_type3A_127 = arith.truncf %add3A_126 : vector<128x128xf32> to vector<128x128xbf16>
    %mul3A_128 = arith.mulf %convert_element_type3A_127, %convert_element_type3A_127 : vector<128x128xbf16>
    %dot_general3A_129 = arith.constant dense<0.000000e+00> : vector<128x128xf32>
    %dot_general3A_130 = tpu.matmul %convert_element_type3A_127, %broadcast_in_dim3A_6, %dot_general3A_129 {dimension_numbers = #tpu.dot_dimension_numbers<[1], [0], [0], [1], [0, 0, 1, 1], [], []>, transpose_lhs_hint = false} : vector<128x128xbf16>, vector<128x128xbf16>, vector<128x128xf32> -> vector<128x128xf32>
    %dot_general3A_131 = arith.constant dense<0.000000e+00> : vector<128x128xf32>
    %dot_general3A_132 = tpu.matmul %mul3A_128, %broadcast_in_dim3A_6, %dot_general3A_131 {dimension_numbers = #tpu.dot_dimension_numbers<[1], [0], [0], [1], [0, 0, 1, 1], [], []>, transpose_lhs_hint = false} : vector<128x128xbf16>, vector<128x128xbf16>, vector<128x128xf32> -> vector<128x128xf32>
    %mul3A_133 = arith.mulf %dot_general3A_130, %dot_general3A_130 : vector<128x128xf32>
    %sub3A_134 = arith.subf %dot_general3A_132, %mul3A_133 : vector<128x128xf32>
    %add3A_135 = arith.constant 9.99999974E-6 : f32
    %add3A_136 = vector.broadcast %add3A_135 : f32 to vector<128x128xf32>
    %add3A_137 = arith.addf %sub3A_134, %add3A_136 : vector<128x128xf32>
    %rsqrt3A_138 = math.rsqrt %add3A_137 : vector<128x128xf32>
    %sub3A_139 = arith.subf %add3A_126, %dot_general3A_130 : vector<128x128xf32>
    %mul3A_140 = vector.broadcast %get3A_9 : vector<1x128xf32> to vector<128x128xf32>
    %mul3A_141 = arith.mulf %rsqrt3A_138, %mul3A_140 : vector<128x128xf32>
    %mul3A_142 = arith.mulf %sub3A_139, %mul3A_141 : vector<128x128xf32>
    %add3A_143 = vector.broadcast %get3A_12 : vector<1x128xf32> to vector<128x128xf32>
    %add3A_144 = arith.addf %mul3A_142, %add3A_143 : vector<128x128xf32>
    %swap3A_145 = arith.constant 0 : index
    %swap3A_146 = arith.constant 256 : index
    %swap3A_147 = arith.constant 0 : index
    %swap3A_148 = vector.load %arg8[%swap3A_145, %swap3A_146, %swap3A_147] : memref<1x2048x128xf32, #tpu.memory_space<vmem>>, vector<1x128x128xf32>
    %swap3A_149 = vector.shape_cast %swap3A_148 : vector<1x128x128xf32> to vector<128x128xf32>
    %swap3A_150 = vector.shape_cast %add3A_144 : vector<128x128xf32> to vector<1x128x128xf32>
    tpu.vector_store %arg8[%swap3A_145, %swap3A_146, %swap3A_147], %swap3A_150 {strides = array<i32>} : memref<1x2048x128xf32, #tpu.memory_space<vmem>>, vector<1x128x128xf32>,
    %get3A_151 = arith.constant 384 : index
    %get3A_152 = arith.constant 0 : index
    %get3A_153 = vector.load %arg2[%get3A_151, %get3A_152] : memref<2048x32xf32, #tpu.memory_space<vmem>>, vector<128x32xf32>
    %mul3A_154 = vector.broadcast %convert_element_type3A_14 : vector<1x32xf32> to vector<128x32xf32>
    %mul3A_155 = arith.mulf %get3A_153, %mul3A_154 : vector<128x32xf32>
    %reduce_sum3A_156 = arith.constant dense<0.000000e+00> : vector<128xf32>
    %reduce_sum3A_157 = vector.multi_reduction <add>, %mul3A_155, %reduce_sum3A_156 [1] : vector<128x32xf32> to vector<128xf32>
    %broadcast_in_dim3A_158 = vector.shape_cast %reduce_sum3A_157 : vector<128xf32> to vector<128x1xf32>
    %get3A_159 = arith.constant 0 : index
    %get3A_160 = arith.constant 384 : index
    %get3A_161 = arith.constant 0 : index
    %get3A_162 = vector.load %arg1[%get3A_159, %get3A_160, %get3A_161] : memref<1x2048x128xf32, #tpu.memory_space<vmem>>, vector<1x128x128xf32>
    %get3A_163 = vector.shape_cast %get3A_162 : vector<1x128x128xf32> to vector<128x128xf32>
    %get3A_164 = arith.constant 384 : index
    %get3A_165 = arith.constant 0 : index
    %get3A_166 = vector.load %arg3[%get3A_164, %get3A_165] : memref<2048x128xf32, #tpu.memory_space<vmem>>, vector<128x128xf32>
    %add3A_167 = arith.addf %get3A_163, %get3A_166 : vector<128x128xf32>
    %mul3A_168 = vector.broadcast %broadcast_in_dim3A_158 : vector<128x1xf32> to vector<128x128xf32>
    %mul3A_169 = vector.broadcast %sub3A : vector<1x128xf32> to vector<128x128xf32>
    %mul3A_170 = arith.mulf %mul3A_168, %mul3A_169 : vector<128x128xf32>
    %add3A_171 = vector.broadcast %get3A_2 : vector<1x128xf32> to vector<128x128xf32>
    %add3A_172 = arith.addf %add3A_171, %mul3A_170 : vector<128x128xf32>
    %add3A_173 = arith.addf %add3A_167, %add3A_172 : vector<128x128xf32>
    %convert_element_type3A_174 = arith.truncf %add3A_173 : vector<128x128xf32> to vector<128x128xbf16>
    %mul3A_175 = arith.mulf %convert_element_type3A_174, %convert_element_type3A_174 : vector<128x128xbf16>
    %dot_general3A_176 = arith.constant dense<0.000000e+00> : vector<128x128xf32>
    %dot_general3A_177 = tpu.matmul %convert_element_type3A_174, %broadcast_in_dim3A_6, %dot_general3A_176 {dimension_numbers = #tpu.dot_dimension_numbers<[1], [0], [0], [1], [0, 0, 1, 1], [], []>, transpose_lhs_hint = false} : vector<128x128xbf16>, vector<128x128xbf16>, vector<128x128xf32> -> vector<128x128xf32>
    %dot_general3A_178 = arith.constant dense<0.000000e+00> : vector<128x128xf32>
    %dot_general3A_179 = tpu.matmul %mul3A_175, %broadcast_in_dim3A_6, %dot_general3A_178 {dimension_numbers = #tpu.dot_dimension_numbers<[1], [0], [0], [1], [0, 0, 1, 1], [], []>, transpose_lhs_hint = false} : vector<128x128xbf16>, vector<128x128xbf16>, vector<128x128xf32> -> vector<128x128xf32>
    %mul3A_180 = arith.mulf %dot_general3A_177, %dot_general3A_177 : vector<128x128xf32>
    %sub3A_181 = arith.subf %dot_general3A_179, %mul3A_180 : vector<128x128xf32>
    %add3A_182 = arith.constant 9.99999974E-6 : f32
    %add3A_183 = vector.broadcast %add3A_182 : f32 to vector<128x128xf32>
    %add3A_184 = arith.addf %sub3A_181, %add3A_183 : vector<128x128xf32>
    %rsqrt3A_185 = math.rsqrt %add3A_184 : vector<128x128xf32>
    %sub3A_186 = arith.subf %add3A_173, %dot_general3A_177 : vector<128x128xf32>
    %mul3A_187 = vector.broadcast %get3A_9 : vector<1x128xf32> to vector<128x128xf32>
    %mul3A_188 = arith.mulf %rsqrt3A_185, %mul3A_187 : vector<128x128xf32>
    %mul3A_189 = arith.mulf %sub3A_186, %mul3A_188 : vector<128x128xf32>
    %add3A_190 = vector.broadcast %get3A_12 : vector<1x128xf32> to vector<128x128xf32>
    %add3A_191 = arith.addf %mul3A_189, %add3A_190 : vector<128x128xf32>
    %swap3A_192 = arith.constant 0 : index
    %swap3A_193 = arith.constant 384 : index
    %swap3A_194 = arith.constant 0 : index
    %swap3A_195 = vector.load %arg8[%swap3A_192, %swap3A_193, %swap3A_194] : memref<1x2048x128xf32, #tpu.memory_space<vmem>>, vector<1x128x128xf32>
    %swap3A_196 = vector.shape_cast %swap3A_195 : vector<1x128x128xf32> to vector<128x128xf32>
    %swap3A_197 = vector.shape_cast %add3A_191 : vector<128x128xf32> to vector<1x128x128xf32>
    tpu.vector_store %arg8[%swap3A_192, %swap3A_193, %swap3A_194], %swap3A_197 {strides = array<i32>} : memref<1x2048x128xf32, #tpu.memory_space<vmem>>, vector<1x128x128xf32>,
    %get3A_198 = arith.constant 512 : index
    %get3A_199 = arith.constant 0 : index
    %get3A_200 = vector.load %arg2[%get3A_198, %get3A_199] : memref<2048x32xf32, #tpu.memory_space<vmem>>, vector<128x32xf32>
    %mul3A_201 = vector.broadcast %convert_element_type3A_14 : vector<1x32xf32> to vector<128x32xf32>
    %mul3A_202 = arith.mulf %get3A_200, %mul3A_201 : vector<128x32xf32>
    %reduce_sum3A_203 = arith.constant dense<0.000000e+00> : vector<128xf32>
    %reduce_sum3A_204 = vector.multi_reduction <add>, %mul3A_202, %reduce_sum3A_203 [1] : vector<128x32xf32> to vector<128xf32>
    %broadcast_in_dim3A_205 = vector.shape_cast %reduce_sum3A_204 : vector<128xf32> to vector<128x1xf32>
    %get3A_206 = arith.constant 0 : index
    %get3A_207 = arith.constant 512 : index
    %get3A_208 = arith.constant 0 : index
    %get3A_209 = vector.load %arg1[%get3A_206, %get3A_207, %get3A_208] : memref<1x2048x128xf32, #tpu.memory_space<vmem>>, vector<1x128x128xf32>
    %get3A_210 = vector.shape_cast %get3A_209 : vector<1x128x128xf32> to vector<128x128xf32>
    %get3A_211 = arith.constant 512 : index
    %get3A_212 = arith.constant 0 : index
    %get3A_213 = vector.load %arg3[%get3A_211, %get3A_212] : memref<2048x128xf32, #tpu.memory_space<vmem>>, vector<128x128xf32>
    %add3A_214 = arith.addf %get3A_210, %get3A_213 : vector<128x128xf32>
    %mul3A_215 = vector.broadcast %broadcast_in_dim3A_205 : vector<128x1xf32> to vector<128x128xf32>
    %mul3A_216 = vector.broadcast %sub3A : vector<1x128xf32> to vector<128x128xf32>
    %mul3A_217 = arith.mulf %mul3A_215, %mul3A_216 : vector<128x128xf32>
    %add3A_218 = vector.broadcast %get3A_2 : vector<1x128xf32> to vector<128x128xf32>
    %add3A_219 = arith.addf %add3A_218, %mul3A_217 : vector<128x128xf32>
    %add3A_220 = arith.addf %add3A_214, %add3A_219 : vector<128x128xf32>
    %convert_element_type3A_221 = arith.truncf %add3A_220 : vector<128x128xf32> to vector<128x128xbf16>
    %mul3A_222 = arith.mulf %convert_element_type3A_221, %convert_element_type3A_221 : vector<128x128xbf16>
    %dot_general3A_223 = arith.constant dense<0.000000e+00> : vector<128x128xf32>
    %dot_general3A_224 = tpu.matmul %convert_element_type3A_221, %broadcast_in_dim3A_6, %dot_general3A_223 {dimension_numbers = #tpu.dot_dimension_numbers<[1], [0], [0], [1], [0, 0, 1, 1], [], []>, transpose_lhs_hint = false} : vector<128x128xbf16>, vector<128x128xbf16>, vector<128x128xf32> -> vector<128x128xf32>
    %dot_general3A_225 = arith.constant dense<0.000000e+00> : vector<128x128xf32>
    %dot_general3A_226 = tpu.matmul %mul3A_222, %broadcast_in_dim3A_6, %dot_general3A_225 {dimension_numbers = #tpu.dot_dimension_numbers<[1], [0], [0], [1], [0, 0, 1, 1], [], []>, transpose_lhs_hint = false} : vector<128x128xbf16>, vector<128x128xbf16>, vector<128x128xf32> -> vector<128x128xf32>
    %mul3A_227 = arith.mulf %dot_general3A_224, %dot_general3A_224 : vector<128x128xf32>
    %sub3A_228 = arith.subf %dot_general3A_226, %mul3A_227 : vector<128x128xf32>
    %add3A_229 = arith.constant 9.99999974E-6 : f32
    %add3A_230 = vector.broadcast %add3A_229 : f32 to vector<128x128xf32>
    %add3A_231 = arith.addf %sub3A_228, %add3A_230 : vector<128x128xf32>
    %rsqrt3A_232 = math.rsqrt %add3A_231 : vector<128x128xf32>
    %sub3A_233 = arith.subf %add3A_220, %dot_general3A_224 : vector<128x128xf32>
    %mul3A_234 = vector.broadcast %get3A_9 : vector<1x128xf32> to vector<128x128xf32>
    %mul3A_235 = arith.mulf %rsqrt3A_232, %mul3A_234 : vector<128x128xf32>
    %mul3A_236 = arith.mulf %sub3A_233, %mul3A_235 : vector<128x128xf32>
    %add3A_237 = vector.broadcast %get3A_12 : vector<1x128xf32> to vector<128x128xf32>
    %add3A_238 = arith.addf %mul3A_236, %add3A_237 : vector<128x128xf32>
    %swap3A_239 = arith.constant 0 : index
    %swap3A_240 = arith.constant 512 : index
    %swap3A_241 = arith.constant 0 : index
    %swap3A_242 = vector.load %arg8[%swap3A_239, %swap3A_240, %swap3A_241] : memref<1x2048x128xf32, #tpu.memory_space<vmem>>, vector<1x128x128xf32>
    %swap3A_243 = vector.shape_cast %swap3A_242 : vector<1x128x128xf32> to vector<128x128xf32>
    %swap3A_244 = vector.shape_cast %add3A_238 : vector<128x128xf32> to vector<1x128x128xf32>
    tpu.vector_store %arg8[%swap3A_239, %swap3A_240, %swap3A_241], %swap3A_244 {strides = array<i32>} : memref<1x2048x128xf32, #tpu.memory_space<vmem>>, vector<1x128x128xf32>,
    %get3A_245 = arith.constant 640 : index
    %get3A_246 = arith.constant 0 : index
    %get3A_247 = vector.load %arg2[%get3A_245, %get3A_246] : memref<2048x32xf32, #tpu.memory_space<vmem>>, vector<128x32xf32>
    %mul3A_248 = vector.broadcast %convert_element_type3A_14 : vector<1x32xf32> to vector<128x32xf32>
    %mul3A_249 = arith.mulf %get3A_247, %mul3A_248 : vector<128x32xf32>
    %reduce_sum3A_250 = arith.constant dense<0.000000e+00> : vector<128xf32>
    %reduce_sum3A_251 = vector.multi_reduction <add>, %mul3A_249, %reduce_sum3A_250 [1] : vector<128x32xf32> to vector<128xf32>
    %broadcast_in_dim3A_252 = vector.shape_cast %reduce_sum3A_251 : vector<128xf32> to vector<128x1xf32>
    %get3A_253 = arith.constant 0 : index
    %get3A_254 = arith.constant 640 : index
    %get3A_255 = arith.constant 0 : index
    %get3A_256 = vector.load %arg1[%get3A_253, %get3A_254, %get3A_255] : memref<1x2048x128xf32, #tpu.memory_space<vmem>>, vector<1x128x128xf32>
    %get3A_257 = vector.shape_cast %get3A_256 : vector<1x128x128xf32> to vector<128x128xf32>
    %get3A_258 = arith.constant 640 : index
    %get3A_259 = arith.constant 0 : index
    %get3A_260 = vector.load %arg3[%get3A_258, %get3A_259] : memref<2048x128xf32, #tpu.memory_space<vmem>>, vector<128x128xf32>
    %add3A_261 = arith.addf %get3A_257, %get3A_260 : vector<128x128xf32>
    %mul3A_262 = vector.broadcast %broadcast_in_dim3A_252 : vector<128x1xf32> to vector<128x128xf32>
    %mul3A_263 = vector.broadcast %sub3A : vector<1x128xf32> to vector<128x128xf32>
    %mul3A_264 = arith.mulf %mul3A_262, %mul3A_263 : vector<128x128xf32>
    %add3A_265 = vector.broadcast %get3A_2 : vector<1x128xf32> to vector<128x128xf32>
    %add3A_266 = arith.addf %add3A_265, %mul3A_264 : vector<128x128xf32>
    %add3A_267 = arith.addf %add3A_261, %add3A_266 : vector<128x128xf32>
    %convert_element_type3A_268 = arith.truncf %add3A_267 : vector<128x128xf32> to vector<128x128xbf16>
    %mul3A_269 = arith.mulf %convert_element_type3A_268, %convert_element_type3A_268 : vector<128x128xbf16>
    %dot_general3A_270 = arith.constant dense<0.000000e+00> : vector<128x128xf32>
    %dot_general3A_271 = tpu.matmul %convert_element_type3A_268, %broadcast_in_dim3A_6, %dot_general3A_270 {dimension_numbers = #tpu.dot_dimension_numbers<[1], [0], [0], [1], [0, 0, 1, 1], [], []>, transpose_lhs_hint = false} : vector<128x128xbf16>, vector<128x128xbf16>, vector<128x128xf32> -> vector<128x128xf32>
    %dot_general3A_272 = arith.constant dense<0.000000e+00> : vector<128x128xf32>
    %dot_general3A_273 = tpu.matmul %mul3A_269, %broadcast_in_dim3A_6, %dot_general3A_272 {dimension_numbers = #tpu.dot_dimension_numbers<[1], [0], [0], [1], [0, 0, 1, 1], [], []>, transpose_lhs_hint = false} : vector<128x128xbf16>, vector<128x128xbf16>, vector<128x128xf32> -> vector<128x128xf32>
    %mul3A_274 = arith.mulf %dot_general3A_271, %dot_general3A_271 : vector<128x128xf32>
    %sub3A_275 = arith.subf %dot_general3A_273, %mul3A_274 : vector<128x128xf32>
    %add3A_276 = arith.constant 9.99999974E-6 : f32
    %add3A_277 = vector.broadcast %add3A_276 : f32 to vector<128x128xf32>
    %add3A_278 = arith.addf %sub3A_275, %add3A_277 : vector<128x128xf32>
    %rsqrt3A_279 = math.rsqrt %add3A_278 : vector<128x128xf32>
    %sub3A_280 = arith.subf %add3A_267, %dot_general3A_271 : vector<128x128xf32>
    %mul3A_281 = vector.broadcast %get3A_9 : vector<1x128xf32> to vector<128x128xf32>
    %mul3A_282 = arith.mulf %rsqrt3A_279, %mul3A_281 : vector<128x128xf32>
    %mul3A_283 = arith.mulf %sub3A_280, %mul3A_282 : vector<128x128xf32>
    %add3A_284 = vector.broadcast %get3A_12 : vector<1x128xf32> to vector<128x128xf32>
    %add3A_285 = arith.addf %mul3A_283, %add3A_284 : vector<128x128xf32>
    %swap3A_286 = arith.constant 0 : index
    %swap3A_287 = arith.constant 640 : index
    %swap3A_288 = arith.constant 0 : index
    %swap3A_289 = vector.load %arg8[%swap3A_286, %swap3A_287, %swap3A_288] : memref<1x2048x128xf32, #tpu.memory_space<vmem>>, vector<1x128x128xf32>
    %swap3A_290 = vector.shape_cast %swap3A_289 : vector<1x128x128xf32> to vector<128x128xf32>
    %swap3A_291 = vector.shape_cast %add3A_285 : vector<128x128xf32> to vector<1x128x128xf32>
    tpu.vector_store %arg8[%swap3A_286, %swap3A_287, %swap3A_288], %swap3A_291 {strides = array<i32>} : memref<1x2048x128xf32, #tpu.memory_space<vmem>>, vector<1x128x128xf32>,
    %get3A_292 = arith.constant 768 : index
    %get3A_293 = arith.constant 0 : index
    %get3A_294 = vector.load %arg2[%get3A_292, %get3A_293] : memref<2048x32xf32, #tpu.memory_space<vmem>>, vector<128x32xf32>
    %mul3A_295 = vector.broadcast %convert_element_type3A_14 : vector<1x32xf32> to vector<128x32xf32>
    %mul3A_296 = arith.mulf %get3A_294, %mul3A_295 : vector<128x32xf32>
    %reduce_sum3A_297 = arith.constant dense<0.000000e+00> : vector<128xf32>
    %reduce_sum3A_298 = vector.multi_reduction <add>, %mul3A_296, %reduce_sum3A_297 [1] : vector<128x32xf32> to vector<128xf32>
    %broadcast_in_dim3A_299 = vector.shape_cast %reduce_sum3A_298 : vector<128xf32> to vector<128x1xf32>
    %get3A_300 = arith.constant 0 : index
    %get3A_301 = arith.constant 768 : index
    %get3A_302 = arith.constant 0 : index
    %get3A_303 = vector.load %arg1[%get3A_300, %get3A_301, %get3A_302] : memref<1x2048x128xf32, #tpu.memory_space<vmem>>, vector<1x128x128xf32>
    %get3A_304 = vector.shape_cast %get3A_303 : vector<1x128x128xf32> to vector<128x128xf32>
    %get3A_305 = arith.constant 768 : index
    %get3A_306 = arith.constant 0 : index
    %get3A_307 = vector.load %arg3[%get3A_305, %get3A_306] : memref<2048x128xf32, #tpu.memory_space<vmem>>, vector<128x128xf32>
    %add3A_308 = arith.addf %get3A_304, %get3A_307 : vector<128x128xf32>
    %mul3A_309 = vector.broadcast %broadcast_in_dim3A_299 : vector<128x1xf32> to vector<128x128xf32>
    %mul3A_310 = vector.broadcast %sub3A : vector<1x128xf32> to vector<128x128xf32>
    %mul3A_311 = arith.mulf %mul3A_309, %mul3A_310 : vector<128x128xf32>
    %add3A_312 = vector.broadcast %get3A_2 : vector<1x128xf32> to vector<128x128xf32>
    %add3A_313 = arith.addf %add3A_312, %mul3A_311 : vector<128x128xf32>
    %add3A_314 = arith.addf %add3A_308, %add3A_313 : vector<128x128xf32>
    %convert_element_type3A_315 = arith.truncf %add3A_314 : vector<128x128xf32> to vector<128x128xbf16>
    %mul3A_316 = arith.mulf %convert_element_type3A_315, %convert_element_type3A_315 : vector<128x128xbf16>
    %dot_general3A_317 = arith.constant dense<0.000000e+00> : vector<128x128xf32>
    %dot_general3A_318 = tpu.matmul %convert_element_type3A_315, %broadcast_in_dim3A_6, %dot_general3A_317 {dimension_numbers = #tpu.dot_dimension_numbers<[1], [0], [0], [1], [0, 0, 1, 1], [], []>, transpose_lhs_hint = false} : vector<128x128xbf16>, vector<128x128xbf16>, vector<128x128xf32> -> vector<128x128xf32>
    %dot_general3A_319 = arith.constant dense<0.000000e+00> : vector<128x128xf32>
    %dot_general3A_320 = tpu.matmul %mul3A_316, %broadcast_in_dim3A_6, %dot_general3A_319 {dimension_numbers = #tpu.dot_dimension_numbers<[1], [0], [0], [1], [0, 0, 1, 1], [], []>, transpose_lhs_hint = false} : vector<128x128xbf16>, vector<128x128xbf16>, vector<128x128xf32> -> vector<128x128xf32>
    %mul3A_321 = arith.mulf %dot_general3A_318, %dot_general3A_318 : vector<128x128xf32>
    %sub3A_322 = arith.subf %dot_general3A_320, %mul3A_321 : vector<128x128xf32>
    %add3A_323 = arith.constant 9.99999974E-6 : f32
    %add3A_324 = vector.broadcast %add3A_323 : f32 to vector<128x128xf32>
    %add3A_325 = arith.addf %sub3A_322, %add3A_324 : vector<128x128xf32>
    %rsqrt3A_326 = math.rsqrt %add3A_325 : vector<128x128xf32>
    %sub3A_327 = arith.subf %add3A_314, %dot_general3A_318 : vector<128x128xf32>
    %mul3A_328 = vector.broadcast %get3A_9 : vector<1x128xf32> to vector<128x128xf32>
    %mul3A_329 = arith.mulf %rsqrt3A_326, %mul3A_328 : vector<128x128xf32>
    %mul3A_330 = arith.mulf %sub3A_327, %mul3A_329 : vector<128x128xf32>
    %add3A_331 = vector.broadcast %get3A_12 : vector<1x128xf32> to vector<128x128xf32>
    %add3A_332 = arith.addf %mul3A_330, %add3A_331 : vector<128x128xf32>
    %swap3A_333 = arith.constant 0 : index
    %swap3A_334 = arith.constant 768 : index
    %swap3A_335 = arith.constant 0 : index
    %swap3A_336 = vector.load %arg8[%swap3A_333, %swap3A_334, %swap3A_335] : memref<1x2048x128xf32, #tpu.memory_space<vmem>>, vector<1x128x128xf32>
    %swap3A_337 = vector.shape_cast %swap3A_336 : vector<1x128x128xf32> to vector<128x128xf32>
    %swap3A_338 = vector.shape_cast %add3A_332 : vector<128x128xf32> to vector<1x128x128xf32>
    tpu.vector_store %arg8[%swap3A_333, %swap3A_334, %swap3A_335], %swap3A_338 {strides = array<i32>} : memref<1x2048x128xf32, #tpu.memory_space<vmem>>, vector<1x128x128xf32>,
    %get3A_339 = arith.constant 896 : index
    %get3A_340 = arith.constant 0 : index
    %get3A_341 = vector.load %arg2[%get3A_339, %get3A_340] : memref<2048x32xf32, #tpu.memory_space<vmem>>, vector<128x32xf32>
    %mul3A_342 = vector.broadcast %convert_element_type3A_14 : vector<1x32xf32> to vector<128x32xf32>
    %mul3A_343 = arith.mulf %get3A_341, %mul3A_342 : vector<128x32xf32>
    %reduce_sum3A_344 = arith.constant dense<0.000000e+00> : vector<128xf32>
    %reduce_sum3A_345 = vector.multi_reduction <add>, %mul3A_343, %reduce_sum3A_344 [1] : vector<128x32xf32> to vector<128xf32>
    %broadcast_in_dim3A_346 = vector.shape_cast %reduce_sum3A_345 : vector<128xf32> to vector<128x1xf32>
    %get3A_347 = arith.constant 0 : index
    %get3A_348 = arith.constant 896 : index
    %get3A_349 = arith.constant 0 : index
    %get3A_350 = vector.load %arg1[%get3A_347, %get3A_348, %get3A_349] : memref<1x2048x128xf32, #tpu.memory_space<vmem>>, vector<1x128x128xf32>
    %get3A_351 = vector.shape_cast %get3A_350 : vector<1x128x128xf32> to vector<128x128xf32>
    %get3A_352 = arith.constant 896 : index
    %get3A_353 = arith.constant 0 : index
    %get3A_354 = vector.load %arg3[%get3A_352, %get3A_353] : memref<2048x128xf32, #tpu.memory_space<vmem>>, vector<128x128xf32>
    %add3A_355 = arith.addf %get3A_351, %get3A_354 : vector<128x128xf32>
    %mul3A_356 = vector.broadcast %broadcast_in_dim3A_346 : vector<128x1xf32> to vector<128x128xf32>
    %mul3A_357 = vector.broadcast %sub3A : vector<1x128xf32> to vector<128x128xf32>
    %mul3A_358 = arith.mulf %mul3A_356, %mul3A_357 : vector<128x128xf32>
    %add3A_359 = vector.broadcast %get3A_2 : vector<1x128xf32> to vector<128x128xf32>
    %add3A_360 = arith.addf %add3A_359, %mul3A_358 : vector<128x128xf32>
    %add3A_361 = arith.addf %add3A_355, %add3A_360 : vector<128x128xf32>
    %convert_element_type3A_362 = arith.truncf %add3A_361 : vector<128x128xf32> to vector<128x128xbf16>
    %mul3A_363 = arith.mulf %convert_element_type3A_362, %convert_element_type3A_362 : vector<128x128xbf16>
    %dot_general3A_364 = arith.constant dense<0.000000e+00> : vector<128x128xf32>
    %dot_general3A_365 = tpu.matmul %convert_element_type3A_362, %broadcast_in_dim3A_6, %dot_general3A_364 {dimension_numbers = #tpu.dot_dimension_numbers<[1], [0], [0], [1], [0, 0, 1, 1], [], []>, transpose_lhs_hint = false} : vector<128x128xbf16>, vector<128x128xbf16>, vector<128x128xf32> -> vector<128x128xf32>
    %dot_general3A_366 = arith.constant dense<0.000000e+00> : vector<128x128xf32>
    %dot_general3A_367 = tpu.matmul %mul3A_363, %broadcast_in_dim3A_6, %dot_general3A_366 {dimension_numbers = #tpu.dot_dimension_numbers<[1], [0], [0], [1], [0, 0, 1, 1], [], []>, transpose_lhs_hint = false} : vector<128x128xbf16>, vector<128x128xbf16>, vector<128x128xf32> -> vector<128x128xf32>
    %mul3A_368 = arith.mulf %dot_general3A_365, %dot_general3A_365 : vector<128x128xf32>
    %sub3A_369 = arith.subf %dot_general3A_367, %mul3A_368 : vector<128x128xf32>
    %add3A_370 = arith.constant 9.99999974E-6 : f32
    %add3A_371 = vector.broadcast %add3A_370 : f32 to vector<128x128xf32>
    %add3A_372 = arith.addf %sub3A_369, %add3A_371 : vector<128x128xf32>
    %rsqrt3A_373 = math.rsqrt %add3A_372 : vector<128x128xf32>
    %sub3A_374 = arith.subf %add3A_361, %dot_general3A_365 : vector<128x128xf32>
    %mul3A_375 = vector.broadcast %get3A_9 : vector<1x128xf32> to vector<128x128xf32>
    %mul3A_376 = arith.mulf %rsqrt3A_373, %mul3A_375 : vector<128x128xf32>
    %mul3A_377 = arith.mulf %sub3A_374, %mul3A_376 : vector<128x128xf32>
    %add3A_378 = vector.broadcast %get3A_12 : vector<1x128xf32> to vector<128x128xf32>
    %add3A_379 = arith.addf %mul3A_377, %add3A_378 : vector<128x128xf32>
    %swap3A_380 = arith.constant 0 : index
    %swap3A_381 = arith.constant 896 : index
    %swap3A_382 = arith.constant 0 : index
    %swap3A_383 = vector.load %arg8[%swap3A_380, %swap3A_381, %swap3A_382] : memref<1x2048x128xf32, #tpu.memory_space<vmem>>, vector<1x128x128xf32>
    %swap3A_384 = vector.shape_cast %swap3A_383 : vector<1x128x128xf32> to vector<128x128xf32>
    %swap3A_385 = vector.shape_cast %add3A_379 : vector<128x128xf32> to vector<1x128x128xf32>
    tpu.vector_store %arg8[%swap3A_380, %swap3A_381, %swap3A_382], %swap3A_385 {strides = array<i32>} : memref<1x2048x128xf32, #tpu.memory_space<vmem>>, vector<1x128x128xf32>,
    %get3A_386 = arith.constant 1024 : index
    %get3A_387 = arith.constant 0 : index
    %get3A_388 = vector.load %arg2[%get3A_386, %get3A_387] : memref<2048x32xf32, #tpu.memory_space<vmem>>, vector<128x32xf32>
    %mul3A_389 = vector.broadcast %convert_element_type3A_14 : vector<1x32xf32> to vector<128x32xf32>
    %mul3A_390 = arith.mulf %get3A_388, %mul3A_389 : vector<128x32xf32>
    %reduce_sum3A_391 = arith.constant dense<0.000000e+00> : vector<128xf32>
    %reduce_sum3A_392 = vector.multi_reduction <add>, %mul3A_390, %reduce_sum3A_391 [1] : vector<128x32xf32> to vector<128xf32>
    %broadcast_in_dim3A_393 = vector.shape_cast %reduce_sum3A_392 : vector<128xf32> to vector<128x1xf32>
    %get3A_394 = arith.constant 0 : index
    %get3A_395 = arith.constant 1024 : index
    %get3A_396 = arith.constant 0 : index
    %get3A_397 = vector.load %arg1[%get3A_394, %get3A_395, %get3A_396] : memref<1x2048x128xf32, #tpu.memory_space<vmem>>, vector<1x128x128xf32>
    %get3A_398 = vector.shape_cast %get3A_397 : vector<1x128x128xf32> to vector<128x128xf32>
    %get3A_399 = arith.constant 1024 : index
    %get3A_400 = arith.constant 0 : index
    %get3A_401 = vector.load %arg3[%get3A_399, %get3A_400] : memref<2048x128xf32, #tpu.memory_space<vmem>>, vector<128x128xf32>
    %add3A_402 = arith.addf %get3A_398, %get3A_401 : vector<128x128xf32>
    %mul3A_403 = vector.broadcast %broadcast_in_dim3A_393 : vector<128x1xf32> to vector<128x128xf32>
    %mul3A_404 = vector.broadcast %sub3A : vector<1x128xf32> to vector<128x128xf32>
    %mul3A_405 = arith.mulf %mul3A_403, %mul3A_404 : vector<128x128xf32>
    %add3A_406 = vector.broadcast %get3A_2 : vector<1x128xf32> to vector<128x128xf32>
    %add3A_407 = arith.addf %add3A_406, %mul3A_405 : vector<128x128xf32>
    %add3A_408 = arith.addf %add3A_402, %add3A_407 : vector<128x128xf32>
    %convert_element_type3A_409 = arith.truncf %add3A_408 : vector<128x128xf32> to vector<128x128xbf16>
    %mul3A_410 = arith.mulf %convert_element_type3A_409, %convert_element_type3A_409 : vector<128x128xbf16>
    %dot_general3A_411 = arith.constant dense<0.000000e+00> : vector<128x128xf32>
    %dot_general3A_412 = tpu.matmul %convert_element_type3A_409, %broadcast_in_dim3A_6, %dot_general3A_411 {dimension_numbers = #tpu.dot_dimension_numbers<[1], [0], [0], [1], [0, 0, 1, 1], [], []>, transpose_lhs_hint = false} : vector<128x128xbf16>, vector<128x128xbf16>, vector<128x128xf32> -> vector<128x128xf32>
    %dot_general3A_413 = arith.constant dense<0.000000e+00> : vector<128x128xf32>
    %dot_general3A_414 = tpu.matmul %mul3A_410, %broadcast_in_dim3A_6, %dot_general3A_413 {dimension_numbers = #tpu.dot_dimension_numbers<[1], [0], [0], [1], [0, 0, 1, 1], [], []>, transpose_lhs_hint = false} : vector<128x128xbf16>, vector<128x128xbf16>, vector<128x128xf32> -> vector<128x128xf32>
    %mul3A_415 = arith.mulf %dot_general3A_412, %dot_general3A_412 : vector<128x128xf32>
    %sub3A_416 = arith.subf %dot_general3A_414, %mul3A_415 : vector<128x128xf32>
    %add3A_417 = arith.constant 9.99999974E-6 : f32
    %add3A_418 = vector.broadcast %add3A_417 : f32 to vector<128x128xf32>
    %add3A_419 = arith.addf %sub3A_416, %add3A_418 : vector<128x128xf32>
    %rsqrt3A_420 = math.rsqrt %add3A_419 : vector<128x128xf32>
    %sub3A_421 = arith.subf %add3A_408, %dot_general3A_412 : vector<128x128xf32>
    %mul3A_422 = vector.broadcast %get3A_9 : vector<1x128xf32> to vector<128x128xf32>
    %mul3A_423 = arith.mulf %rsqrt3A_420, %mul3A_422 : vector<128x128xf32>
    %mul3A_424 = arith.mulf %sub3A_421, %mul3A_423 : vector<128x128xf32>
    %add3A_425 = vector.broadcast %get3A_12 : vector<1x128xf32> to vector<128x128xf32>
    %add3A_426 = arith.addf %mul3A_424, %add3A_425 : vector<128x128xf32>
    %swap3A_427 = arith.constant 0 : index
    %swap3A_428 = arith.constant 1024 : index
    %swap3A_429 = arith.constant 0 : index
    %swap3A_430 = vector.load %arg8[%swap3A_427, %swap3A_428, %swap3A_429] : memref<1x2048x128xf32, #tpu.memory_space<vmem>>, vector<1x128x128xf32>
    %swap3A_431 = vector.shape_cast %swap3A_430 : vector<1x128x128xf32> to vector<128x128xf32>
    %swap3A_432 = vector.shape_cast %add3A_426 : vector<128x128xf32> to vector<1x128x128xf32>
    tpu.vector_store %arg8[%swap3A_427, %swap3A_428, %swap3A_429], %swap3A_432 {strides = array<i32>} : memref<1x2048x128xf32, #tpu.memory_space<vmem>>, vector<1x128x128xf32>,
    %get3A_433 = arith.constant 1152 : index
    %get3A_434 = arith.constant 0 : index
    %get3A_435 = vector.load %arg2[%get3A_433, %get3A_434] : memref<2048x32xf32, #tpu.memory_space<vmem>>, vector<128x32xf32>
    %mul3A_436 = vector.broadcast %convert_element_type3A_14 : vector<1x32xf32> to vector<128x32xf32>
    %mul3A_437 = arith.mulf %get3A_435, %mul3A_436 : vector<128x32xf32>
    %reduce_sum3A_438 = arith.constant dense<0.000000e+00> : vector<128xf32>
    %reduce_sum3A_439 = vector.multi_reduction <add>, %mul3A_437, %reduce_sum3A_438 [1] : vector<128x32xf32> to vector<128xf32>
    %broadcast_in_dim3A_440 = vector.shape_cast %reduce_sum3A_439 : vector<128xf32> to vector<128x1xf32>
    %get3A_441 = arith.constant 0 : index
    %get3A_442 = arith.constant 1152 : index
    %get3A_443 = arith.constant 0 : index
    %get3A_444 = vector.load %arg1[%get3A_441, %get3A_442, %get3A_443] : memref<1x2048x128xf32, #tpu.memory_space<vmem>>, vector<1x128x128xf32>
    %get3A_445 = vector.shape_cast %get3A_444 : vector<1x128x128xf32> to vector<128x128xf32>
    %get3A_446 = arith.constant 1152 : index
    %get3A_447 = arith.constant 0 : index
    %get3A_448 = vector.load %arg3[%get3A_446, %get3A_447] : memref<2048x128xf32, #tpu.memory_space<vmem>>, vector<128x128xf32>
    %add3A_449 = arith.addf %get3A_445, %get3A_448 : vector<128x128xf32>
    %mul3A_450 = vector.broadcast %broadcast_in_dim3A_440 : vector<128x1xf32> to vector<128x128xf32>
    %mul3A_451 = vector.broadcast %sub3A : vector<1x128xf32> to vector<128x128xf32>
    %mul3A_452 = arith.mulf %mul3A_450, %mul3A_451 : vector<128x128xf32>
    %add3A_453 = vector.broadcast %get3A_2 : vector<1x128xf32> to vector<128x128xf32>
    %add3A_454 = arith.addf %add3A_453, %mul3A_452 : vector<128x128xf32>
    %add3A_455 = arith.addf %add3A_449, %add3A_454 : vector<128x128xf32>
    %convert_element_type3A_456 = arith.truncf %add3A_455 : vector<128x128xf32> to vector<128x128xbf16>
    %mul3A_457 = arith.mulf %convert_element_type3A_456, %convert_element_type3A_456 : vector<128x128xbf16>
    %dot_general3A_458 = arith.constant dense<0.000000e+00> : vector<128x128xf32>
    %dot_general3A_459 = tpu.matmul %convert_element_type3A_456, %broadcast_in_dim3A_6, %dot_general3A_458 {dimension_numbers = #tpu.dot_dimension_numbers<[1], [0], [0], [1], [0, 0, 1, 1], [], []>, transpose_lhs_hint = false} : vector<128x128xbf16>, vector<128x128xbf16>, vector<128x128xf32> -> vector<128x128xf32>
    %dot_general3A_460 = arith.constant dense<0.000000e+00> : vector<128x128xf32>
    %dot_general3A_461 = tpu.matmul %mul3A_457, %broadcast_in_dim3A_6, %dot_general3A_460 {dimension_numbers = #tpu.dot_dimension_numbers<[1], [0], [0], [1], [0, 0, 1, 1], [], []>, transpose_lhs_hint = false} : vector<128x128xbf16>, vector<128x128xbf16>, vector<128x128xf32> -> vector<128x128xf32>
    %mul3A_462 = arith.mulf %dot_general3A_459, %dot_general3A_459 : vector<128x128xf32>
    %sub3A_463 = arith.subf %dot_general3A_461, %mul3A_462 : vector<128x128xf32>
    %add3A_464 = arith.constant 9.99999974E-6 : f32
    %add3A_465 = vector.broadcast %add3A_464 : f32 to vector<128x128xf32>
    %add3A_466 = arith.addf %sub3A_463, %add3A_465 : vector<128x128xf32>
    %rsqrt3A_467 = math.rsqrt %add3A_466 : vector<128x128xf32>
    %sub3A_468 = arith.subf %add3A_455, %dot_general3A_459 : vector<128x128xf32>
    %mul3A_469 = vector.broadcast %get3A_9 : vector<1x128xf32> to vector<128x128xf32>
    %mul3A_470 = arith.mulf %rsqrt3A_467, %mul3A_469 : vector<128x128xf32>
    %mul3A_471 = arith.mulf %sub3A_468, %mul3A_470 : vector<128x128xf32>
    %add3A_472 = vector.broadcast %get3A_12 : vector<1x128xf32> to vector<128x128xf32>
    %add3A_473 = arith.addf %mul3A_471, %add3A_472 : vector<128x128xf32>
    %swap3A_474 = arith.constant 0 : index
    %swap3A_475 = arith.constant 1152 : index
    %swap3A_476 = arith.constant 0 : index
    %swap3A_477 = vector.load %arg8[%swap3A_474, %swap3A_475, %swap3A_476] : memref<1x2048x128xf32, #tpu.memory_space<vmem>>, vector<1x128x128xf32>
    %swap3A_478 = vector.shape_cast %swap3A_477 : vector<1x128x128xf32> to vector<128x128xf32>
    %swap3A_479 = vector.shape_cast %add3A_473 : vector<128x128xf32> to vector<1x128x128xf32>
    tpu.vector_store %arg8[%swap3A_474, %swap3A_475, %swap3A_476], %swap3A_479 {strides = array<i32>} : memref<1x2048x128xf32, #tpu.memory_space<vmem>>, vector<1x128x128xf32>,
    %get3A_480 = arith.constant 1280 : index
    %get3A_481 = arith.constant 0 : index
    %get3A_482 = vector.load %arg2[%get3A_480, %get3A_481] : memref<2048x32xf32, #tpu.memory_space<vmem>>, vector<128x32xf32>
    %mul3A_483 = vector.broadcast %convert_element_type3A_14 : vector<1x32xf32> to vector<128x32xf32>
    %mul3A_484 = arith.mulf %get3A_482, %mul3A_483 : vector<128x32xf32>
    %reduce_sum3A_485 = arith.constant dense<0.000000e+00> : vector<128xf32>
    %reduce_sum3A_486 = vector.multi_reduction <add>, %mul3A_484, %reduce_sum3A_485 [1] : vector<128x32xf32> to vector<128xf32>
    %broadcast_in_dim3A_487 = vector.shape_cast %reduce_sum3A_486 : vector<128xf32> to vector<128x1xf32>
    %get3A_488 = arith.constant 0 : index
    %get3A_489 = arith.constant 1280 : index
    %get3A_490 = arith.constant 0 : index
    %get3A_491 = vector.load %arg1[%get3A_488, %get3A_489, %get3A_490] : memref<1x2048x128xf32, #tpu.memory_space<vmem>>, vector<1x128x128xf32>
    %get3A_492 = vector.shape_cast %get3A_491 : vector<1x128x128xf32> to vector<128x128xf32>
    %get3A_493 = arith.constant 1280 : index
    %get3A_494 = arith.constant 0 : index
    %get3A_495 = vector.load %arg3[%get3A_493, %get3A_494] : memref<2048x128xf32, #tpu.memory_space<vmem>>, vector<128x128xf32>
    %add3A_496 = arith.addf %get3A_492, %get3A_495 : vector<128x128xf32>
    %mul3A_497 = vector.broadcast %broadcast_in_dim3A_487 : vector<128x1xf32> to vector<128x128xf32>
    %mul3A_498 = vector.broadcast %sub3A : vector<1x128xf32> to vector<128x128xf32>
    %mul3A_499 = arith.mulf %mul3A_497, %mul3A_498 : vector<128x128xf32>
    %add3A_500 = vector.broadcast %get3A_2 : vector<1x128xf32> to vector<128x128xf32>
    %add3A_501 = arith.addf %add3A_500, %mul3A_499 : vector<128x128xf32>
    %add3A_502 = arith.addf %add3A_496, %add3A_501 : vector<128x128xf32>
    %convert_element_type3A_503 = arith.truncf %add3A_502 : vector<128x128xf32> to vector<128x128xbf16>
    %mul3A_504 = arith.mulf %convert_element_type3A_503, %convert_element_type3A_503 : vector<128x128xbf16>
    %dot_general3A_505 = arith.constant dense<0.000000e+00> : vector<128x128xf32>
    %dot_general3A_506 = tpu.matmul %convert_element_type3A_503, %broadcast_in_dim3A_6, %dot_general3A_505 {dimension_numbers = #tpu.dot_dimension_numbers<[1], [0], [0], [1], [0, 0, 1, 1], [], []>, transpose_lhs_hint = false} : vector<128x128xbf16>, vector<128x128xbf16>, vector<128x128xf32> -> vector<128x128xf32>
    %dot_general3A_507 = arith.constant dense<0.000000e+00> : vector<128x128xf32>
    %dot_general3A_508 = tpu.matmul %mul3A_504, %broadcast_in_dim3A_6, %dot_general3A_507 {dimension_numbers = #tpu.dot_dimension_numbers<[1], [0], [0], [1], [0, 0, 1, 1], [], []>, transpose_lhs_hint = false} : vector<128x128xbf16>, vector<128x128xbf16>, vector<128x128xf32> -> vector<128x128xf32>
    %mul3A_509 = arith.mulf %dot_general3A_506, %dot_general3A_506 : vector<128x128xf32>
    %sub3A_510 = arith.subf %dot_general3A_508, %mul3A_509 : vector<128x128xf32>
    %add3A_511 = arith.constant 9.99999974E-6 : f32
    %add3A_512 = vector.broadcast %add3A_511 : f32 to vector<128x128xf32>
    %add3A_513 = arith.addf %sub3A_510, %add3A_512 : vector<128x128xf32>
    %rsqrt3A_514 = math.rsqrt %add3A_513 : vector<128x128xf32>
    %sub3A_515 = arith.subf %add3A_502, %dot_general3A_506 : vector<128x128xf32>
    %mul3A_516 = vector.broadcast %get3A_9 : vector<1x128xf32> to vector<128x128xf32>
    %mul3A_517 = arith.mulf %rsqrt3A_514, %mul3A_516 : vector<128x128xf32>
    %mul3A_518 = arith.mulf %sub3A_515, %mul3A_517 : vector<128x128xf32>
    %add3A_519 = vector.broadcast %get3A_12 : vector<1x128xf32> to vector<128x128xf32>
    %add3A_520 = arith.addf %mul3A_518, %add3A_519 : vector<128x128xf32>
    %swap3A_521 = arith.constant 0 : index
    %swap3A_522 = arith.constant 1280 : index
    %swap3A_523 = arith.constant 0 : index
    %swap3A_524 = vector.load %arg8[%swap3A_521, %swap3A_522, %swap3A_523] : memref<1x2048x128xf32, #tpu.memory_space<vmem>>, vector<1x128x128xf32>
    %swap3A_525 = vector.shape_cast %swap3A_524 : vector<1x128x128xf32> to vector<128x128xf32>
    %swap3A_526 = vector.shape_cast %add3A_520 : vector<128x128xf32> to vector<1x128x128xf32>
    tpu.vector_store %arg8[%swap3A_521, %swap3A_522, %swap3A_523], %swap3A_526 {strides = array<i32>} : memref<1x2048x128xf32, #tpu.memory_space<vmem>>, vector<1x128x128xf32>,
    %get3A_527 = arith.constant 1408 : index
    %get3A_528 = arith.constant 0 : index
    %get3A_529 = vector.load %arg2[%get3A_527, %get3A_528] : memref<2048x32xf32, #tpu.memory_space<vmem>>, vector<128x32xf32>
    %mul3A_530 = vector.broadcast %convert_element_type3A_14 : vector<1x32xf32> to vector<128x32xf32>
    %mul3A_531 = arith.mulf %get3A_529, %mul3A_530 : vector<128x32xf32>
    %reduce_sum3A_532 = arith.constant dense<0.000000e+00> : vector<128xf32>
    %reduce_sum3A_533 = vector.multi_reduction <add>, %mul3A_531, %reduce_sum3A_532 [1] : vector<128x32xf32> to vector<128xf32>
    %broadcast_in_dim3A_534 = vector.shape_cast %reduce_sum3A_533 : vector<128xf32> to vector<128x1xf32>
    %get3A_535 = arith.constant 0 : index
    %get3A_536 = arith.constant 1408 : index
    %get3A_537 = arith.constant 0 : index
    %get3A_538 = vector.load %arg1[%get3A_535, %get3A_536, %get3A_537] : memref<1x2048x128xf32, #tpu.memory_space<vmem>>, vector<1x128x128xf32>
    %get3A_539 = vector.shape_cast %get3A_538 : vector<1x128x128xf32> to vector<128x128xf32>
    %get3A_540 = arith.constant 1408 : index
    %get3A_541 = arith.constant 0 : index
    %get3A_542 = vector.load %arg3[%get3A_540, %get3A_541] : memref<2048x128xf32, #tpu.memory_space<vmem>>, vector<128x128xf32>
    %add3A_543 = arith.addf %get3A_539, %get3A_542 : vector<128x128xf32>
    %mul3A_544 = vector.broadcast %broadcast_in_dim3A_534 : vector<128x1xf32> to vector<128x128xf32>
    %mul3A_545 = vector.broadcast %sub3A : vector<1x128xf32> to vector<128x128xf32>
    %mul3A_546 = arith.mulf %mul3A_544, %mul3A_545 : vector<128x128xf32>
    %add3A_547 = vector.broadcast %get3A_2 : vector<1x128xf32> to vector<128x128xf32>
    %add3A_548 = arith.addf %add3A_547, %mul3A_546 : vector<128x128xf32>
    %add3A_549 = arith.addf %add3A_543, %add3A_548 : vector<128x128xf32>
    %convert_element_type3A_550 = arith.truncf %add3A_549 : vector<128x128xf32> to vector<128x128xbf16>
    %mul3A_551 = arith.mulf %convert_element_type3A_550, %convert_element_type3A_550 : vector<128x128xbf16>
    %dot_general3A_552 = arith.constant dense<0.000000e+00> : vector<128x128xf32>
    %dot_general3A_553 = tpu.matmul %convert_element_type3A_550, %broadcast_in_dim3A_6, %dot_general3A_552 {dimension_numbers = #tpu.dot_dimension_numbers<[1], [0], [0], [1], [0, 0, 1, 1], [], []>, transpose_lhs_hint = false} : vector<128x128xbf16>, vector<128x128xbf16>, vector<128x128xf32> -> vector<128x128xf32>
    %dot_general3A_554 = arith.constant dense<0.000000e+00> : vector<128x128xf32>
    %dot_general3A_555 = tpu.matmul %mul3A_551, %broadcast_in_dim3A_6, %dot_general3A_554 {dimension_numbers = #tpu.dot_dimension_numbers<[1], [0], [0], [1], [0, 0, 1, 1], [], []>, transpose_lhs_hint = false} : vector<128x128xbf16>, vector<128x128xbf16>, vector<128x128xf32> -> vector<128x128xf32>
    %mul3A_556 = arith.mulf %dot_general3A_553, %dot_general3A_553 : vector<128x128xf32>
    %sub3A_557 = arith.subf %dot_general3A_555, %mul3A_556 : vector<128x128xf32>
    %add3A_558 = arith.constant 9.99999974E-6 : f32
    %add3A_559 = vector.broadcast %add3A_558 : f32 to vector<128x128xf32>
    %add3A_560 = arith.addf %sub3A_557, %add3A_559 : vector<128x128xf32>
    %rsqrt3A_561 = math.rsqrt %add3A_560 : vector<128x128xf32>
    %sub3A_562 = arith.subf %add3A_549, %dot_general3A_553 : vector<128x128xf32>
    %mul3A_563 = vector.broadcast %get3A_9 : vector<1x128xf32> to vector<128x128xf32>
    %mul3A_564 = arith.mulf %rsqrt3A_561, %mul3A_563 : vector<128x128xf32>
    %mul3A_565 = arith.mulf %sub3A_562, %mul3A_564 : vector<128x128xf32>
    %add3A_566 = vector.broadcast %get3A_12 : vector<1x128xf32> to vector<128x128xf32>
    %add3A_567 = arith.addf %mul3A_565, %add3A_566 : vector<128x128xf32>
    %swap3A_568 = arith.constant 0 : index
    %swap3A_569 = arith.constant 1408 : index
    %swap3A_570 = arith.constant 0 : index
    %swap3A_571 = vector.load %arg8[%swap3A_568, %swap3A_569, %swap3A_570] : memref<1x2048x128xf32, #tpu.memory_space<vmem>>, vector<1x128x128xf32>
    %swap3A_572 = vector.shape_cast %swap3A_571 : vector<1x128x128xf32> to vector<128x128xf32>
    %swap3A_573 = vector.shape_cast %add3A_567 : vector<128x128xf32> to vector<1x128x128xf32>
    tpu.vector_store %arg8[%swap3A_568, %swap3A_569, %swap3A_570], %swap3A_573 {strides = array<i32>} : memref<1x2048x128xf32, #tpu.memory_space<vmem>>, vector<1x128x128xf32>,
    %get3A_574 = arith.constant 1536 : index
    %get3A_575 = arith.constant 0 : index
    %get3A_576 = vector.load %arg2[%get3A_574, %get3A_575] : memref<2048x32xf32, #tpu.memory_space<vmem>>, vector<128x32xf32>
    %mul3A_577 = vector.broadcast %convert_element_type3A_14 : vector<1x32xf32> to vector<128x32xf32>
    %mul3A_578 = arith.mulf %get3A_576, %mul3A_577 : vector<128x32xf32>
    %reduce_sum3A_579 = arith.constant dense<0.000000e+00> : vector<128xf32>
    %reduce_sum3A_580 = vector.multi_reduction <add>, %mul3A_578, %reduce_sum3A_579 [1] : vector<128x32xf32> to vector<128xf32>
    %broadcast_in_dim3A_581 = vector.shape_cast %reduce_sum3A_580 : vector<128xf32> to vector<128x1xf32>
    %get3A_582 = arith.constant 0 : index
    %get3A_583 = arith.constant 1536 : index
    %get3A_584 = arith.constant 0 : index
    %get3A_585 = vector.load %arg1[%get3A_582, %get3A_583, %get3A_584] : memref<1x2048x128xf32, #tpu.memory_space<vmem>>, vector<1x128x128xf32>
    %get3A_586 = vector.shape_cast %get3A_585 : vector<1x128x128xf32> to vector<128x128xf32>
    %get3A_587 = arith.constant 1536 : index
    %get3A_588 = arith.constant 0 : index
    %get3A_589 = vector.load %arg3[%get3A_587, %get3A_588] : memref<2048x128xf32, #tpu.memory_space<vmem>>, vector<128x128xf32>
    %add3A_590 = arith.addf %get3A_586, %get3A_589 : vector<128x128xf32>
    %mul3A_591 = vector.broadcast %broadcast_in_dim3A_581 : vector<128x1xf32> to vector<128x128xf32>
    %mul3A_592 = vector.broadcast %sub3A : vector<1x128xf32> to vector<128x128xf32>
    %mul3A_593 = arith.mulf %mul3A_591, %mul3A_592 : vector<128x128xf32>
    %add3A_594 = vector.broadcast %get3A_2 : vector<1x128xf32> to vector<128x128xf32>
    %add3A_595 = arith.addf %add3A_594, %mul3A_593 : vector<128x128xf32>
    %add3A_596 = arith.addf %add3A_590, %add3A_595 : vector<128x128xf32>
    %convert_element_type3A_597 = arith.truncf %add3A_596 : vector<128x128xf32> to vector<128x128xbf16>
    %mul3A_598 = arith.mulf %convert_element_type3A_597, %convert_element_type3A_597 : vector<128x128xbf16>
    %dot_general3A_599 = arith.constant dense<0.000000e+00> : vector<128x128xf32>
    %dot_general3A_600 = tpu.matmul %convert_element_type3A_597, %broadcast_in_dim3A_6, %dot_general3A_599 {dimension_numbers = #tpu.dot_dimension_numbers<[1], [0], [0], [1], [0, 0, 1, 1], [], []>, transpose_lhs_hint = false} : vector<128x128xbf16>, vector<128x128xbf16>, vector<128x128xf32> -> vector<128x128xf32>
    %dot_general3A_601 = arith.constant dense<0.000000e+00> : vector<128x128xf32>
    %dot_general3A_602 = tpu.matmul %mul3A_598, %broadcast_in_dim3A_6, %dot_general3A_601 {dimension_numbers = #tpu.dot_dimension_numbers<[1], [0], [0], [1], [0, 0, 1, 1], [], []>, transpose_lhs_hint = false} : vector<128x128xbf16>, vector<128x128xbf16>, vector<128x128xf32> -> vector<128x128xf32>
    %mul3A_603 = arith.mulf %dot_general3A_600, %dot_general3A_600 : vector<128x128xf32>
    %sub3A_604 = arith.subf %dot_general3A_602, %mul3A_603 : vector<128x128xf32>
    %add3A_605 = arith.constant 9.99999974E-6 : f32
    %add3A_606 = vector.broadcast %add3A_605 : f32 to vector<128x128xf32>
    %add3A_607 = arith.addf %sub3A_604, %add3A_606 : vector<128x128xf32>
    %rsqrt3A_608 = math.rsqrt %add3A_607 : vector<128x128xf32>
    %sub3A_609 = arith.subf %add3A_596, %dot_general3A_600 : vector<128x128xf32>
    %mul3A_610 = vector.broadcast %get3A_9 : vector<1x128xf32> to vector<128x128xf32>
    %mul3A_611 = arith.mulf %rsqrt3A_608, %mul3A_610 : vector<128x128xf32>
    %mul3A_612 = arith.mulf %sub3A_609, %mul3A_611 : vector<128x128xf32>
    %add3A_613 = vector.broadcast %get3A_12 : vector<1x128xf32> to vector<128x128xf32>
    %add3A_614 = arith.addf %mul3A_612, %add3A_613 : vector<128x128xf32>
    %swap3A_615 = arith.constant 0 : index
    %swap3A_616 = arith.constant 1536 : index
    %swap3A_617 = arith.constant 0 : index
    %swap3A_618 = vector.load %arg8[%swap3A_615, %swap3A_616, %swap3A_617] : memref<1x2048x128xf32, #tpu.memory_space<vmem>>, vector<1x128x128xf32>
    %swap3A_619 = vector.shape_cast %swap3A_618 : vector<1x128x128xf32> to vector<128x128xf32>
    %swap3A_620 = vector.shape_cast %add3A_614 : vector<128x128xf32> to vector<1x128x128xf32>
    tpu.vector_store %arg8[%swap3A_615, %swap3A_616, %swap3A_617], %swap3A_620 {strides = array<i32>} : memref<1x2048x128xf32, #tpu.memory_space<vmem>>, vector<1x128x128xf32>,
    %get3A_621 = arith.constant 1664 : index
    %get3A_622 = arith.constant 0 : index
    %get3A_623 = vector.load %arg2[%get3A_621, %get3A_622] : memref<2048x32xf32, #tpu.memory_space<vmem>>, vector<128x32xf32>
    %mul3A_624 = vector.broadcast %convert_element_type3A_14 : vector<1x32xf32> to vector<128x32xf32>
    %mul3A_625 = arith.mulf %get3A_623, %mul3A_624 : vector<128x32xf32>
    %reduce_sum3A_626 = arith.constant dense<0.000000e+00> : vector<128xf32>
    %reduce_sum3A_627 = vector.multi_reduction <add>, %mul3A_625, %reduce_sum3A_626 [1] : vector<128x32xf32> to vector<128xf32>
    %broadcast_in_dim3A_628 = vector.shape_cast %reduce_sum3A_627 : vector<128xf32> to vector<128x1xf32>
    %get3A_629 = arith.constant 0 : index
    %get3A_630 = arith.constant 1664 : index
    %get3A_631 = arith.constant 0 : index
    %get3A_632 = vector.load %arg1[%get3A_629, %get3A_630, %get3A_631] : memref<1x2048x128xf32, #tpu.memory_space<vmem>>, vector<1x128x128xf32>
    %get3A_633 = vector.shape_cast %get3A_632 : vector<1x128x128xf32> to vector<128x128xf32>
    %get3A_634 = arith.constant 1664 : index
    %get3A_635 = arith.constant 0 : index
    %get3A_636 = vector.load %arg3[%get3A_634, %get3A_635] : memref<2048x128xf32, #tpu.memory_space<vmem>>, vector<128x128xf32>
    %add3A_637 = arith.addf %get3A_633, %get3A_636 : vector<128x128xf32>
    %mul3A_638 = vector.broadcast %broadcast_in_dim3A_628 : vector<128x1xf32> to vector<128x128xf32>
    %mul3A_639 = vector.broadcast %sub3A : vector<1x128xf32> to vector<128x128xf32>
    %mul3A_640 = arith.mulf %mul3A_638, %mul3A_639 : vector<128x128xf32>
    %add3A_641 = vector.broadcast %get3A_2 : vector<1x128xf32> to vector<128x128xf32>
    %add3A_642 = arith.addf %add3A_641, %mul3A_640 : vector<128x128xf32>
    %add3A_643 = arith.addf %add3A_637, %add3A_642 : vector<128x128xf32>
    %convert_element_type3A_644 = arith.truncf %add3A_643 : vector<128x128xf32> to vector<128x128xbf16>
    %mul3A_645 = arith.mulf %convert_element_type3A_644, %convert_element_type3A_644 : vector<128x128xbf16>
    %dot_general3A_646 = arith.constant dense<0.000000e+00> : vector<128x128xf32>
    %dot_general3A_647 = tpu.matmul %convert_element_type3A_644, %broadcast_in_dim3A_6, %dot_general3A_646 {dimension_numbers = #tpu.dot_dimension_numbers<[1], [0], [0], [1], [0, 0, 1, 1], [], []>, transpose_lhs_hint = false} : vector<128x128xbf16>, vector<128x128xbf16>, vector<128x128xf32> -> vector<128x128xf32>
    %dot_general3A_648 = arith.constant dense<0.000000e+00> : vector<128x128xf32>
    %dot_general3A_649 = tpu.matmul %mul3A_645, %broadcast_in_dim3A_6, %dot_general3A_648 {dimension_numbers = #tpu.dot_dimension_numbers<[1], [0], [0], [1], [0, 0, 1, 1], [], []>, transpose_lhs_hint = false} : vector<128x128xbf16>, vector<128x128xbf16>, vector<128x128xf32> -> vector<128x128xf32>
    %mul3A_650 = arith.mulf %dot_general3A_647, %dot_general3A_647 : vector<128x128xf32>
    %sub3A_651 = arith.subf %dot_general3A_649, %mul3A_650 : vector<128x128xf32>
    %add3A_652 = arith.constant 9.99999974E-6 : f32
    %add3A_653 = vector.broadcast %add3A_652 : f32 to vector<128x128xf32>
    %add3A_654 = arith.addf %sub3A_651, %add3A_653 : vector<128x128xf32>
    %rsqrt3A_655 = math.rsqrt %add3A_654 : vector<128x128xf32>
    %sub3A_656 = arith.subf %add3A_643, %dot_general3A_647 : vector<128x128xf32>
    %mul3A_657 = vector.broadcast %get3A_9 : vector<1x128xf32> to vector<128x128xf32>
    %mul3A_658 = arith.mulf %rsqrt3A_655, %mul3A_657 : vector<128x128xf32>
    %mul3A_659 = arith.mulf %sub3A_656, %mul3A_658 : vector<128x128xf32>
    %add3A_660 = vector.broadcast %get3A_12 : vector<1x128xf32> to vector<128x128xf32>
    %add3A_661 = arith.addf %mul3A_659, %add3A_660 : vector<128x128xf32>
    %swap3A_662 = arith.constant 0 : index
    %swap3A_663 = arith.constant 1664 : index
    %swap3A_664 = arith.constant 0 : index
    %swap3A_665 = vector.load %arg8[%swap3A_662, %swap3A_663, %swap3A_664] : memref<1x2048x128xf32, #tpu.memory_space<vmem>>, vector<1x128x128xf32>
    %swap3A_666 = vector.shape_cast %swap3A_665 : vector<1x128x128xf32> to vector<128x128xf32>
    %swap3A_667 = vector.shape_cast %add3A_661 : vector<128x128xf32> to vector<1x128x128xf32>
    tpu.vector_store %arg8[%swap3A_662, %swap3A_663, %swap3A_664], %swap3A_667 {strides = array<i32>} : memref<1x2048x128xf32, #tpu.memory_space<vmem>>, vector<1x128x128xf32>,
    %get3A_668 = arith.constant 1792 : index
    %get3A_669 = arith.constant 0 : index
    %get3A_670 = vector.load %arg2[%get3A_668, %get3A_669] : memref<2048x32xf32, #tpu.memory_space<vmem>>, vector<128x32xf32>
    %mul3A_671 = vector.broadcast %convert_element_type3A_14 : vector<1x32xf32> to vector<128x32xf32>
    %mul3A_672 = arith.mulf %get3A_670, %mul3A_671 : vector<128x32xf32>
    %reduce_sum3A_673 = arith.constant dense<0.000000e+00> : vector<128xf32>
    %reduce_sum3A_674 = vector.multi_reduction <add>, %mul3A_672, %reduce_sum3A_673 [1] : vector<128x32xf32> to vector<128xf32>
    %broadcast_in_dim3A_675 = vector.shape_cast %reduce_sum3A_674 : vector<128xf32> to vector<128x1xf32>
    %get3A_676 = arith.constant 0 : index
    %get3A_677 = arith.constant 1792 : index
    %get3A_678 = arith.constant 0 : index
    %get3A_679 = vector.load %arg1[%get3A_676, %get3A_677, %get3A_678] : memref<1x2048x128xf32, #tpu.memory_space<vmem>>, vector<1x128x128xf32>
    %get3A_680 = vector.shape_cast %get3A_679 : vector<1x128x128xf32> to vector<128x128xf32>
    %get3A_681 = arith.constant 1792 : index
    %get3A_682 = arith.constant 0 : index
    %get3A_683 = vector.load %arg3[%get3A_681, %get3A_682] : memref<2048x128xf32, #tpu.memory_space<vmem>>, vector<128x128xf32>
    %add3A_684 = arith.addf %get3A_680, %get3A_683 : vector<128x128xf32>
    %mul3A_685 = vector.broadcast %broadcast_in_dim3A_675 : vector<128x1xf32> to vector<128x128xf32>
    %mul3A_686 = vector.broadcast %sub3A : vector<1x128xf32> to vector<128x128xf32>
    %mul3A_687 = arith.mulf %mul3A_685, %mul3A_686 : vector<128x128xf32>
    %add3A_688 = vector.broadcast %get3A_2 : vector<1x128xf32> to vector<128x128xf32>
    %add3A_689 = arith.addf %add3A_688, %mul3A_687 : vector<128x128xf32>
    %add3A_690 = arith.addf %add3A_684, %add3A_689 : vector<128x128xf32>
    %convert_element_type3A_691 = arith.truncf %add3A_690 : vector<128x128xf32> to vector<128x128xbf16>
    %mul3A_692 = arith.mulf %convert_element_type3A_691, %convert_element_type3A_691 : vector<128x128xbf16>
    %dot_general3A_693 = arith.constant dense<0.000000e+00> : vector<128x128xf32>
    %dot_general3A_694 = tpu.matmul %convert_element_type3A_691, %broadcast_in_dim3A_6, %dot_general3A_693 {dimension_numbers = #tpu.dot_dimension_numbers<[1], [0], [0], [1], [0, 0, 1, 1], [], []>, transpose_lhs_hint = false} : vector<128x128xbf16>, vector<128x128xbf16>, vector<128x128xf32> -> vector<128x128xf32>
    %dot_general3A_695 = arith.constant dense<0.000000e+00> : vector<128x128xf32>
    %dot_general3A_696 = tpu.matmul %mul3A_692, %broadcast_in_dim3A_6, %dot_general3A_695 {dimension_numbers = #tpu.dot_dimension_numbers<[1], [0], [0], [1], [0, 0, 1, 1], [], []>, transpose_lhs_hint = false} : vector<128x128xbf16>, vector<128x128xbf16>, vector<128x128xf32> -> vector<128x128xf32>
    %mul3A_697 = arith.mulf %dot_general3A_694, %dot_general3A_694 : vector<128x128xf32>
    %sub3A_698 = arith.subf %dot_general3A_696, %mul3A_697 : vector<128x128xf32>
    %add3A_699 = arith.constant 9.99999974E-6 : f32
    %add3A_700 = vector.broadcast %add3A_699 : f32 to vector<128x128xf32>
    %add3A_701 = arith.addf %sub3A_698, %add3A_700 : vector<128x128xf32>
    %rsqrt3A_702 = math.rsqrt %add3A_701 : vector<128x128xf32>
    %sub3A_703 = arith.subf %add3A_690, %dot_general3A_694 : vector<128x128xf32>
    %mul3A_704 = vector.broadcast %get3A_9 : vector<1x128xf32> to vector<128x128xf32>
    %mul3A_705 = arith.mulf %rsqrt3A_702, %mul3A_704 : vector<128x128xf32>
    %mul3A_706 = arith.mulf %sub3A_703, %mul3A_705 : vector<128x128xf32>
    %add3A_707 = vector.broadcast %get3A_12 : vector<1x128xf32> to vector<128x128xf32>
    %add3A_708 = arith.addf %mul3A_706, %add3A_707 : vector<128x128xf32>
    %swap3A_709 = arith.constant 0 : index
    %swap3A_710 = arith.constant 1792 : index
    %swap3A_711 = arith.constant 0 : index
    %swap3A_712 = vector.load %arg8[%swap3A_709, %swap3A_710, %swap3A_711] : memref<1x2048x128xf32, #tpu.memory_space<vmem>>, vector<1x128x128xf32>
    %swap3A_713 = vector.shape_cast %swap3A_712 : vector<1x128x128xf32> to vector<128x128xf32>
    %swap3A_714 = vector.shape_cast %add3A_708 : vector<128x128xf32> to vector<1x128x128xf32>
    tpu.vector_store %arg8[%swap3A_709, %swap3A_710, %swap3A_711], %swap3A_714 {strides = array<i32>} : memref<1x2048x128xf32, #tpu.memory_space<vmem>>, vector<1x128x128xf32>,
    %get3A_715 = arith.constant 1920 : index
    %get3A_716 = arith.constant 0 : index
    %get3A_717 = vector.load %arg2[%get3A_715, %get3A_716] : memref<2048x32xf32, #tpu.memory_space<vmem>>, vector<128x32xf32>
    %mul3A_718 = vector.broadcast %convert_element_type3A_14 : vector<1x32xf32> to vector<128x32xf32>
    %mul3A_719 = arith.mulf %get3A_717, %mul3A_718 : vector<128x32xf32>
    %reduce_sum3A_720 = arith.constant dense<0.000000e+00> : vector<128xf32>
    %reduce_sum3A_721 = vector.multi_reduction <add>, %mul3A_719, %reduce_sum3A_720 [1] : vector<128x32xf32> to vector<128xf32>
    %broadcast_in_dim3A_722 = vector.shape_cast %reduce_sum3A_721 : vector<128xf32> to vector<128x1xf32>
    %get3A_723 = arith.constant 0 : index
    %get3A_724 = arith.constant 1920 : index
    %get3A_725 = arith.constant 0 : index
    %get3A_726 = vector.load %arg1[%get3A_723, %get3A_724, %get3A_725] : memref<1x2048x128xf32, #tpu.memory_space<vmem>>, vector<1x128x128xf32>
    %get3A_727 = vector.shape_cast %get3A_726 : vector<1x128x128xf32> to vector<128x128xf32>
    %get3A_728 = arith.constant 1920 : index
    %get3A_729 = arith.constant 0 : index
    %get3A_730 = vector.load %arg3[%get3A_728, %get3A_729] : memref<2048x128xf32, #tpu.memory_space<vmem>>, vector<128x128xf32>
    %add3A_731 = arith.addf %get3A_727, %get3A_730 : vector<128x128xf32>
    %mul3A_732 = vector.broadcast %broadcast_in_dim3A_722 : vector<128x1xf32> to vector<128x128xf32>
    %mul3A_733 = vector.broadcast %sub3A : vector<1x128xf32> to vector<128x128xf32>
    %mul3A_734 = arith.mulf %mul3A_732, %mul3A_733 : vector<128x128xf32>
    %add3A_735 = vector.broadcast %get3A_2 : vector<1x128xf32> to vector<128x128xf32>
    %add3A_736 = arith.addf %add3A_735, %mul3A_734 : vector<128x128xf32>
    %add3A_737 = arith.addf %add3A_731, %add3A_736 : vector<128x128xf32>
    %convert_element_type3A_738 = arith.truncf %add3A_737 : vector<128x128xf32> to vector<128x128xbf16>
    %mul3A_739 = arith.mulf %convert_element_type3A_738, %convert_element_type3A_738 : vector<128x128xbf16>
    %dot_general3A_740 = arith.constant dense<0.000000e+00> : vector<128x128xf32>
    %dot_general3A_741 = tpu.matmul %convert_element_type3A_738, %broadcast_in_dim3A_6, %dot_general3A_740 {dimension_numbers = #tpu.dot_dimension_numbers<[1], [0], [0], [1], [0, 0, 1, 1], [], []>, transpose_lhs_hint = false} : vector<128x128xbf16>, vector<128x128xbf16>, vector<128x128xf32> -> vector<128x128xf32>
    %dot_general3A_742 = arith.constant dense<0.000000e+00> : vector<128x128xf32>
    %dot_general3A_743 = tpu.matmul %mul3A_739, %broadcast_in_dim3A_6, %dot_general3A_742 {dimension_numbers = #tpu.dot_dimension_numbers<[1], [0], [0], [1], [0, 0, 1, 1], [], []>, transpose_lhs_hint = false} : vector<128x128xbf16>, vector<128x128xbf16>, vector<128x128xf32> -> vector<128x128xf32>
    %mul3A_744 = arith.mulf %dot_general3A_741, %dot_general3A_741 : vector<128x128xf32>
    %sub3A_745 = arith.subf %dot_general3A_743, %mul3A_744 : vector<128x128xf32>
    %add3A_746 = arith.constant 9.99999974E-6 : f32
    %add3A_747 = vector.broadcast %add3A_746 : f32 to vector<128x128xf32>
    %add3A_748 = arith.addf %sub3A_745, %add3A_747 : vector<128x128xf32>
    %rsqrt3A_749 = math.rsqrt %add3A_748 : vector<128x128xf32>
    %sub3A_750 = arith.subf %add3A_737, %dot_general3A_741 : vector<128x128xf32>
    %mul3A_751 = vector.broadcast %get3A_9 : vector<1x128xf32> to vector<128x128xf32>
    %mul3A_752 = arith.mulf %rsqrt3A_749, %mul3A_751 : vector<128x128xf32>
    %mul3A_753 = arith.mulf %sub3A_750, %mul3A_752 : vector<128x128xf32>
    %add3A_754 = vector.broadcast %get3A_12 : vector<1x128xf32> to vector<128x128xf32>
    %add3A_755 = arith.addf %mul3A_753, %add3A_754 : vector<128x128xf32>
    %swap3A_756 = arith.constant 0 : index
    %swap3A_757 = arith.constant 1920 : index
    %swap3A_758 = arith.constant 0 : index
    %swap3A_759 = vector.load %arg8[%swap3A_756, %swap3A_757, %swap3A_758] : memref<1x2048x128xf32, #tpu.memory_space<vmem>>, vector<1x128x128xf32>
    %swap3A_760 = vector.shape_cast %swap3A_759 : vector<1x128x128xf32> to vector<128x128xf32>
    %swap3A_761 = vector.shape_cast %add3A_755 : vector<128x128xf32> to vector<1x128x128xf32>
    tpu.vector_store %arg8[%swap3A_756, %swap3A_757, %swap3A_758], %swap3A_761 {strides = array<i32>} : memref<1x2048x128xf32, #tpu.memory_space<vmem>>, vector<1x128x128xf32>,
    return
  }
  func.func @transform_0(%arg0: i32) -> (i32, i32, i32) {
    %c0_i32 = arith.constant 0 : i32
    %c0_i32_0 = arith.constant 0 : i32
    %c0_i32_1 = arith.constant 0 : i32
    return %arg0, %c0_i32, %c0_i32_0 : i32, i32, i32
  }
  func.func @transform_1(%arg0: i32) -> (i32, i32) {
    %c0_i32 = arith.constant 0 : i32
    %c0_i32_0 = arith.constant 0 : i32
    %c0_i32_1 = arith.constant 0 : i32
    return %c0_i32, %c0_i32_0 : i32, i32
  }
  func.func @transform_2(%arg0: i32) -> (i32, i32) {
    %c0_i32 = arith.constant 0 : i32
    %c0_i32_0 = arith.constant 0 : i32
    %c0_i32_1 = arith.constant 0 : i32
    return %c0_i32, %c0_i32_0 : i32, i32
  }
  func.func @transform_3(%arg0: i32) -> (i32, i32) {
    %c0_i32 = arith.constant 0 : i32
    %c0_i32_0 = arith.constant 0 : i32
    %c0_i32_1 = arith.constant 0 : i32
    return %c0_i32, %c0_i32_0 : i32, i32
  }
  func.func @transform_4(%arg0: i32) -> (i32, i32) {
    %c0_i32 = arith.constant 0 : i32
    %c0_i32_0 = arith.constant 0 : i32
    %c0_i32_1 = arith.constant 0 : i32
    return %c0_i32, %c0_i32_0 : i32, i32
  }
  func.func @transform_5(%arg0: i32) -> (i32, i32) {
    %c0_i32 = arith.constant 0 : i32
    %c0_i32_0 = arith.constant 0 : i32
    %c0_i32_1 = arith.constant 0 : i32
    return %c0_i32, %c0_i32_0 : i32, i32
  }
  func.func @transform_7(%arg0: i32) -> (i32, i32, i32) {
    %add3A = arith.constant 16 : i32
    %add3A_0 = arith.addi %arg0, %add3A : i32
    %c0_i32 = arith.constant 0 : i32
    %c0_i32_1 = arith.constant 0 : i32
    %c0_i32_2 = arith.constant 0 : i32
    return %add3A_0, %c0_i32, %c0_i32_1 : i32, i32, i32
  }
}

</mosaic_0001>

<sc_bundles>
// kernel: kernel.6.cloned.1.call-start
scs
__scs_entry_jumppad:
0x0: {  	(pc) =	sbr.rel $0x88, $3  }
0x1: {  	(tag) =	ssettag $0x0;
	lr =	simm.s32 $0x1  }
0x2: {  	[smem:$0x3F9A] =	sst lr;
	_ =	strace $0xD0000000  }
0x3: {  	_ = 	snop  }
0x4: {  	_ = 	snop  }
0x5: {  	_ = 	snop  }
0x6: {  	_ = 	snop  }
0x7: {  	_ = 	snop  }
__scs_overlays_trampoline_lowered:
0x8: {  	[smem:$0x3FA9] =	sst s0  }
0x9: {  	[smem:$0x3FAA] =	sst s1  }
0xa: {  	[smem:$0x3FAB] =	sst s2  }
0xb: {  	[smem:$0x3FAC] =	sst s3  }
0xc: {  	[smem:$0x3FAD] =	sst s4  }
0xd: {  	[smem:$0x3FAE] =	sst s5  }
0xe: {  	[smem:$0x3FAF] =	sst s6  }
0xf: {  	[smem:$0x3FB0] =	sst s7  }
0x10: {  	[smem:$0x3FB1] =	sst s8  }
0x11: {  	[smem:$0x3FB2] =	sst s9;
	s0 =	simm.s32 @!p0 $0x0  }
0x12: {  	s1 =	sld [smem:$0x3F98];
	s0 =	simm.s32 @p0 $0x1  }
0x13: {  	[smem:$0x3FB3] =	sst s0;
	s0 =	simm.s32 @!p1 $0x0  }
0x14: {  	s2 =	sld [smem:$0x3F97];
	s0 =	simm.s32 @p1 $0x1  }
0x15: {  	[smem:$0x3FB4] =	sst s0;
	s0 =	simm.s32 @!p2 $0x0  }
0x16: {  	s3 =	sld [smem:$0x3FDB];
	s0 =	simm.s32 @p2 $0x1  }
0x17: {  	s4 =	simm.s32 $0x1BF5;
	[smem:$0x3FB6] =	sst s0  }
0x18: {  	s0 =	sld [smem:$0x3F99];
	_ =	swait.ge [sflag:s4], $0x0  }
0x19: {  	s7 =	sld [smem:$0x3F9A]  }
0x1a: {  	s8 =	sadd.s32 $0xFFFFE003, lr  }
0x1b: {  	s9 =	sadd.s32 $0xFFFFFEF7, lr;
	s5 =	simm.s32 $0xFFFFFFFF;
	p2 =	slt.u32 s8, $0xFFFFF086  }
0x1c: {  	p1 =	slt.u32 s9, $0xF7A;
	s5 =	simm.s32 @!p2 $0x0  }
0x1d: {  	s5 =	simm.s32 @p1 $0x1;
	p0 =	seq.s32 s7, s2  }
0x1e: {  	s7 =	smul.u32 @!p0 $0xF7A, s2;
	p2 =	seq.s32 @!p0 s5, $0x0  }
0x1f: {  	s9 =	smul.u32 $0xF7A, s1;
	s8 =	simm.s32 @!p0 $0x1BF5;
	p2 =	por !p2, p0  }
0x20: {  	[sflag:s8] =	ssyncset.s32 @!p0 $0xFFFFF086;
	s6 =	sadd.s32 @!p0 s3, s7;
	s7 =	simm.s32 @!p0 $0x108  }
0x21: {  	s3 =	sadd.s32 s3, s9;
	s6 =	sadd.s32 @!p0 $0x88, s6;
	s7 =	simm.s32 @p2 $0x1082  }
0x22: {  	[simem:s7], [sflag:s8] =	dma.local @!p0 [hbm:s6], $0xF7A  }
0x23: {  	s9 =	sor.u32 $0xD0000000, s2;
	s6 =	simm.s32 $0x108;
	_ =	swait.ge @!p0 [sflag:s8], $0x0  }
0x24: {  	s3 =	sadd.s32 $0x88, s3;
	s6 =	simm.s32 @!p1 $0x1082;
	[sflag:s4] =	ssyncset.s32 $0xFFFFF086  }
0x25: {  	[simem:s6], [sflag:s4] =	dma.local [hbm:s3], $0xF7A  }
0x26: {  	[smem:$0x3F9A] =	sst s1;
	(tag) =	ssettag s2;
	_ =	strace s9  }
0x27: {  	s1 =	sld [smem:$0x3FAA]  }
0x28: {  	s2 =	sld [smem:$0x3FAB]  }
0x29: {  	s4 =	sld [smem:$0x3FAD]  }
0x2a: {  	p0 =	seq.s32 s5, $0x0;
	s5 =	sld [smem:$0x3FAE]  }
0x2b: {  	s6 =	sld [smem:$0x3FAF]  }
0x2c: {  	s7 =	sld [smem:$0x3FB0]  }
0x2d: {  	s3 =	simm.s32 $0x108;
	s8 =	sld [smem:$0x3FB1]  }
0x2e: {  	s3 =	simm.s32 @!p0 $0x1082;
	s9 =	sld [smem:$0x3FB2]  }
0x2f: {  	lr =	sadd.s32 s0, s3;
	s0 =	sld [smem:$0x3FA9]  }
0x30: {  	s3 =	sld [smem:$0x3FAC]  }
0x31: {  	[smem:$0x3FB5] =	sst s10  }
0x32: {  	s10 =	sld [smem:$0x3FB3];
	_ =	sdelay $0x3  }
0x33: {  	p0 =	seq.s32 s10, $0x1;
	s10 =	sld [smem:$0x3FB5];
	_ =	sdelay $0x3  }
0x34: {  	[smem:$0x3FB5] =	sst s10  }
0x35: {  	s10 =	sld [smem:$0x3FB4];
	_ =	sdelay $0x3  }
0x36: {  	p1 =	seq.s32 s10, $0x1;
	s10 =	sld [smem:$0x3FB5];
	_ =	sdelay $0x3  }
0x37: {  	[smem:$0x3FB5] =	sst s10  }
0x38: {  	s10 =	sld [smem:$0x3FB6]  }
0x39: {  	_ = 	snop;
	(pc) =	sbr.ind lr, $3  }
0x3a: {  	_ = 	snop  }
0x3b: {  	_ = 	snop  }
0x3c: {  	p2 =	seq.s32 s10, $0x1;
	s10 =	sld [smem:$0x3FB5]  }
0x3d: {  	_ =	shalt  }
0x3e: {  	_ =	shalt  }
0x3f: {  	_ =	shalt  }
0x40: {  	_ =	shalt  }
0x41: {  	_ =	shalt  }
0x42: {  	_ =	shalt  }
0x43: {  	_ =	shalt  }
0x44: {  	_ =	shalt  }
0x45: {  	_ =	shalt  }
0x46: {  	_ =	shalt  }
0x47: {  	_ =	shalt  }
0x48: {  	_ =	shalt  }
0x49: {  	_ =	shalt  }
0x4a: {  	_ =	shalt  }
0x4b: {  	_ =	shalt  }
0x4c: {  	_ =	shalt  }
0x4d: {  	_ =	shalt  }
0x4e: {  	_ =	shalt  }
0x4f: {  	_ =	shalt  }
0x50: {  	_ =	shalt  }
0x51: {  	_ =	shalt  }
0x52: {  	_ =	shalt  }
0x53: {  	_ =	shalt  }
0x54: {  	_ =	shalt  }
0x55: {  	_ =	shalt  }
0x56: {  	_ =	shalt  }
0x57: {  	_ =	shalt  }
0x58: {  	_ =	shalt  }
0x59: {  	_ =	shalt  }
0x5a: {  	_ =	shalt  }
0x5b: {  	_ =	shalt  }
0x5c: {  	_ =	shalt  }
0x5d: {  	_ =	shalt  }
0x5e: {  	_ =	shalt  }
0x5f: {  	_ =	shalt  }
0x60: {  	_ =	shalt  }
0x61: {  	_ =	shalt  }
0x62: {  	_ =	shalt  }
0x63: {  	_ =	shalt  }
0x64: {  	_ =	shalt  }
0x65: {  	_ =	shalt  }
0x66: {  	_ =	shalt  }
0x67: {  	_ =	shalt  }
0x68: {  	_ =	shalt  }
0x69: {  	_ =	shalt  }
0x6a: {  	_ =	shalt  }
0x6b: {  	_ =	shalt  }
0x6c: {  	_ =	shalt  }
0x6d: {  	_ =	shalt  }
0x6e: {  	_ =	shalt  }
0x6f: {  	_ =	shalt  }
0x70: {  	_ =	shalt  }
0x71: {  	_ =	shalt  }
0x72: {  	_ =	shalt  }
0x73: {  	_ =	shalt  }
0x74: {  	_ =	shalt  }
0x75: {  	_ =	shalt  }
0x76: {  	_ =	shalt  }
0x77: {  	_ =	shalt  }
0x78: {  	_ =	shalt  }
0x79: {  	_ =	shalt  }
0x7a: {  	_ =	shalt  }
0x7b: {  	_ =	shalt  }
0x7c: {  	_ =	shalt  }
0x7d: {  	_ =	shalt  }
0x7e: {  	_ =	shalt  }
0x7f: {  	_ =	shalt  }
0x80: {  	_ =	shalt  }
0x81: {  	_ =	shalt  }
0x82: {  	_ =	shalt  }
0x83: {  	_ =	shalt  }
0x84: {  	_ =	shalt  }
0x85: {  	_ =	shalt  }
0x86: {  	_ =	shalt  }
0x87: {  	_ =	shalt  }
.Lfunc_end0:
.L_simem_size_0:
called_computation_lowered:
.L_overlay_start_0:
0x88: {  	s2 =	sld [smem:$0x3FD9]  }
0x89: {  	s3 =	sld [smem:$0x3FFE];
	_ =	sdelay $0x1  }
0x8a: {  	s1 =	srdreg.scid  }
0x8b: {  	s0 =	sand.u32 $0x1, s1  }
0x8c: {  	s17 =	sshll.u32 s0, $0xA;
	s2 =	sadd.s32 s3, s2  }
0x8d: {  	s2 =	sadd.s32 s2, s17  }
0x8e: {  	[smem:$0x3FC1] =	sst s2  }
0x8f: {  	_ = 	snop  }
0x90: {  	s2 =	sld [smem:$0x3FC7]  }
0x91: {  	s18 =	sld [smem:$0x3FD0];
	(tm) =	ssettm $0x1  }
0x92: {  	s4 =	sld [smem:$0x3FFB];
	_ =	sdelay $0x3  }
0x93: {  	_ =	strace s4  }
0x94: {  	s4 =	sld [smem:$0x3FFC];
	_ =	sdelay $0x3  }
0x95: {  	_ =	strace s4  }
0x96: {  	s4 =	sld [smem:$0x3FFD];
	_ =	sdelay $0x3  }
0x97: {  	_ =	strace s4  }
0x98: {  	_ =	strace $0x8FFFFFFF  }
0x99: {  	s19 =	sld [smem:$0x3FDB];
	_ =	sdelay $0x1  }
0x9a: {  	s5 =	simm.s32 $_scs_section_size  }
0x9b: {  	s6 =	simm.s32 $_size__tile_overlayer_lowered;
	s7 =	simm.s32 $_tile_overlayer_lowered  }
0x9c: {  	s22 =	simm.s32 $0x1BFF;
	s21 =	sshll.u32 s7, $0x1;
	s4 =	sadd.s32 s5, s19  }
0x9d: {  	s8 =	simm.s32 $0x0;
	s20 =	sshll.u32 s6, $0x1;
	s6 =	sadd.s32 s21, s4  }
0x9e: {  	[timem:s8], [sflag:s22] =	dma.local [hbm:s6], s20  }
0x9f: {  	_ =	swait.ge [sflag:s22], s20  }
0xa0: {  	s5 =	ssub.s32 $0x0, s20;
	[sflag:s22] =	ssyncset.done $0x0  }
0xa1: {  	[sflag:s22] =	ssyncadd.s32 s5;
	_ =	sdelay $0x1  }
0xa2: {  	s23 =	simm.s32 $0x1B8B  }
0xa3: {  	_ =	swait.ge [sflag:s23], $0x1  }
0xa4: {  	[sflag:s23] =	ssyncset.done $0x0  }
0xa5: {  	s25 =	simm.s32 $0x1B8E;
	s24 =	sld [smem:$0x3FFE];
	[sflag:s23] =	ssyncadd.s32 $0xFFFFFFFF  }
0xa6: {  	s26 =	simm.s32 $execute0_lowered;
	[smem:$0x3FD2] =	sst s25  }
0xa7: {  	s6 =	sshll.u32 s26, $0x1;
	_ =	strace $0x80000046;
	[dreg:$0x1] =	wrdreg $0xFFFFFFFF  }
0xa8: {  	s28 =	simm.s32 $_size_execute0_lowered;
	s4 =	sadd.s32 s4, s6;
	[dreg:$0x0] =	wrdreg $0x0  }
0xa9: {  	s6 =	sshll.u32 s28, $0x1;
	[dreg:$0x2] =	wrdreg s4  }
0xaa: {  	[dreg:$0x3] =	wrdreg s6  }
0xab: {  	[dreg:$0x4] =	wrdreg $0xC0  }
0xac: {  	_ =	task [dreg:s8], $0x5FFFF  }
0xad: {  	[dreg:$0x1] =	wrdreg $0xFFFFFFFF  }
0xae: {  	[dreg:$0x0] =	wrdreg $0x60  }
0xaf: {  	[dreg:$0x2] =	wrdreg s24  }
0xb0: {  	[dreg:$0x3] =	wrdreg s2  }
0xb1: {  	[dreg:$0x4] =	wrdreg s18  }
0xb2: {  	[dreg:$0x5] =	wrdreg $0x9  }
0xb3: {  	_ =	task.clear_ibuf [dreg:s8], $0x6FFFF;
	_ =	strace $0x90000046  }
0xb4: {  	s29 =	simm.s32 $0x9;
	_ =	strace $0x80000048  }
0xb5: {  	_ =	swait.ge [sflag:s29], $0x1  }
0xb6: {  	[sflag:s29] =	ssyncadd.s32 $0xFFFFFFFF  }
0xb7: {  	_ =	strace $0x90000048  }
0xb8: {  	_ =	sfence  }
0xb9: {  	s30 =	sld [smem:$0x0];
	_ =	sdelay $0x2  }
0xba: {  	s31 =	sshll.u32 s1, $0xD;
	s1 =	sshrl.u32 s1, $0x2  }
0xbb: {  	s3 =	sand.u32 $0x4000, s31;
	s1 =	sadd.s32 s1, s30  }
0xbc: {  	s0 =	sor.u32 s3, s0;
	s1 =	sshll.u32 s1, $0x11  }
0xbd: {  	s0 =	sor.u32 s1, s0  }
0xbe: {  	s0 =	sadd.s32 $0x8F2B, s0  }
0xbf: {  	[sflag:s0] =	ssyncadd.remote.s32 $0x1  }
0xc0: {  	_ =	sfence.sel $0xFFFF  }
0xc1: {  	[dreg:$0x0] =	wrdreg $0xFFFFFFFF;
	(pc) =	sbr.abs _section_cstart, $3  }
0xc2: {  	[dreg:$0x1] =	wrdreg $0xFFFFFFFF  }
0xc3: {  	_ =	task.clear_ibuf [dreg:s8], $0x2FFFF;
	_ =	strace $0x9FFFFFFF  }
0xc4: {  	(tm) =	ssettm $0x7FFFFFFF  }
0xc5: {  	_ =	shalt  }
tec
execute0_lowered:
.L_overlay_start_1:
0x0: {  	(tag) =	ssettag $0x1  }
0x1: {  	s1 =	srdreg.scid  }
0x2: {  	s0 =	stileid.u32;
	s22 =	sand.u32 $0x1, s1  }
0x3: {  	s1 =	sor.u32 s22, s0  }
0x4: {  	p1 =	seq.s32 s22, $0x1;
	p0 =	seq.s32 s1, $0x0  }
0x5: {  	p0 =	por !p0, !p1  }
0x6: {  	s1 =	simm.s32 $0x1;
	p0 =	por !p0, !p0  }
0x7: {  	s1 =	simm.s32 @!p0 $0x0  }
0x8: {  	s10 =	ssub.s32 s0, s1  }
0x9: {  	s4 =	rddreg [dreg:$0x0];
	s1 =	sshll.u32 s10, $0xB  }
0xa: {  	s3 =	sshll.u32 s22, $0xD;
	s5 =	sshll.u32 s10, $0x7;
	s1 =	sand.u32 $0xFFFFC000, s1  }
0xb: {  	s2 =	rddreg [dreg:$0x1];
	s31 =	sand.u32 $0x380, s5;
	s1 =	sor.u32 s3, s1  }
0xc: {  	s13 =	rddreg [dreg:$0x2];
	s6 =	simm.s32 $0x400;
	s5 =	sor.u32 s31, s1  }
0xd: {  	s3 =	simm.s32 $0x0;
	s1 =	rddreg [dreg:$0x3];
	s5 =	sshrl.u32 s5, $0x3  }
0xe: {  	s7 =	simm.s32 $0x7;
	[smem:$0x7FF] =	sst s3;
	s4 =	sadd.s32 s5, s4  }
0xf: {  	_ =	strace $0x80000047;
	s5 =	simm.s32 $0x80;
	s4 =	sadd.s32 $0x1800, s4  }
0x10: {  	[tilespmem:s3], [sflag:$0x7] =	stream.strided.gather [hbm4b:s4+s5], $0x400, s6, s5, $0x38;
	[tilespmem:$0x18400] =	vst v63  }
0x11: {  	_ =	swait.ge [sflag:s7], $0x400  }
0x12: {  	[sflag:s7] =	ssyncset.done $0x0  }
0x13: {  	s9 =	simm.s32 $0x100;
	[sflag:s7] =	ssyncadd.s32 $0xFFFFFC00  }
0x14: {  	[tilespmem:s6], [sflag:$0x1] =	stream.indirect.gather [hbm4b:s2+s9], $0x80, s3, s9, $0xb8;
	[tilespmem:$0x18400] =	vst v63  }
0x15: {  	s8 =	simm.s32 $0x1;
	s11 =	sshll.u32 s10, $0x12;
	s10 =	simm.s32 $0x8400  }
0x16: {  	[tilespmem:s10], [sflag:$0x2] =	stream.indirect.gather [hbm4b:s2+s9], $0x80, s9, s9, $0xb8;
	[tilespmem:$0x18400] =	vst v63  }
0x17: {  	s12 =	sshll.u32 s22, $0x11;
	_ =	swait.ge [sflag:s8], $0x8000  }
0x18: {  	s11 =	sor.u32 s12, s11;
	s12 =	simm.s32 $0x10400;
	[sflag:s8] =	ssyncset.done $0x0  }
0x19: {  	s14 =	sshrl.u32 s11, $0x3;
	s11 =	simm.s32 $0x200;
	[sflag:s8] =	ssyncadd.s32 $0xFFFF8000  }
0x1a: {  	[tilespmem:s12], [sflag:$0x3] =	stream.indirect.gather [hbm4b:s2+s9], $0x80, s11, s9, $0xb8;
	[tilespmem:$0x18400] =	vst v63  }
0x1b: {  	s13 =	sadd.s32 s13, s14;
	s14 =	simm.s32 $0x2  }
0x1c: {  	[hbm4b:s13+s3] =	stream.linear.scatter [tilespmem:s6], [sflag:$0x4], $0x8000, $0x38;
	[tilespmem:$0x18400] =	vst v63  }
0x1d: {  	_ =	swait.ge [sflag:s14], $0x8000  }
0x1e: {  	[sflag:s14] =	ssyncset.done $0x0  }
0x1f: {  	s15 =	simm.s32 $0x4;
	[sflag:s14] =	ssyncadd.s32 $0xFFFF8000  }
0x20: {  	_ =	swait.ge [sflag:s15], $0x8000  }
0x21: {  	[sflag:s15] =	ssyncset.done $0x0  }
0x22: {  	s16 =	simm.s32 $0x300;
	[sflag:s15] =	ssyncadd.s32 $0xFFFF8000  }
0x23: {  	[tilespmem:s6], [sflag:$0x1] =	stream.indirect.gather [hbm4b:s2+s9], $0x80, s16, s9, $0xb8;
	[tilespmem:$0x18400] =	vst v63  }
0x24: {  	s18 =	simm.s32 $0x3;
	s17 =	sadd.s32 $0x1000, s13  }
0x25: {  	[hbm4b:s17+s3] =	stream.linear.scatter [tilespmem:s10], [sflag:$0x5], $0x8000, $0x38;
	[tilespmem:$0x18400] =	vst v63  }
0x26: {  	_ =	swait.ge [sflag:s18], $0x8000  }
0x27: {  	[sflag:s18] =	ssyncset.done $0x0  }
0x28: {  	s19 =	sadd.s32 $0x2000, s13;
	[sflag:s18] =	ssyncadd.s32 $0xFFFF8000  }
0x29: {  	[hbm4b:s19+s3] =	stream.linear.scatter [tilespmem:s12], [sflag:$0x6], $0x8000, $0x38;
	[tilespmem:$0x18400] =	vst v63  }
0x2a: {  	_ =	swait.ge [sflag:s8], $0x8000  }
0x2b: {  	s21 =	simm.s32 $0x5;
	s23 =	ssub.s32 $0x2, s22;
	[sflag:s8] =	ssyncset.done $0x0  }
0x2c: {  	s24 =	sshrl.u32 s23, $0x1;
	s20 =	sadd.s32 $0x3000, s13;
	[sflag:s8] =	ssyncadd.s32 $0xFFFF8000  }
0x2d: {  	[hbm4b:s20+s3] =	stream.linear.scatter [tilespmem:s6], [sflag:$0x4], $0x8000, $0x38;
	[tilespmem:$0x18400] =	vst v63  }
0x2e: {  	s23 =	ssub.s32 s23, s24;
	_ =	swait.ge [sflag:s21], $0x8000  }
0x2f: {  	s23 =	smax.u32 s23, $0x1;
	[sflag:s21] =	ssyncset.done $0x0  }
0x30: {  	s22 =	simm.s32 $0x6;
	p0 =	sne.s32 s23, $0x1;
	[sflag:s21] =	ssyncadd.s32 $0xFFFF8000  }
.Ltmp0:
0x31: {  	_ =	swait.ge [sflag:s22], $0x8000;
	(pc) =	sbr.rel @!p0 .LBB2_2-.Ltmp0, $4  }
0x32: {  	[sflag:s22] =	ssyncset.done $0x0  }
0x33: {  	[sflag:s22] =	ssyncadd.s32 $0xFFFF8000  }
0x34: {  	_ =	swait.ge [sflag:s15], $0x8000  }
0x35: {  	s23 =	sadd.s32 $0xFFFFFFFF, s23;
	[sflag:s15] =	ssyncset.done $0x0  }
.LBB2_1:
0x36: {  	p0 =	sne.s32 s23, $0x1;
	s23 =	sadd.s32 $0xFFFFFFFF, s23;
	[sflag:s15] =	ssyncadd.s32 $0xFFFF8000  }
0x37: {  	[tilespmem:s3], [sflag:$0x7] =	stream.strided.gather [hbm4b:s4+s5], $0x400, s6, s5, $0x38;
	[tilespmem:$0x18400] =	vst v63  }
0x38: {  	_ =	swait.ge [sflag:s7], $0x400  }
0x39: {  	[sflag:s7] =	ssyncset.done $0x0  }
0x3a: {  	[sflag:s7] =	ssyncadd.s32 $0xFFFFFC00  }
0x3b: {  	[tilespmem:s6], [sflag:$0x1] =	stream.indirect.gather [hbm4b:s2+s9], $0x80, s3, s9, $0xb8;
	[tilespmem:$0x18400] =	vst v63  }
0x3c: {  	_ = 	snop  }
0x3d: {  	[tilespmem:s10], [sflag:$0x2] =	stream.indirect.gather [hbm4b:s2+s9], $0x80, s9, s9, $0xb8;
	[tilespmem:$0x18400] =	vst v63  }
0x3e: {  	_ =	swait.ge [sflag:s8], $0x8000  }
0x3f: {  	[sflag:s8] =	ssyncset.done $0x0  }
0x40: {  	[sflag:s8] =	ssyncadd.s32 $0xFFFF8000  }
0x41: {  	[tilespmem:s12], [sflag:$0x3] =	stream.indirect.gather [hbm4b:s2+s9], $0x80, s11, s9, $0xb8;
	[tilespmem:$0x18400] =	vst v63  }
0x42: {  	_ = 	snop  }
0x43: {  	[hbm4b:s13+s3] =	stream.linear.scatter [tilespmem:s6], [sflag:$0x4], $0x8000, $0x38;
	[tilespmem:$0x18400] =	vst v63  }
0x44: {  	_ =	swait.ge [sflag:s14], $0x8000  }
0x45: {  	[sflag:s14] =	ssyncset.done $0x0  }
0x46: {  	[sflag:s14] =	ssyncadd.s32 $0xFFFF8000  }
0x47: {  	_ =	swait.ge [sflag:s15], $0x8000  }
0x48: {  	[sflag:s15] =	ssyncset.done $0x0  }
0x49: {  	[sflag:s15] =	ssyncadd.s32 $0xFFFF8000  }
0x4a: {  	[tilespmem:s6], [sflag:$0x1] =	stream.indirect.gather [hbm4b:s2+s9], $0x80, s16, s9, $0xb8;
	[tilespmem:$0x18400] =	vst v63  }
0x4b: {  	_ = 	snop  }
0x4c: {  	[hbm4b:s17+s3] =	stream.linear.scatter [tilespmem:s10], [sflag:$0x5], $0x8000, $0x38;
	[tilespmem:$0x18400] =	vst v63  }
0x4d: {  	_ =	swait.ge [sflag:s18], $0x8000  }
0x4e: {  	[sflag:s18] =	ssyncset.done $0x0  }
0x4f: {  	[sflag:s18] =	ssyncadd.s32 $0xFFFF8000  }
0x50: {  	[hbm4b:s19+s3] =	stream.linear.scatter [tilespmem:s12], [sflag:$0x6], $0x8000, $0x38;
	[tilespmem:$0x18400] =	vst v63  }
0x51: {  	_ =	swait.ge [sflag:s8], $0x8000  }
0x52: {  	[sflag:s8] =	ssyncset.done $0x0  }
0x53: {  	[sflag:s8] =	ssyncadd.s32 $0xFFFF8000  }
0x54: {  	[hbm4b:s20+s3] =	stream.linear.scatter [tilespmem:s6], [sflag:$0x4], $0x8000, $0x38;
	[tilespmem:$0x18400] =	vst v63  }
0x55: {  	_ =	swait.ge [sflag:s21], $0x8000  }
0x56: {  	[sflag:s21] =	ssyncset.done $0x0  }
0x57: {  	[sflag:s21] =	ssyncadd.s32 $0xFFFF8000  }
.Ltmp1:
0x58: {  	_ =	swait.ge [sflag:s22], $0x8000;
	(pc) =	sbr.rel @p0 .LBB2_1-.Ltmp1, $4  }
0x59: {  	[sflag:s22] =	ssyncset.done $0x0  }
0x5a: {  	[sflag:s22] =	ssyncadd.s32 $0xFFFF8000  }
0x5b: {  	_ =	swait.ge [sflag:s15], $0x8000  }
0x5c: {  	[sflag:s15] =	ssyncset.done $0x0  }
.LBB2_2:
0x5d: {  	[sflag:s15] =	ssyncadd.s32 $0xFFFF8000  }
0x5e: {  	_ =	sfence.sel $0x180000  }
0x5f: {  	[bflag:$0x0] =	sbarrier.arrive $0xFFFF  }
0x60: {  	p0 =	sne.s32 s0, $0x0;
	_ =	strace $0x90000047  }
0x61: {  	s0 =	sadd.s32 @!p0 $0x100000, s1;
	[bflag:$0x2] =	sbarrier.arrive $0xFFFF  }
0x62: {  	[sflag:s0] =	ssyncadd.tile.s32 @!p0 $0x1;
	_ =	shalt  }
.Lfunc_end2:
_tile_overlayer_lowered:
.L_overlay_start_2:
0x63: {  	(tag) =	ssettag $0x2  }
0x64: {  	s0 =	rddreg [dreg:$0x0];
	s2 =	stileid.u32  }
0x65: {  	s1 =	rddreg [dreg:$0x1];
	p0 =	sne.s32 s2, $0x0  }
0x66: {  	s3 =	rddreg [dreg:$0x2];
	[bflag:$0x3] =	sbarrier.arrive $0xFFFF;
	s2 =	simm.s32 @!p0 $0x1C07  }
0x67: {  	[timem:s3], [sflag:s2] =	dma.local @!p0 [hbm:s0], s1  }
0x68: {  	s0 =	simm.s32 @!p0 $0x7  }
0x69: {  	_ =	swait.ge @!p0 [sflag:s0], s1  }
0x6a: {  	s1 =	ssub.s32 @!p0 $0x0, s1;
	[sflag:s0] =	ssyncset.done @!p0 $0x0  }
0x6b: {  	[sflag:s0] =	ssyncadd.s32 @!p0 s1  }
0x6c: {  	[bflag:$0x3] =	sbarrier.arrive $0xFFFF  }
0x6d: {  	_ =	shalt  }

// kernel: kernel.9.cloned.1.call-start
scs
__scs_entry_jumppad:
0x0: {  	(pc) =	sbr.rel $0x88, $3  }
0x1: {  	(tag) =	ssettag $0x0;
	lr =	simm.s32 $0x1  }
0x2: {  	[smem:$0x3F9A] =	sst lr;
	_ =	strace $0xD0000000  }
0x3: {  	_ = 	snop  }
0x4: {  	_ = 	snop  }
0x5: {  	_ = 	snop  }
0x6: {  	_ = 	snop  }
0x7: {  	_ = 	snop  }
__scs_overlays_trampoline_lowered:
0x8: {  	[smem:$0x3FA9] =	sst s0  }
0x9: {  	[smem:$0x3FAA] =	sst s1  }
0xa: {  	[smem:$0x3FAB] =	sst s2  }
0xb: {  	[smem:$0x3FAC] =	sst s3  }
0xc: {  	[smem:$0x3FAD] =	sst s4  }
0xd: {  	[smem:$0x3FAE] =	sst s5  }
0xe: {  	[smem:$0x3FAF] =	sst s6  }
0xf: {  	[smem:$0x3FB0] =	sst s7  }
0x10: {  	[smem:$0x3FB1] =	sst s8  }
0x11: {  	[smem:$0x3FB2] =	sst s9;
	s0 =	simm.s32 @!p0 $0x0  }
0x12: {  	s1 =	sld [smem:$0x3F98];
	s0 =	simm.s32 @p0 $0x1  }
0x13: {  	[smem:$0x3FB3] =	sst s0;
	s0 =	simm.s32 @!p1 $0x0  }
0x14: {  	s2 =	sld [smem:$0x3F97];
	s0 =	simm.s32 @p1 $0x1  }
0x15: {  	[smem:$0x3FB4] =	sst s0;
	s0 =	simm.s32 @!p2 $0x0  }
0x16: {  	s3 =	sld [smem:$0x3FDB];
	s0 =	simm.s32 @p2 $0x1  }
0x17: {  	s4 =	simm.s32 $0x1BF5;
	[smem:$0x3FB6] =	sst s0  }
0x18: {  	s0 =	sld [smem:$0x3F99];
	_ =	swait.ge [sflag:s4], $0x0  }
0x19: {  	s7 =	sld [smem:$0x3F9A]  }
0x1a: {  	s8 =	sadd.s32 $0xFFFFE003, lr  }
0x1b: {  	s9 =	sadd.s32 $0xFFFFFEF7, lr;
	s5 =	simm.s32 $0xFFFFFFFF;
	p2 =	slt.u32 s8, $0xFFFFF086  }
0x1c: {  	p1 =	slt.u32 s9, $0xF7A;
	s5 =	simm.s32 @!p2 $0x0  }
0x1d: {  	s5 =	simm.s32 @p1 $0x1;
	p0 =	seq.s32 s7, s2  }
0x1e: {  	s7 =	smul.u32 @!p0 $0xF7A, s2;
	p2 =	seq.s32 @!p0 s5, $0x0  }
0x1f: {  	s9 =	smul.u32 $0xF7A, s1;
	s8 =	simm.s32 @!p0 $0x1BF5;
	p2 =	por !p2, p0  }
0x20: {  	[sflag:s8] =	ssyncset.s32 @!p0 $0xFFFFF086;
	s6 =	sadd.s32 @!p0 s3, s7;
	s7 =	simm.s32 @!p0 $0x108  }
0x21: {  	s3 =	sadd.s32 s3, s9;
	s6 =	sadd.s32 @!p0 $0x88, s6;
	s7 =	simm.s32 @p2 $0x1082  }
0x22: {  	[simem:s7], [sflag:s8] =	dma.local @!p0 [hbm:s6], $0xF7A  }
0x23: {  	s9 =	sor.u32 $0xD0000000, s2;
	s6 =	simm.s32 $0x108;
	_ =	swait.ge @!p0 [sflag:s8], $0x0  }
0x24: {  	s3 =	sadd.s32 $0x88, s3;
	s6 =	simm.s32 @!p1 $0x1082;
	[sflag:s4] =	ssyncset.s32 $0xFFFFF086  }
0x25: {  	[simem:s6], [sflag:s4] =	dma.local [hbm:s3], $0xF7A  }
0x26: {  	[smem:$0x3F9A] =	sst s1;
	(tag) =	ssettag s2;
	_ =	strace s9  }
0x27: {  	s1 =	sld [smem:$0x3FAA]  }
0x28: {  	s2 =	sld [smem:$0x3FAB]  }
0x29: {  	s4 =	sld [smem:$0x3FAD]  }
0x2a: {  	p0 =	seq.s32 s5, $0x0;
	s5 =	sld [smem:$0x3FAE]  }
0x2b: {  	s6 =	sld [smem:$0x3FAF]  }
0x2c: {  	s7 =	sld [smem:$0x3FB0]  }
0x2d: {  	s3 =	simm.s32 $0x108;
	s8 =	sld [smem:$0x3FB1]  }
0x2e: {  	s3 =	simm.s32 @!p0 $0x1082;
	s9 =	sld [smem:$0x3FB2]  }
0x2f: {  	lr =	sadd.s32 s0, s3;
	s0 =	sld [smem:$0x3FA9]  }
0x30: {  	s3 =	sld [smem:$0x3FAC]  }
0x31: {  	[smem:$0x3FB5] =	sst s10  }
0x32: {  	s10 =	sld [smem:$0x3FB3];
	_ =	sdelay $0x3  }
0x33: {  	p0 =	seq.s32 s10, $0x1;
	s10 =	sld [smem:$0x3FB5];
	_ =	sdelay $0x3  }
0x34: {  	[smem:$0x3FB5] =	sst s10  }
0x35: {  	s10 =	sld [smem:$0x3FB4];
	_ =	sdelay $0x3  }
0x36: {  	p1 =	seq.s32 s10, $0x1;
	s10 =	sld [smem:$0x3FB5];
	_ =	sdelay $0x3  }
0x37: {  	[smem:$0x3FB5] =	sst s10  }
0x38: {  	s10 =	sld [smem:$0x3FB6]  }
0x39: {  	_ = 	snop;
	(pc) =	sbr.ind lr, $3  }
0x3a: {  	_ = 	snop  }
0x3b: {  	_ = 	snop  }
0x3c: {  	p2 =	seq.s32 s10, $0x1;
	s10 =	sld [smem:$0x3FB5]  }
0x3d: {  	_ =	shalt  }
0x3e: {  	_ =	shalt  }
0x3f: {  	_ =	shalt  }
0x40: {  	_ =	shalt  }
0x41: {  	_ =	shalt  }
0x42: {  	_ =	shalt  }
0x43: {  	_ =	shalt  }
0x44: {  	_ =	shalt  }
0x45: {  	_ =	shalt  }
0x46: {  	_ =	shalt  }
0x47: {  	_ =	shalt  }
0x48: {  	_ =	shalt  }
0x49: {  	_ =	shalt  }
0x4a: {  	_ =	shalt  }
0x4b: {  	_ =	shalt  }
0x4c: {  	_ =	shalt  }
0x4d: {  	_ =	shalt  }
0x4e: {  	_ =	shalt  }
0x4f: {  	_ =	shalt  }
0x50: {  	_ =	shalt  }
0x51: {  	_ =	shalt  }
0x52: {  	_ =	shalt  }
0x53: {  	_ =	shalt  }
0x54: {  	_ =	shalt  }
0x55: {  	_ =	shalt  }
0x56: {  	_ =	shalt  }
0x57: {  	_ =	shalt  }
0x58: {  	_ =	shalt  }
0x59: {  	_ =	shalt  }
0x5a: {  	_ =	shalt  }
0x5b: {  	_ =	shalt  }
0x5c: {  	_ =	shalt  }
0x5d: {  	_ =	shalt  }
0x5e: {  	_ =	shalt  }
0x5f: {  	_ =	shalt  }
0x60: {  	_ =	shalt  }
0x61: {  	_ =	shalt  }
0x62: {  	_ =	shalt  }
0x63: {  	_ =	shalt  }
0x64: {  	_ =	shalt  }
0x65: {  	_ =	shalt  }
0x66: {  	_ =	shalt  }
0x67: {  	_ =	shalt  }
0x68: {  	_ =	shalt  }
0x69: {  	_ =	shalt  }
0x6a: {  	_ =	shalt  }
0x6b: {  	_ =	shalt  }
0x6c: {  	_ =	shalt  }
0x6d: {  	_ =	shalt  }
0x6e: {  	_ =	shalt  }
0x6f: {  	_ =	shalt  }
0x70: {  	_ =	shalt  }
0x71: {  	_ =	shalt  }
0x72: {  	_ =	shalt  }
0x73: {  	_ =	shalt  }
0x74: {  	_ =	shalt  }
0x75: {  	_ =	shalt  }
0x76: {  	_ =	shalt  }
0x77: {  	_ =	shalt  }
0x78: {  	_ =	shalt  }
0x79: {  	_ =	shalt  }
0x7a: {  	_ =	shalt  }
0x7b: {  	_ =	shalt  }
0x7c: {  	_ =	shalt  }
0x7d: {  	_ =	shalt  }
0x7e: {  	_ =	shalt  }
0x7f: {  	_ =	shalt  }
0x80: {  	_ =	shalt  }
0x81: {  	_ =	shalt  }
0x82: {  	_ =	shalt  }
0x83: {  	_ =	shalt  }
0x84: {  	_ =	shalt  }
0x85: {  	_ =	shalt  }
0x86: {  	_ =	shalt  }
0x87: {  	_ =	shalt  }
.Lfunc_end0:
.L_simem_size_0:
called_computation.1_lowered:
.L_overlay_start_0:
0x88: {  	s2 =	sld [smem:$0x3FD9]  }
0x89: {  	s3 =	sld [smem:$0x3FFE];
	_ =	sdelay $0x1  }
0x8a: {  	s1 =	srdreg.scid  }
0x8b: {  	s0 =	sand.u32 $0x1, s1  }
0x8c: {  	s17 =	sshll.u32 s0, $0xA;
	s2 =	sadd.s32 s3, s2  }
0x8d: {  	s2 =	sadd.s32 s2, s17  }
0x8e: {  	[smem:$0x3FC1] =	sst s2  }
0x8f: {  	_ = 	snop  }
0x90: {  	s18 =	sld [smem:$0x3FC7];
	(tm) =	ssettm $0x1  }
0x91: {  	s19 =	sld [smem:$0x3FFB];
	_ =	sdelay $0x3  }
0x92: {  	_ =	strace s19  }
0x93: {  	s2 =	sld [smem:$0x3FFC];
	_ =	sdelay $0x3  }
0x94: {  	_ =	strace s2  }
0x95: {  	s2 =	sld [smem:$0x3FFD];
	_ =	sdelay $0x3  }
0x96: {  	_ =	strace s2  }
0x97: {  	_ =	strace $0x8FFFFFFF  }
0x98: {  	s20 =	sld [smem:$0x3FDB];
	_ =	sdelay $0x1  }
0x99: {  	s4 =	simm.s32 $_scs_section_size  }
0x9a: {  	s5 =	simm.s32 $_size__tile_overlayer_lowered;
	s6 =	simm.s32 $_tile_overlayer_lowered  }
0x9b: {  	s7 =	simm.s32 $0x1BFF;
	s21 =	sshll.u32 s6, $0x1;
	s4 =	sadd.s32 s4, s20  }
0x9c: {  	s22 =	simm.s32 $0x0;
	s5 =	sshll.u32 s5, $0x1;
	s6 =	sadd.s32 s21, s4  }
0x9d: {  	[timem:s22], [sflag:s7] =	dma.local [hbm:s6], s5  }
0x9e: {  	_ =	swait.ge [sflag:s7], s5  }
0x9f: {  	s5 =	ssub.s32 $0x0, s5;
	[sflag:s7] =	ssyncset.done $0x0  }
0xa0: {  	[sflag:s7] =	ssyncadd.s32 s5;
	_ =	sdelay $0x1  }
0xa1: {  	s23 =	simm.s32 $0x1B8B  }
0xa2: {  	_ =	swait.ge [sflag:s23], $0x1  }
0xa3: {  	[sflag:s23] =	ssyncset.done $0x0  }
0xa4: {  	[sflag:s23] =	ssyncadd.s32 $0xFFFFFFFF  }
0xa5: {  	s5 =	sld [smem:$0x0]  }
0xa6: {  	s6 =	sand.u32 $0xFFFFFFFE, s1  }
0xa7: {  	p0 =	sne.s32 s1, s6  }
0xa8: {  	s6 =	sshll.u32 @p0 s6, $0xE  }
0xa9: {  	s6 =	sadd.s32 @p0 $0x11B8D, s6;
	s7 =	sshll.u32 @p0 s5, $0x11  }
0xaa: {  	s6 =	sor.u32 @p0 s7, s6  }
0xab: {  	[sflag:s6] =	ssyncadd.remote.s32 @p0 $0x1;
	_ =	sdelay $0x1  }
0xac: {  	s6 =	simm.s32 @p0 $0x1B8D  }
0xad: {  	_ =	swait.eq @p0 [sflag:s6], $0x1  }
0xae: {  	[sflag:s6] =	ssyncadd.s32 @p0 $0xFFFFFFFF  }
0xaf: {  	s7 =	sshll.u32 @!p0 s1, $0xE  }
0xb0: {  	s7 =	sor.u32 @!p0 $0x4000, s7;
	s6 =	simm.s32 @!p0 $0x1B8D  }
0xb1: {  	s5 =	sshll.u32 @!p0 s5, $0x11;
	s7 =	sadd.s32 @!p0 $0x11B8D, s7;
	_ =	swait.eq @!p0 [sflag:s6], $0x1  }
0xb2: {  	s5 =	sor.u32 @!p0 s5, s7;
	[sflag:s6] =	ssyncadd.s32 @!p0 $0xFFFFFFFF  }
0xb3: {  	s25 =	simm.s32 $0x1B8E;
	s24 =	sld [smem:$0x3FFE];
	[sflag:s5] =	ssyncadd.remote.s32 @!p0 $0x1  }
0xb4: {  	s26 =	simm.s32 $execute0_lowered;
	[smem:$0x3FD2] =	sst s25  }
0xb5: {  	s6 =	sshll.u32 s26, $0x1;
	_ =	strace $0x80000049;
	[dreg:$0x1] =	wrdreg $0xFFFFFFFF  }
0xb6: {  	s28 =	simm.s32 $_size_execute0_lowered;
	s4 =	sadd.s32 s4, s6;
	[dreg:$0x0] =	wrdreg $0x0  }
0xb7: {  	s6 =	sshll.u32 s28, $0x1;
	[dreg:$0x2] =	wrdreg s4  }
0xb8: {  	[dreg:$0x3] =	wrdreg s6  }
0xb9: {  	[dreg:$0x4] =	wrdreg $0xC0  }
0xba: {  	_ =	task [dreg:s22], $0x5FFFF  }
0xbb: {  	[dreg:$0x1] =	wrdreg $0xFFFFFFFF  }
0xbc: {  	[dreg:$0x0] =	wrdreg $0x60  }
0xbd: {  	[dreg:$0x2] =	wrdreg s24  }
0xbe: {  	[dreg:$0x3] =	wrdreg s18  }
0xbf: {  	[dreg:$0x4] =	wrdreg $0xA  }
0xc0: {  	_ =	task.clear_ibuf [dreg:s22], $0x5FFFF;
	_ =	strace $0x90000049  }
0xc1: {  	s29 =	simm.s32 $0xA;
	_ =	strace $0x8000004B  }
0xc2: {  	_ =	swait.ge [sflag:s29], $0x1  }
0xc3: {  	[sflag:s29] =	ssyncadd.s32 $0xFFFFFFFF  }
0xc4: {  	_ =	strace $0x9000004B  }
0xc5: {  	_ =	sfence  }
0xc6: {  	s30 =	sld [smem:$0x0];
	_ =	sdelay $0x2  }
0xc7: {  	s31 =	sshll.u32 s1, $0xD;
	s1 =	sshrl.u32 s1, $0x2  }
0xc8: {  	s4 =	sand.u32 $0x4000, s31;
	s1 =	sadd.s32 s1, s30  }
0xc9: {  	s0 =	sor.u32 s4, s0;
	s1 =	sshll.u32 s1, $0x11  }
0xca: {  	s0 =	sor.u32 s1, s0  }
0xcb: {  	s0 =	sadd.s32 $0x8F2B, s0  }
0xcc: {  	[sflag:s0] =	ssyncadd.remote.s32 $0x1  }
0xcd: {  	_ =	sfence.sel $0xFFFF  }
0xce: {  	[dreg:$0x0] =	wrdreg $0xFFFFFFFF;
	(pc) =	sbr.abs _section_cstart, $3  }
0xcf: {  	[dreg:$0x1] =	wrdreg $0xFFFFFFFF  }
0xd0: {  	_ =	task.clear_ibuf [dreg:s22], $0x2FFFF;
	_ =	strace $0x9FFFFFFF  }
0xd1: {  	(tm) =	ssettm $0x7FFFFFFF  }
tec
execute0_lowered:
.L_overlay_start_1:
0x0: {  	(tag) =	ssettag $0x1  }
0x1: {  	s1 =	srdreg.scid  }
0x2: {  	s0 =	stileid.u32;
	s22 =	sand.u32 $0x1, s1  }
0x3: {  	s1 =	sor.u32 s22, s0  }
0x4: {  	p1 =	seq.s32 s22, $0x1;
	p0 =	seq.s32 s1, $0x0  }
0x5: {  	p0 =	por !p0, !p1  }
0x6: {  	s1 =	simm.s32 $0x1;
	p0 =	por !p0, !p0  }
0x7: {  	s1 =	simm.s32 @!p0 $0x0  }
0x8: {  	s8 =	ssub.s32 s0, s1  }
0x9: {  	s1 =	sshll.u32 s8, $0xB  }
0xa: {  	s2 =	sshll.u32 s22, $0xD;
	s3 =	sshll.u32 s8, $0x7;
	s1 =	sand.u32 $0xFFFFC000, s1  }
0xb: {  	s11 =	rddreg [dreg:$0x0];
	s3 =	sand.u32 $0x380, s3;
	s1 =	sor.u32 s2, s1  }
0xc: {  	s5 =	simm.s32 $0x80;
	s6 =	simm.s32 $0x400;
	s4 =	sor.u32 s3, s1  }
0xd: {  	s2 =	rddreg [dreg:$0x1];
	s3 =	simm.s32 $0x0;
	s4 =	sshrl.u32 s4, $0x3  }
0xe: {  	s7 =	simm.s32 $0x7;
	[smem:$0x7FF] =	sst s3;
	s4 =	sadd.s32 s4, s11  }
0xf: {  	s1 =	rddreg [dreg:$0x2];
	_ =	strace $0x8000004A;
	s4 =	sadd.s32 $0x2800, s4  }
0x10: {  	[tilespmem:s3], [sflag:$0x7] =	stream.strided.gather [hbm4b:s4+s5], $0x400, s6, s5, $0x38;
	[tilespmem:$0x18400] =	vst v63  }
0x11: {  	_ =	swait.ge [sflag:s7], $0x400  }
0x12: {  	s12 =	sshll.u32 s22, $0x11;
	[sflag:s7] =	ssyncset.done $0x0  }
0x13: {  	s10 =	sshll.u32 s8, $0x12;
	s8 =	simm.s32 $0x100;
	[sflag:s7] =	ssyncadd.s32 $0xFFFFFC00  }
0x14: {  	[tilespmem:s6], [sflag:$0x1] =	stream.indirect.gather [hbm4b:s2+s8], $0x80, s3, s8, $0xb8;
	[tilespmem:$0x18400] =	vst v63  }
0x15: {  	s9 =	simm.s32 $0x1;
	s12 =	sor.u32 s12, s10;
	s10 =	simm.s32 $0x8400  }
0x16: {  	[tilespmem:s10], [sflag:$0x2] =	stream.indirect.gather [hbm4b:s2+s8], $0x80, s8, s8, $0xb8;
	[tilespmem:$0x18400] =	vst v63  }
0x17: {  	s12 =	sshrl.u32 s12, $0x3;
	_ =	swait.ge [sflag:s9], $0x8000  }
0x18: {  	s20 =	sadd.s32 s12, s11;
	[sflag:s9] =	ssyncset.done $0x0  }
0x19: {  	s12 =	simm.s32 $0x10400;
	s11 =	simm.s32 $0x200;
	[sflag:s9] =	ssyncadd.s32 $0xFFFF8000  }
0x1a: {  	[tilespmem:s12], [sflag:$0x3] =	stream.indirect.gather [hbm4b:s2+s8], $0x80, s11, s8, $0xb8;
	[tilespmem:$0x18400] =	vst v63  }
0x1b: {  	s14 =	simm.s32 $0x2;
	s13 =	sadd.s32 $0x3800, s20  }
0x1c: {  	[hbm4b:s13+s3] =	stream.linear.scatter [tilespmem:s6], [sflag:$0x4], $0x8000, $0x38;
	[tilespmem:$0x18400] =	vst v63  }
0x1d: {  	_ =	swait.ge [sflag:s14], $0x8000  }
0x1e: {  	[sflag:s14] =	ssyncset.done $0x0  }
0x1f: {  	s15 =	simm.s32 $0x4;
	[sflag:s14] =	ssyncadd.s32 $0xFFFF8000  }
0x20: {  	_ =	swait.ge [sflag:s15], $0x8000  }
0x21: {  	[sflag:s15] =	ssyncset.done $0x0  }
0x22: {  	s16 =	simm.s32 $0x300;
	[sflag:s15] =	ssyncadd.s32 $0xFFFF8000  }
0x23: {  	[tilespmem:s6], [sflag:$0x1] =	stream.indirect.gather [hbm4b:s2+s8], $0x80, s16, s8, $0xb8;
	[tilespmem:$0x18400] =	vst v63  }
0x24: {  	s18 =	simm.s32 $0x3;
	s17 =	sadd.s32 $0x4800, s20  }
0x25: {  	[hbm4b:s17+s3] =	stream.linear.scatter [tilespmem:s10], [sflag:$0x5], $0x8000, $0x38;
	[tilespmem:$0x18400] =	vst v63  }
0x26: {  	_ =	swait.ge [sflag:s18], $0x8000  }
0x27: {  	[sflag:s18] =	ssyncset.done $0x0  }
0x28: {  	s19 =	sadd.s32 $0x5800, s20;
	[sflag:s18] =	ssyncadd.s32 $0xFFFF8000  }
0x29: {  	[hbm4b:s19+s3] =	stream.linear.scatter [tilespmem:s12], [sflag:$0x6], $0x8000, $0x38;
	[tilespmem:$0x18400] =	vst v63  }
0x2a: {  	_ =	swait.ge [sflag:s9], $0x8000  }
0x2b: {  	s21 =	simm.s32 $0x5;
	s23 =	ssub.s32 $0x2, s22;
	[sflag:s9] =	ssyncset.done $0x0  }
0x2c: {  	s24 =	sshrl.u32 s23, $0x1;
	s20 =	sadd.s32 $0x6800, s20;
	[sflag:s9] =	ssyncadd.s32 $0xFFFF8000  }
0x2d: {  	[hbm4b:s20+s3] =	stream.linear.scatter [tilespmem:s6], [sflag:$0x4], $0x8000, $0x38;
	[tilespmem:$0x18400] =	vst v63  }
0x2e: {  	s23 =	ssub.s32 s23, s24;
	_ =	swait.ge [sflag:s21], $0x8000  }
0x2f: {  	s23 =	smax.u32 s23, $0x1;
	[sflag:s21] =	ssyncset.done $0x0  }
0x30: {  	s22 =	simm.s32 $0x6;
	p0 =	sne.s32 s23, $0x1;
	[sflag:s21] =	ssyncadd.s32 $0xFFFF8000  }
.Ltmp0:
0x31: {  	_ =	swait.ge [sflag:s22], $0x8000;
	(pc) =	sbr.rel @!p0 .LBB2_2-.Ltmp0, $4  }
0x32: {  	[sflag:s22] =	ssyncset.done $0x0  }
0x33: {  	[sflag:s22] =	ssyncadd.s32 $0xFFFF8000  }
0x34: {  	_ =	swait.ge [sflag:s15], $0x8000  }
0x35: {  	s23 =	sadd.s32 $0xFFFFFFFF, s23;
	[sflag:s15] =	ssyncset.done $0x0  }
.LBB2_1:
0x36: {  	p0 =	sne.s32 s23, $0x1;
	s23 =	sadd.s32 $0xFFFFFFFF, s23;
	[sflag:s15] =	ssyncadd.s32 $0xFFFF8000  }
0x37: {  	[tilespmem:s3], [sflag:$0x7] =	stream.strided.gather [hbm4b:s4+s5], $0x400, s6, s5, $0x38;
	[tilespmem:$0x18400] =	vst v63  }
0x38: {  	_ =	swait.ge [sflag:s7], $0x400  }
0x39: {  	[sflag:s7] =	ssyncset.done $0x0  }
0x3a: {  	[sflag:s7] =	ssyncadd.s32 $0xFFFFFC00  }
0x3b: {  	[tilespmem:s6], [sflag:$0x1] =	stream.indirect.gather [hbm4b:s2+s8], $0x80, s3, s8, $0xb8;
	[tilespmem:$0x18400] =	vst v63  }
0x3c: {  	_ = 	snop  }
0x3d: {  	[tilespmem:s10], [sflag:$0x2] =	stream.indirect.gather [hbm4b:s2+s8], $0x80, s8, s8, $0xb8;
	[tilespmem:$0x18400] =	vst v63  }
0x3e: {  	_ =	swait.ge [sflag:s9], $0x8000  }
0x3f: {  	[sflag:s9] =	ssyncset.done $0x0  }
0x40: {  	[sflag:s9] =	ssyncadd.s32 $0xFFFF8000  }
0x41: {  	[tilespmem:s12], [sflag:$0x3] =	stream.indirect.gather [hbm4b:s2+s8], $0x80, s11, s8, $0xb8;
	[tilespmem:$0x18400] =	vst v63  }
0x42: {  	_ = 	snop  }
0x43: {  	[hbm4b:s13+s3] =	stream.linear.scatter [tilespmem:s6], [sflag:$0x4], $0x8000, $0x38;
	[tilespmem:$0x18400] =	vst v63  }
0x44: {  	_ =	swait.ge [sflag:s14], $0x8000  }
0x45: {  	[sflag:s14] =	ssyncset.done $0x0  }
0x46: {  	[sflag:s14] =	ssyncadd.s32 $0xFFFF8000  }
0x47: {  	_ =	swait.ge [sflag:s15], $0x8000  }
0x48: {  	[sflag:s15] =	ssyncset.done $0x0  }
0x49: {  	[sflag:s15] =	ssyncadd.s32 $0xFFFF8000  }
0x4a: {  	[tilespmem:s6], [sflag:$0x1] =	stream.indirect.gather [hbm4b:s2+s8], $0x80, s16, s8, $0xb8;
	[tilespmem:$0x18400] =	vst v63  }
0x4b: {  	_ = 	snop  }
0x4c: {  	[hbm4b:s17+s3] =	stream.linear.scatter [tilespmem:s10], [sflag:$0x5], $0x8000, $0x38;
	[tilespmem:$0x18400] =	vst v63  }
0x4d: {  	_ =	swait.ge [sflag:s18], $0x8000  }
0x4e: {  	[sflag:s18] =	ssyncset.done $0x0  }
0x4f: {  	[sflag:s18] =	ssyncadd.s32 $0xFFFF8000  }
0x50: {  	[hbm4b:s19+s3] =	stream.linear.scatter [tilespmem:s12], [sflag:$0x6], $0x8000, $0x38;
	[tilespmem:$0x18400] =	vst v63  }
0x51: {  	_ =	swait.ge [sflag:s9], $0x8000  }
0x52: {  	[sflag:s9] =	ssyncset.done $0x0  }
0x53: {  	[sflag:s9] =	ssyncadd.s32 $0xFFFF8000  }
0x54: {  	[hbm4b:s20+s3] =	stream.linear.scatter [tilespmem:s6], [sflag:$0x4], $0x8000, $0x38;
	[tilespmem:$0x18400] =	vst v63  }
0x55: {  	_ =	swait.ge [sflag:s21], $0x8000  }
0x56: {  	[sflag:s21] =	ssyncset.done $0x0  }
0x57: {  	[sflag:s21] =	ssyncadd.s32 $0xFFFF8000  }
.Ltmp1:
0x58: {  	_ =	swait.ge [sflag:s22], $0x8000;
	(pc) =	sbr.rel @p0 .LBB2_1-.Ltmp1, $4  }
0x59: {  	[sflag:s22] =	ssyncset.done $0x0  }
0x5a: {  	[sflag:s22] =	ssyncadd.s32 $0xFFFF8000  }
0x5b: {  	_ =	swait.ge [sflag:s15], $0x8000  }
0x5c: {  	[sflag:s15] =	ssyncset.done $0x0  }
.LBB2_2:
0x5d: {  	[sflag:s15] =	ssyncadd.s32 $0xFFFF8000  }
0x5e: {  	_ =	sfence.sel $0x180000  }
0x5f: {  	[bflag:$0x0] =	sbarrier.arrive $0xFFFF  }
0x60: {  	p0 =	sne.s32 s0, $0x0;
	_ =	strace $0x9000004A  }
0x61: {  	s0 =	sadd.s32 @!p0 $0x100000, s1;
	[bflag:$0x2] =	sbarrier.arrive $0xFFFF  }
0x62: {  	[sflag:s0] =	ssyncadd.tile.s32 @!p0 $0x1;
	_ =	shalt  }
.Lfunc_end2:
_tile_overlayer_lowered:
.L_overlay_start_2:
0x63: {  	(tag) =	ssettag $0x2  }
0x64: {  	s0 =	rddreg [dreg:$0x0];
	s2 =	stileid.u32  }
0x65: {  	s1 =	rddreg [dreg:$0x1];
	p0 =	sne.s32 s2, $0x0  }
0x66: {  	s3 =	rddreg [dreg:$0x2];
	[bflag:$0x3] =	sbarrier.arrive $0xFFFF;
	s2 =	simm.s32 @!p0 $0x1C07  }
0x67: {  	[timem:s3], [sflag:s2] =	dma.local @!p0 [hbm:s0], s1  }
0x68: {  	s0 =	simm.s32 @!p0 $0x7  }
0x69: {  	_ =	swait.ge @!p0 [sflag:s0], s1  }
0x6a: {  	s1 =	ssub.s32 @!p0 $0x0, s1;
	[sflag:s0] =	ssyncset.done @!p0 $0x0  }
0x6b: {  	[sflag:s0] =	ssyncadd.s32 @!p0 s1  }
0x6c: {  	[bflag:$0x3] =	sbarrier.arrive $0xFFFF  }
0x6d: {  	_ =	shalt  }

</sc_bundles>
